<compile_context>
chip_gen: v7x
topology: tpu7x:2x2x1
jax: 0.10.2.dev20260603
libtpu: 0.0.44.dev20260713+nightly
codegen_flags: <defaults>
</compile_context>

<pallas_src>
import functools

import jax
import jax.numpy as jnp
from jax import lax
from jax.experimental import pallas as pl
from jax.experimental.pallas import tpu as pltpu
from jax.experimental.pallas import tpu_sc as plsc

NLABELS = 100000
EMBED_DIM = 128
BATCH = 4096

_L = 16
_NW = 32
_BPW = BATCH // _NW
_CHUNKS = EMBED_DIM // _L
_CHUNK_ROWS = (32, 48, 40, 8)
_CHUNK_OFF = (0, 32, 80, 120)
_NCH = len(_CHUNK_ROWS)
_UNROLL = 4

_GDN = lax.GatherDimensionNumbers(
    offset_dims=(), collapsed_slice_dims=(0,), start_index_map=(0,)
)


def _permute(v, idx):
    return lax.gather(
        v,
        idx[:, None],
        dimension_numbers=_GDN,
        slice_sizes=(1,),
        mode=lax.GatherScatterMode.PROMISE_IN_BOUNDS,
    )


def _lane_sum(v):
    lanes = lax.iota(jnp.int32, _L)
    for sh in (8, 4, 2, 1):
        v = v + _permute(v, lanes ^ sh)
    return v


def _rsqrt(s):
    i = plsc.bitcast(s, jnp.int32)
    i = jnp.int32(0x5F3759DF) - (i >> 1)
    y = plsc.bitcast(i, jnp.float32)
    return y * (1.5 - (s * 0.5) * y * y)


def _normalize_row(rows_v, r):
    chunks = [rows_v[r, pl.ds(c * _L, _L)] for c in range(_CHUNKS)]
    acc = chunks[0] * chunks[0]
    for c in range(1, _CHUNKS):
        acc = acc + chunks[c] * chunks[c]
    scale = _rsqrt(_lane_sum(acc))
    for c in range(_CHUNKS):
        rows_v[r, pl.ds(c * _L, _L)] = chunks[c] * scale


def _body(y_hbm, table_hbm, out_hbm, idx_v, rows_v, gsems, osems):
    wid = lax.axis_index("s") * 2 + lax.axis_index("c")
    base = wid * _BPW
    n0 = _CHUNK_ROWS[0]
    pltpu.sync_copy(y_hbm.at[pl.ds(base, n0)], idx_v.at[pl.ds(0, n0)])
    gathers = [
        pltpu.async_copy(
            table_hbm.at[idx_v.at[pl.ds(0, n0)]],
            rows_v.at[pl.ds(0, n0)],
            gsems.at[0],
        )
    ]
    pltpu.sync_copy(
        y_hbm.at[pl.ds(base + n0, _BPW - n0)], idx_v.at[pl.ds(n0, _BPW - n0)]
    )
    gathers += [
        pltpu.async_copy(
            table_hbm.at[idx_v.at[pl.ds(_CHUNK_OFF[ch], _CHUNK_ROWS[ch])]],
            rows_v.at[pl.ds(_CHUNK_OFF[ch], _CHUNK_ROWS[ch])],
            gsems.at[ch],
        )
        for ch in range(1, _NCH)
    ]
    writes = []
    for ch in range(_NCH):
        gathers[ch].wait()
        off = _CHUNK_OFF[ch]

        def group(i, _, off=off):
            for k in range(_UNROLL):
                _normalize_row(rows_v, off + i * _UNROLL + k)
            return _

        lax.fori_loop(0, _CHUNK_ROWS[ch] // _UNROLL, group, None)
        writes.append(
            pltpu.async_copy(
                rows_v.at[pl.ds(off, _CHUNK_ROWS[ch])],
                out_hbm.at[pl.ds(base + off, _CHUNK_ROWS[ch])],
                osems.at[ch],
            )
        )
    for w in writes:
        w.wait()


@jax.jit
def kernel(y, table):
    mesh = plsc.VectorSubcoreMesh(core_axis_name="c", subcore_axis_name="s")
    f = functools.partial(
        pl.kernel,
        mesh=mesh,
        out_type=jax.ShapeDtypeStruct((BATCH, EMBED_DIM), jnp.float32),
        scratch_types=[
            pltpu.VMEM((_BPW,), jnp.int32),
            pltpu.VMEM((_BPW, EMBED_DIM), jnp.float32),
            pltpu.SemaphoreType.DMA((_NCH,)),
            pltpu.SemaphoreType.DMA((_NCH,)),
        ],
        compiler_params=pltpu.CompilerParams(needs_layout_passes=False),
    )(_body)
    return f(y.astype(jnp.int32), table)

# --- scband reference (transcript-rebuilt; emitter-appended) ---
"""Pipeline reference for scband-latent-embedding-59889023976235 (READ-ONLY COPY).

The authoritative reference and input builder live on the scoring server;
editing this copy changes nothing except your own understanding.
"""

import jax, jax.numpy as jnp
import numpy as np

NLABELS = 100000
EMBED_DIM = 128
BATCH = 4096


def setup_inputs(seed: int = 0) -> dict:
    key = jax.random.key(seed)
    k_idx, k_tab = jax.random.split(key)
    y = jax.random.randint(k_idx, (BATCH,), 0, NLABELS, dtype=jnp.int64 if jax.config.jax_enable_x64 else jnp.int32)
    table = jax.random.normal(k_tab, (NLABELS, EMBED_DIM), dtype=jnp.float32)
    return {"y": y, "table": table}


def reference(y, table):
    # embedding lookup (gather)
    yembed = jnp.take(table, y, axis=0)
    # project onto hypersphere: divide by L2 norm along dim 1 (keepdim)
    norm = jnp.linalg.norm(yembed, ord=2, axis=1, keepdims=True)
    yembed = yembed / norm
    return yembed

if __name__ == "__main__":
    import jax
    _d = setup_inputs()
    print(jax.jit(kernel)(*tuple(_d.values())))

</pallas_src>

<mosaic_0001>
#map = affine_map<(d0, d1) -> (0)>
#map1 = affine_map<(d0, d1) -> (0, 0)>
module attributes {stable_mosaic.version = 14 : i64} {
  func.func @_body(%arg0: i32, %arg1: i32, %arg2: memref<4096xi32, #tpu.memory_space<hbm>>, %arg3: memref<100000x128xf32, #tpu.memory_space<hbm>>, %arg4: memref<4096x128xf32, #tpu.memory_space<hbm>>, %arg5: memref<128xi32, #tpu.memory_space<vmem>>, %arg6: memref<128x128xf32, #tpu.memory_space<vmem>>, %arg7: memref<4x!tpu.dma_semaphore, #tpu.memory_space<semaphore_mem>>, %arg8: memref<4x!tpu.dma_semaphore, #tpu.memory_space<semaphore_mem>>) attributes {dimension_semantics = [#tpu.dimension_semantics<core_parallel>, #tpu.dimension_semantics<subcore_parallel>], iteration_bounds = array<i64: 2, 16>, scalar_prefetch = 0 : i64, scratch_operands = 4 : i64, tpu.core_type = #tpu.core_type<sc_vector_subcore>, window_params = [{transform_indices = #map}, {transform_indices = #map1}, {transform_indices = #map1}]} {
    %mul3A = arith.constant 2 : i32
    %mul3A_0 = arith.muli %arg1, %mul3A : i32
    %add3A = arith.addi %mul3A_0, %arg0 : i32
    %mul3A_1 = arith.constant 128 : i32
    %mul3A_2 = arith.muli %add3A, %mul3A_1 : i32
    "tpu.region"() ({
      %run_scoped3A = tpu.sem_alloc : memref<!tpu.dma_semaphore, #tpu.memory_space<semaphore_mem>>
      %dma_start3A_222 = arith.constant 0 : i32
      %dma_start3A_223 = tpu.memref_slice %arg5[%dma_start3A_222] : memref<128xi32, #tpu.memory_space<vmem>> -> memref<32xi32, #tpu.memory_space<vmem>>
      %dma_start3A_224 = tpu.memref_slice %arg2[%mul3A_2] : memref<4096xi32, #tpu.memory_space<hbm>> -> memref<32xi32, #tpu.memory_space<hbm>>
      %dma_start3A_225 = arith.constant 0 : i32
      %dma_start3A_226 = tpu.memref_slice %arg5[%dma_start3A_225] : memref<128xi32, #tpu.memory_space<vmem>> -> memref<32xi32, #tpu.memory_space<vmem>>
      %dma_start3A_227 = tpu.memref_slice %arg2[%mul3A_2] : memref<4096xi32, #tpu.memory_space<hbm>> -> memref<32xi32, #tpu.memory_space<hbm>>
      tpu.enqueue_dma source(%dma_start3A_227 : memref<32xi32, #tpu.memory_space<hbm>>) target(%dma_start3A_226 : memref<32xi32, #tpu.memory_space<vmem>>) target_semaphore(%run_scoped3A : memref<!tpu.dma_semaphore, #tpu.memory_space<semaphore_mem>>)
      %dma_wait3A_228 = arith.constant 0 : i32
      %dma_wait3A_229 = tpu.memref_slice %arg5[%dma_wait3A_228] : memref<128xi32, #tpu.memory_space<vmem>> -> memref<32xi32, #tpu.memory_space<vmem>>
      %dma_wait3A_230 = tpu.memref_slice %arg2[%mul3A_2] : memref<4096xi32, #tpu.memory_space<hbm>> -> memref<32xi32, #tpu.memory_space<hbm>>
      %dma_wait3A_231 = arith.constant 0 : i32
      %dma_wait3A_232 = tpu.memref_slice %arg5[%dma_wait3A_231] : memref<128xi32, #tpu.memory_space<vmem>> -> memref<32xi32, #tpu.memory_space<vmem>>
      %dma_wait3A_233 = tpu.memref_slice %arg2[%mul3A_2] : memref<4096xi32, #tpu.memory_space<hbm>> -> memref<32xi32, #tpu.memory_space<hbm>>
      tpu.wait_dma2 semaphore(%run_scoped3A : memref<!tpu.dma_semaphore, #tpu.memory_space<semaphore_mem>>) src(%dma_wait3A_233 : memref<32xi32, #tpu.memory_space<hbm>>) dst(%dma_wait3A_232 : memref<32xi32, #tpu.memory_space<vmem>>)
      tpu.yield
    }) : () -> ()
    %dma_start3A = arith.constant 0 : i32
    %dma_start3A_3 = arith.constant 0 : i32
    %dma_start3A_4 = arith.constant 0 : i32
    %dma_start3A_5 = tpu.memref_slice %arg6[%dma_start3A_3, %dma_start3A_4] : memref<128x128xf32, #tpu.memory_space<vmem>> -> memref<32x128xf32, #tpu.memory_space<vmem>>
    %dma_start3A_6 = arith.constant 0 : i32
    %dma_start3A_7 = tpu.memref_slice %arg5[%dma_start3A_6] : memref<128xi32, #tpu.memory_space<vmem>> -> memref<32xi32, #tpu.memory_space<vmem>>
    %dma_start3A_8 = arith.constant 0 : i32
    %dma_start3A_9 = arith.constant 0 : i32
    %dma_start3A_10 = tpu.memref_slice %arg3[%dma_start3A_8, %dma_start3A_9] : memref<100000x128xf32, #tpu.memory_space<hbm>> -> memref<100000x128xf32, #tpu.memory_space<hbm>>
    %dma_start3A_11 = tpu.memref_slice %arg7[%dma_start3A] : memref<4x!tpu.dma_semaphore, #tpu.memory_space<semaphore_mem>> -> memref<1x!tpu.dma_semaphore, #tpu.memory_space<semaphore_mem>>
    %dma_start3A_12 = tpu.memref_squeeze %dma_start3A_11 : memref<1x!tpu.dma_semaphore, #tpu.memory_space<semaphore_mem>> -> memref<!tpu.dma_semaphore, #tpu.memory_space<semaphore_mem>>
    tpu.enqueue_indirect_dma source(%dma_start3A_10 : memref<100000x128xf32, #tpu.memory_space<hbm>>) target(%dma_start3A_5 : memref<32x128xf32, #tpu.memory_space<vmem>>) offsets(%dma_start3A_7 : memref<32xi32, #tpu.memory_space<vmem>>) semaphore(%dma_start3A_12 : memref<!tpu.dma_semaphore, #tpu.memory_space<semaphore_mem>>)
    %add3A_13 = arith.constant 32 : i32
    %add3A_14 = arith.addi %mul3A_2, %add3A_13 : i32
    "tpu.region"() ({
      %run_scoped3A = tpu.sem_alloc : memref<!tpu.dma_semaphore, #tpu.memory_space<semaphore_mem>>
      %dma_start3A_222 = arith.constant 32 : i32
      %dma_start3A_223 = tpu.memref_slice %arg5[%dma_start3A_222] : memref<128xi32, #tpu.memory_space<vmem>> -> memref<96xi32, #tpu.memory_space<vmem>>
      %dma_start3A_224 = tpu.memref_slice %arg2[%add3A_14] : memref<4096xi32, #tpu.memory_space<hbm>> -> memref<96xi32, #tpu.memory_space<hbm>>
      %dma_start3A_225 = arith.constant 32 : i32
      %dma_start3A_226 = tpu.memref_slice %arg5[%dma_start3A_225] : memref<128xi32, #tpu.memory_space<vmem>> -> memref<96xi32, #tpu.memory_space<vmem>>
      %dma_start3A_227 = tpu.memref_slice %arg2[%add3A_14] : memref<4096xi32, #tpu.memory_space<hbm>> -> memref<96xi32, #tpu.memory_space<hbm>>
      tpu.enqueue_dma source(%dma_start3A_227 : memref<96xi32, #tpu.memory_space<hbm>>) target(%dma_start3A_226 : memref<96xi32, #tpu.memory_space<vmem>>) target_semaphore(%run_scoped3A : memref<!tpu.dma_semaphore, #tpu.memory_space<semaphore_mem>>)
      %dma_wait3A_228 = arith.constant 32 : i32
      %dma_wait3A_229 = tpu.memref_slice %arg5[%dma_wait3A_228] : memref<128xi32, #tpu.memory_space<vmem>> -> memref<96xi32, #tpu.memory_space<vmem>>
      %dma_wait3A_230 = tpu.memref_slice %arg2[%add3A_14] : memref<4096xi32, #tpu.memory_space<hbm>> -> memref<96xi32, #tpu.memory_space<hbm>>
      %dma_wait3A_231 = arith.constant 32 : i32
      %dma_wait3A_232 = tpu.memref_slice %arg5[%dma_wait3A_231] : memref<128xi32, #tpu.memory_space<vmem>> -> memref<96xi32, #tpu.memory_space<vmem>>
      %dma_wait3A_233 = tpu.memref_slice %arg2[%add3A_14] : memref<4096xi32, #tpu.memory_space<hbm>> -> memref<96xi32, #tpu.memory_space<hbm>>
      tpu.wait_dma2 semaphore(%run_scoped3A : memref<!tpu.dma_semaphore, #tpu.memory_space<semaphore_mem>>) src(%dma_wait3A_233 : memref<96xi32, #tpu.memory_space<hbm>>) dst(%dma_wait3A_232 : memref<96xi32, #tpu.memory_space<vmem>>)
      tpu.yield
    }) : () -> ()
    %dma_start3A_15 = arith.constant 1 : i32
    %dma_start3A_16 = arith.constant 32 : i32
    %dma_start3A_17 = arith.constant 0 : i32
    %dma_start3A_18 = tpu.memref_slice %arg6[%dma_start3A_16, %dma_start3A_17] : memref<128x128xf32, #tpu.memory_space<vmem>> -> memref<48x128xf32, #tpu.memory_space<vmem>>
    %dma_start3A_19 = arith.constant 32 : i32
    %dma_start3A_20 = tpu.memref_slice %arg5[%dma_start3A_19] : memref<128xi32, #tpu.memory_space<vmem>> -> memref<48xi32, #tpu.memory_space<vmem>>
    %dma_start3A_21 = arith.constant 0 : i32
    %dma_start3A_22 = arith.constant 0 : i32
    %dma_start3A_23 = tpu.memref_slice %arg3[%dma_start3A_21, %dma_start3A_22] : memref<100000x128xf32, #tpu.memory_space<hbm>> -> memref<100000x128xf32, #tpu.memory_space<hbm>>
    %dma_start3A_24 = tpu.memref_slice %arg7[%dma_start3A_15] : memref<4x!tpu.dma_semaphore, #tpu.memory_space<semaphore_mem>> -> memref<1x!tpu.dma_semaphore, #tpu.memory_space<semaphore_mem>>
    %dma_start3A_25 = tpu.memref_squeeze %dma_start3A_24 : memref<1x!tpu.dma_semaphore, #tpu.memory_space<semaphore_mem>> -> memref<!tpu.dma_semaphore, #tpu.memory_space<semaphore_mem>>
    tpu.enqueue_indirect_dma source(%dma_start3A_23 : memref<100000x128xf32, #tpu.memory_space<hbm>>) target(%dma_start3A_18 : memref<48x128xf32, #tpu.memory_space<vmem>>) offsets(%dma_start3A_20 : memref<48xi32, #tpu.memory_space<vmem>>) semaphore(%dma_start3A_25 : memref<!tpu.dma_semaphore, #tpu.memory_space<semaphore_mem>>)
    %dma_start3A_26 = arith.constant 2 : i32
    %dma_start3A_27 = arith.constant 80 : i32
    %dma_start3A_28 = arith.constant 0 : i32
    %dma_start3A_29 = tpu.memref_slice %arg6[%dma_start3A_27, %dma_start3A_28] : memref<128x128xf32, #tpu.memory_space<vmem>> -> memref<40x128xf32, #tpu.memory_space<vmem>>
    %dma_start3A_30 = arith.constant 80 : i32
    %dma_start3A_31 = tpu.memref_slice %arg5[%dma_start3A_30] : memref<128xi32, #tpu.memory_space<vmem>> -> memref<40xi32, #tpu.memory_space<vmem>>
    %dma_start3A_32 = arith.constant 0 : i32
    %dma_start3A_33 = arith.constant 0 : i32
    %dma_start3A_34 = tpu.memref_slice %arg3[%dma_start3A_32, %dma_start3A_33] : memref<100000x128xf32, #tpu.memory_space<hbm>> -> memref<100000x128xf32, #tpu.memory_space<hbm>>
    %dma_start3A_35 = tpu.memref_slice %arg7[%dma_start3A_26] : memref<4x!tpu.dma_semaphore, #tpu.memory_space<semaphore_mem>> -> memref<1x!tpu.dma_semaphore, #tpu.memory_space<semaphore_mem>>
    %dma_start3A_36 = tpu.memref_squeeze %dma_start3A_35 : memref<1x!tpu.dma_semaphore, #tpu.memory_space<semaphore_mem>> -> memref<!tpu.dma_semaphore, #tpu.memory_space<semaphore_mem>>
    tpu.enqueue_indirect_dma source(%dma_start3A_34 : memref<100000x128xf32, #tpu.memory_space<hbm>>) target(%dma_start3A_29 : memref<40x128xf32, #tpu.memory_space<vmem>>) offsets(%dma_start3A_31 : memref<40xi32, #tpu.memory_space<vmem>>) semaphore(%dma_start3A_36 : memref<!tpu.dma_semaphore, #tpu.memory_space<semaphore_mem>>)
    %dma_start3A_37 = arith.constant 3 : i32
    %dma_start3A_38 = arith.constant 120 : i32
    %dma_start3A_39 = arith.constant 0 : i32
    %dma_start3A_40 = tpu.memref_slice %arg6[%dma_start3A_38, %dma_start3A_39] : memref<128x128xf32, #tpu.memory_space<vmem>> -> memref<8x128xf32, #tpu.memory_space<vmem>>
    %dma_start3A_41 = arith.constant 120 : i32
    %dma_start3A_42 = tpu.memref_slice %arg5[%dma_start3A_41] : memref<128xi32, #tpu.memory_space<vmem>> -> memref<8xi32, #tpu.memory_space<vmem>>
    %dma_start3A_43 = arith.constant 0 : i32
    %dma_start3A_44 = arith.constant 0 : i32
    %dma_start3A_45 = tpu.memref_slice %arg3[%dma_start3A_43, %dma_start3A_44] : memref<100000x128xf32, #tpu.memory_space<hbm>> -> memref<100000x128xf32, #tpu.memory_space<hbm>>
    %dma_start3A_46 = tpu.memref_slice %arg7[%dma_start3A_37] : memref<4x!tpu.dma_semaphore, #tpu.memory_space<semaphore_mem>> -> memref<1x!tpu.dma_semaphore, #tpu.memory_space<semaphore_mem>>
    %dma_start3A_47 = tpu.memref_squeeze %dma_start3A_46 : memref<1x!tpu.dma_semaphore, #tpu.memory_space<semaphore_mem>> -> memref<!tpu.dma_semaphore, #tpu.memory_space<semaphore_mem>>
    tpu.enqueue_indirect_dma source(%dma_start3A_45 : memref<100000x128xf32, #tpu.memory_space<hbm>>) target(%dma_start3A_40 : memref<8x128xf32, #tpu.memory_space<vmem>>) offsets(%dma_start3A_42 : memref<8xi32, #tpu.memory_space<vmem>>) semaphore(%dma_start3A_47 : memref<!tpu.dma_semaphore, #tpu.memory_space<semaphore_mem>>)
    %dma_wait3A = arith.constant 0 : i32
    %dma_wait3A_48 = arith.constant 0 : i32
    %dma_wait3A_49 = arith.constant 0 : i32
    %dma_wait3A_50 = tpu.memref_slice %arg6[%dma_wait3A_48, %dma_wait3A_49] : memref<128x128xf32, #tpu.memory_space<vmem>> -> memref<32x128xf32, #tpu.memory_space<vmem>>
    %dma_wait3A_51 = arith.constant 0 : i32
    %dma_wait3A_52 = tpu.memref_slice %arg5[%dma_wait3A_51] : memref<128xi32, #tpu.memory_space<vmem>> -> memref<32xi32, #tpu.memory_space<vmem>>
    %dma_wait3A_53 = arith.constant 0 : i32
    %dma_wait3A_54 = arith.constant 0 : i32
    %dma_wait3A_55 = tpu.memref_slice %arg3[%dma_wait3A_53, %dma_wait3A_54] : memref<100000x128xf32, #tpu.memory_space<hbm>> -> memref<100000x128xf32, #tpu.memory_space<hbm>>
    %dma_wait3A_56 = tpu.memref_slice %arg7[%dma_wait3A] : memref<4x!tpu.dma_semaphore, #tpu.memory_space<semaphore_mem>> -> memref<1x!tpu.dma_semaphore, #tpu.memory_space<semaphore_mem>>
    %dma_wait3A_57 = tpu.memref_squeeze %dma_wait3A_56 : memref<1x!tpu.dma_semaphore, #tpu.memory_space<semaphore_mem>> -> memref<!tpu.dma_semaphore, #tpu.memory_space<semaphore_mem>>
    tpu.wait_indirect_dma semaphore(%dma_wait3A_57 : memref<!tpu.dma_semaphore, #tpu.memory_space<semaphore_mem>>) src(%dma_wait3A_55 : memref<100000x128xf32, #tpu.memory_space<hbm>>) dst(%dma_wait3A_50 : memref<32x128xf32, #tpu.memory_space<vmem>>)
    %scan3A = arith.constant 0 : i32
    %scan3A_58 = arith.constant 8 : i32
    %scan3A_59 = arith.addi %scan3A, %scan3A_58 : i32
    %scan3A_60 = arith.constant 1 : i32
    scf.for %scan3A_222 = %scan3A to %scan3A_59 step %scan3A_60  : i32 {
      %mul3A_223 = arith.constant 4 : i32
      %mul3A_224 = arith.muli %scan3A_222, %mul3A_223 : i32
      %add3A_225 = arith.constant 0 : i32
      %add3A_226 = arith.addi %add3A_225, %mul3A_224 : i32
      %add3A_227 = arith.constant 0 : i32
      %add3A_228 = arith.addi %add3A_226, %add3A_227 : i32
      %get3A = arith.index_cast %add3A_228 : i32 to index
      %get3A_229 = arith.constant 0 : index
      %get3A_230 = tpu.vector_load %arg6[%get3A, %get3A_229] {strides = array<i32>} : memref<128x128xf32, #tpu.memory_space<vmem>>, vector<16xf32>,
      %get3A_231 = arith.index_cast %add3A_228 : i32 to index
      %get3A_232 = arith.constant 16 : index
      %get3A_233 = tpu.vector_load %arg6[%get3A_231, %get3A_232] {strides = array<i32>} : memref<128x128xf32, #tpu.memory_space<vmem>>, vector<16xf32>,
      %get3A_234 = arith.index_cast %add3A_228 : i32 to index
      %get3A_235 = arith.constant 32 : index
      %get3A_236 = tpu.vector_load %arg6[%get3A_234, %get3A_235] {strides = array<i32>} : memref<128x128xf32, #tpu.memory_space<vmem>>, vector<16xf32>,
      %get3A_237 = arith.index_cast %add3A_228 : i32 to index
      %get3A_238 = arith.constant 48 : index
      %get3A_239 = tpu.vector_load %arg6[%get3A_237, %get3A_238] {strides = array<i32>} : memref<128x128xf32, #tpu.memory_space<vmem>>, vector<16xf32>,
      %get3A_240 = arith.index_cast %add3A_228 : i32 to index
      %get3A_241 = arith.constant 64 : index
      %get3A_242 = tpu.vector_load %arg6[%get3A_240, %get3A_241] {strides = array<i32>} : memref<128x128xf32, #tpu.memory_space<vmem>>, vector<16xf32>,
      %get3A_243 = arith.index_cast %add3A_228 : i32 to index
      %get3A_244 = arith.constant 80 : index
      %get3A_245 = tpu.vector_load %arg6[%get3A_243, %get3A_244] {strides = array<i32>} : memref<128x128xf32, #tpu.memory_space<vmem>>, vector<16xf32>,
      %get3A_246 = arith.index_cast %add3A_228 : i32 to index
      %get3A_247 = arith.constant 96 : index
      %get3A_248 = tpu.vector_load %arg6[%get3A_246, %get3A_247] {strides = array<i32>} : memref<128x128xf32, #tpu.memory_space<vmem>>, vector<16xf32>,
      %get3A_249 = arith.index_cast %add3A_228 : i32 to index
      %get3A_250 = arith.constant 112 : index
      %get3A_251 = tpu.vector_load %arg6[%get3A_249, %get3A_250] {strides = array<i32>} : memref<128x128xf32, #tpu.memory_space<vmem>>, vector<16xf32>,
      %mul3A_252 = arith.mulf %get3A_230, %get3A_230 : vector<16xf32>
      %mul3A_253 = arith.mulf %get3A_233, %get3A_233 : vector<16xf32>
      %add3A_254 = arith.addf %mul3A_252, %mul3A_253 : vector<16xf32>
      %mul3A_255 = arith.mulf %get3A_236, %get3A_236 : vector<16xf32>
      %add3A_256 = arith.addf %add3A_254, %mul3A_255 : vector<16xf32>
      %mul3A_257 = arith.mulf %get3A_239, %get3A_239 : vector<16xf32>
      %add3A_258 = arith.addf %add3A_256, %mul3A_257 : vector<16xf32>
      %mul3A_259 = arith.mulf %get3A_242, %get3A_242 : vector<16xf32>
      %add3A_260 = arith.addf %add3A_258, %mul3A_259 : vector<16xf32>
      %mul3A_261 = arith.mulf %get3A_245, %get3A_245 : vector<16xf32>
      %add3A_262 = arith.addf %add3A_260, %mul3A_261 : vector<16xf32>
      %mul3A_263 = arith.mulf %get3A_248, %get3A_248 : vector<16xf32>
      %add3A_264 = arith.addf %add3A_262, %mul3A_263 : vector<16xf32>
      %mul3A_265 = arith.mulf %get3A_251, %get3A_251 : vector<16xf32>
      %add3A_266 = arith.addf %add3A_264, %mul3A_265 : vector<16xf32>
      %iota3A = tpu.iota {dimensions = array<i32: 0>} : vector<16xi32>
      %xor3A = arith.constant 8 : i32
      %xor3A_267 = vector.broadcast %xor3A : i32 to vector<16xi32>
      %xor3A_268 = arith.xori %iota3A, %xor3A_267 : vector<16xi32>
      %broadcast_in_dim3A = vector.shape_cast %xor3A_268 : vector<16xi32> to vector<16x1xi32>
      %gather3A = vector.shape_cast %broadcast_in_dim3A : vector<16x1xi32> to vector<16xi32>
      %gather3A_269 = tpu.dynamic_gather %add3A_266[%gather3A] in [0] : vector<16xf32>, vector<16xi32> -> vector<16xf32>
      %add3A_270 = arith.addf %add3A_266, %gather3A_269 : vector<16xf32>
      %xor3A_271 = arith.constant 4 : i32
      %xor3A_272 = vector.broadcast %xor3A_271 : i32 to vector<16xi32>
      %xor3A_273 = arith.xori %iota3A, %xor3A_272 : vector<16xi32>
      %broadcast_in_dim3A_274 = vector.shape_cast %xor3A_273 : vector<16xi32> to vector<16x1xi32>
      %gather3A_275 = vector.shape_cast %broadcast_in_dim3A_274 : vector<16x1xi32> to vector<16xi32>
      %gather3A_276 = tpu.dynamic_gather %add3A_270[%gather3A_275] in [0] : vector<16xf32>, vector<16xi32> -> vector<16xf32>
      %add3A_277 = arith.addf %add3A_270, %gather3A_276 : vector<16xf32>
      %xor3A_278 = arith.constant 2 : i32
      %xor3A_279 = vector.broadcast %xor3A_278 : i32 to vector<16xi32>
      %xor3A_280 = arith.xori %iota3A, %xor3A_279 : vector<16xi32>
      %broadcast_in_dim3A_281 = vector.shape_cast %xor3A_280 : vector<16xi32> to vector<16x1xi32>
      %gather3A_282 = vector.shape_cast %broadcast_in_dim3A_281 : vector<16x1xi32> to vector<16xi32>
      %gather3A_283 = tpu.dynamic_gather %add3A_277[%gather3A_282] in [0] : vector<16xf32>, vector<16xi32> -> vector<16xf32>
      %add3A_284 = arith.addf %add3A_277, %gather3A_283 : vector<16xf32>
      %xor3A_285 = arith.constant 1 : i32
      %xor3A_286 = vector.broadcast %xor3A_285 : i32 to vector<16xi32>
      %xor3A_287 = arith.xori %iota3A, %xor3A_286 : vector<16xi32>
      %broadcast_in_dim3A_288 = vector.shape_cast %xor3A_287 : vector<16xi32> to vector<16x1xi32>
      %gather3A_289 = vector.shape_cast %broadcast_in_dim3A_288 : vector<16x1xi32> to vector<16xi32>
      %gather3A_290 = tpu.dynamic_gather %add3A_284[%gather3A_289] in [0] : vector<16xf32>, vector<16xi32> -> vector<16xf32>
      %add3A_291 = arith.addf %add3A_284, %gather3A_290 : vector<16xf32>
      %bitcast3A = vector.bitcast %add3A_291 : vector<16xf32> to vector<16xi32>
      %shift_right_arithmetic3A = arith.constant 1 : i32
      %shift_right_arithmetic3A_292 = vector.broadcast %shift_right_arithmetic3A : i32 to vector<16xi32>
      %shift_right_arithmetic3A_293 = arith.shrsi %bitcast3A, %shift_right_arithmetic3A_292 : vector<16xi32>
      %sub3A = arith.constant 1597463007 : i32
      %sub3A_294 = vector.broadcast %sub3A : i32 to vector<16xi32>
      %sub3A_295 = arith.subi %sub3A_294, %shift_right_arithmetic3A_293 : vector<16xi32>
      %bitcast3A_296 = vector.bitcast %sub3A_295 : vector<16xi32> to vector<16xf32>
      %mul3A_297 = arith.constant 5.000000e-01 : f32
      %mul3A_298 = vector.broadcast %mul3A_297 : f32 to vector<16xf32>
      %mul3A_299 = arith.mulf %add3A_291, %mul3A_298 : vector<16xf32>
      %mul3A_300 = arith.mulf %mul3A_299, %bitcast3A_296 : vector<16xf32>
      %mul3A_301 = arith.mulf %mul3A_300, %bitcast3A_296 : vector<16xf32>
      %sub3A_302 = arith.constant 1.500000e+00 : f32
      %sub3A_303 = vector.broadcast %sub3A_302 : f32 to vector<16xf32>
      %sub3A_304 = arith.subf %sub3A_303, %mul3A_301 : vector<16xf32>
      %mul3A_305 = arith.mulf %bitcast3A_296, %sub3A_304 : vector<16xf32>
      %mul3A_306 = arith.mulf %get3A_230, %mul3A_305 : vector<16xf32>
      %swap3A = arith.index_cast %add3A_228 : i32 to index
      %swap3A_307 = arith.constant 0 : index
      %swap3A_308 = tpu.vector_load %arg6[%swap3A, %swap3A_307] {strides = array<i32>} : memref<128x128xf32, #tpu.memory_space<vmem>>, vector<16xf32>,
      tpu.vector_store %arg6[%swap3A, %swap3A_307], %mul3A_306 {strides = array<i32>} : memref<128x128xf32, #tpu.memory_space<vmem>>, vector<16xf32>,
      %mul3A_309 = arith.mulf %get3A_233, %mul3A_305 : vector<16xf32>
      %swap3A_310 = arith.index_cast %add3A_228 : i32 to index
      %swap3A_311 = arith.constant 16 : index
      %swap3A_312 = tpu.vector_load %arg6[%swap3A_310, %swap3A_311] {strides = array<i32>} : memref<128x128xf32, #tpu.memory_space<vmem>>, vector<16xf32>,
      tpu.vector_store %arg6[%swap3A_310, %swap3A_311], %mul3A_309 {strides = array<i32>} : memref<128x128xf32, #tpu.memory_space<vmem>>, vector<16xf32>,
      %mul3A_313 = arith.mulf %get3A_236, %mul3A_305 : vector<16xf32>
      %swap3A_314 = arith.index_cast %add3A_228 : i32 to index
      %swap3A_315 = arith.constant 32 : index
      %swap3A_316 = tpu.vector_load %arg6[%swap3A_314, %swap3A_315] {strides = array<i32>} : memref<128x128xf32, #tpu.memory_space<vmem>>, vector<16xf32>,
      tpu.vector_store %arg6[%swap3A_314, %swap3A_315], %mul3A_313 {strides = array<i32>} : memref<128x128xf32, #tpu.memory_space<vmem>>, vector<16xf32>,
      %mul3A_317 = arith.mulf %get3A_239, %mul3A_305 : vector<16xf32>
      %swap3A_318 = arith.index_cast %add3A_228 : i32 to index
      %swap3A_319 = arith.constant 48 : index
      %swap3A_320 = tpu.vector_load %arg6[%swap3A_318, %swap3A_319] {strides = array<i32>} : memref<128x128xf32, #tpu.memory_space<vmem>>, vector<16xf32>,
      tpu.vector_store %arg6[%swap3A_318, %swap3A_319], %mul3A_317 {strides = array<i32>} : memref<128x128xf32, #tpu.memory_space<vmem>>, vector<16xf32>,
      %mul3A_321 = arith.mulf %get3A_242, %mul3A_305 : vector<16xf32>
      %swap3A_322 = arith.index_cast %add3A_228 : i32 to index
      %swap3A_323 = arith.constant 64 : index
      %swap3A_324 = tpu.vector_load %arg6[%swap3A_322, %swap3A_323] {strides = array<i32>} : memref<128x128xf32, #tpu.memory_space<vmem>>, vector<16xf32>,
      tpu.vector_store %arg6[%swap3A_322, %swap3A_323], %mul3A_321 {strides = array<i32>} : memref<128x128xf32, #tpu.memory_space<vmem>>, vector<16xf32>,
      %mul3A_325 = arith.mulf %get3A_245, %mul3A_305 : vector<16xf32>
      %swap3A_326 = arith.index_cast %add3A_228 : i32 to index
      %swap3A_327 = arith.constant 80 : index
      %swap3A_328 = tpu.vector_load %arg6[%swap3A_326, %swap3A_327] {strides = array<i32>} : memref<128x128xf32, #tpu.memory_space<vmem>>, vector<16xf32>,
      tpu.vector_store %arg6[%swap3A_326, %swap3A_327], %mul3A_325 {strides = array<i32>} : memref<128x128xf32, #tpu.memory_space<vmem>>, vector<16xf32>,
      %mul3A_329 = arith.mulf %get3A_248, %mul3A_305 : vector<16xf32>
      %swap3A_330 = arith.index_cast %add3A_228 : i32 to index
      %swap3A_331 = arith.constant 96 : index
      %swap3A_332 = tpu.vector_load %arg6[%swap3A_330, %swap3A_331] {strides = array<i32>} : memref<128x128xf32, #tpu.memory_space<vmem>>, vector<16xf32>,
      tpu.vector_store %arg6[%swap3A_330, %swap3A_331], %mul3A_329 {strides = array<i32>} : memref<128x128xf32, #tpu.memory_space<vmem>>, vector<16xf32>,
      %mul3A_333 = arith.mulf %get3A_251, %mul3A_305 : vector<16xf32>
      %swap3A_334 = arith.index_cast %add3A_228 : i32 to index
      %swap3A_335 = arith.constant 112 : index
      %swap3A_336 = tpu.vector_load %arg6[%swap3A_334, %swap3A_335] {strides = array<i32>} : memref<128x128xf32, #tpu.memory_space<vmem>>, vector<16xf32>,
      tpu.vector_store %arg6[%swap3A_334, %swap3A_335], %mul3A_333 {strides = array<i32>} : memref<128x128xf32, #tpu.memory_space<vmem>>, vector<16xf32>,
      %mul3A_337 = arith.constant 4 : i32
      %mul3A_338 = arith.muli %scan3A_222, %mul3A_337 : i32
      %add3A_339 = arith.constant 0 : i32
      %add3A_340 = arith.addi %add3A_339, %mul3A_338 : i32
      %add3A_341 = arith.constant 1 : i32
      %add3A_342 = arith.addi %add3A_340, %add3A_341 : i32
      %get3A_343 = arith.index_cast %add3A_342 : i32 to index
      %get3A_344 = arith.constant 0 : index
      %get3A_345 = tpu.vector_load %arg6[%get3A_343, %get3A_344] {strides = array<i32>} : memref<128x128xf32, #tpu.memory_space<vmem>>, vector<16xf32>,
      %get3A_346 = arith.index_cast %add3A_342 : i32 to index
      %get3A_347 = arith.constant 16 : index
      %get3A_348 = tpu.vector_load %arg6[%get3A_346, %get3A_347] {strides = array<i32>} : memref<128x128xf32, #tpu.memory_space<vmem>>, vector<16xf32>,
      %get3A_349 = arith.index_cast %add3A_342 : i32 to index
      %get3A_350 = arith.constant 32 : index
      %get3A_351 = tpu.vector_load %arg6[%get3A_349, %get3A_350] {strides = array<i32>} : memref<128x128xf32, #tpu.memory_space<vmem>>, vector<16xf32>,
      %get3A_352 = arith.index_cast %add3A_342 : i32 to index
      %get3A_353 = arith.constant 48 : index
      %get3A_354 = tpu.vector_load %arg6[%get3A_352, %get3A_353] {strides = array<i32>} : memref<128x128xf32, #tpu.memory_space<vmem>>, vector<16xf32>,
      %get3A_355 = arith.index_cast %add3A_342 : i32 to index
      %get3A_356 = arith.constant 64 : index
      %get3A_357 = tpu.vector_load %arg6[%get3A_355, %get3A_356] {strides = array<i32>} : memref<128x128xf32, #tpu.memory_space<vmem>>, vector<16xf32>,
      %get3A_358 = arith.index_cast %add3A_342 : i32 to index
      %get3A_359 = arith.constant 80 : index
      %get3A_360 = tpu.vector_load %arg6[%get3A_358, %get3A_359] {strides = array<i32>} : memref<128x128xf32, #tpu.memory_space<vmem>>, vector<16xf32>,
      %get3A_361 = arith.index_cast %add3A_342 : i32 to index
      %get3A_362 = arith.constant 96 : index
      %get3A_363 = tpu.vector_load %arg6[%get3A_361, %get3A_362] {strides = array<i32>} : memref<128x128xf32, #tpu.memory_space<vmem>>, vector<16xf32>,
      %get3A_364 = arith.index_cast %add3A_342 : i32 to index
      %get3A_365 = arith.constant 112 : index
      %get3A_366 = tpu.vector_load %arg6[%get3A_364, %get3A_365] {strides = array<i32>} : memref<128x128xf32, #tpu.memory_space<vmem>>, vector<16xf32>,
      %mul3A_367 = arith.mulf %get3A_345, %get3A_345 : vector<16xf32>
      %mul3A_368 = arith.mulf %get3A_348, %get3A_348 : vector<16xf32>
      %add3A_369 = arith.addf %mul3A_367, %mul3A_368 : vector<16xf32>
      %mul3A_370 = arith.mulf %get3A_351, %get3A_351 : vector<16xf32>
      %add3A_371 = arith.addf %add3A_369, %mul3A_370 : vector<16xf32>
      %mul3A_372 = arith.mulf %get3A_354, %get3A_354 : vector<16xf32>
      %add3A_373 = arith.addf %add3A_371, %mul3A_372 : vector<16xf32>
      %mul3A_374 = arith.mulf %get3A_357, %get3A_357 : vector<16xf32>
      %add3A_375 = arith.addf %add3A_373, %mul3A_374 : vector<16xf32>
      %mul3A_376 = arith.mulf %get3A_360, %get3A_360 : vector<16xf32>
      %add3A_377 = arith.addf %add3A_375, %mul3A_376 : vector<16xf32>
      %mul3A_378 = arith.mulf %get3A_363, %get3A_363 : vector<16xf32>
      %add3A_379 = arith.addf %add3A_377, %mul3A_378 : vector<16xf32>
      %mul3A_380 = arith.mulf %get3A_366, %get3A_366 : vector<16xf32>
      %add3A_381 = arith.addf %add3A_379, %mul3A_380 : vector<16xf32>
      %iota3A_382 = tpu.iota {dimensions = array<i32: 0>} : vector<16xi32>
      %xor3A_383 = arith.constant 8 : i32
      %xor3A_384 = vector.broadcast %xor3A_383 : i32 to vector<16xi32>
      %xor3A_385 = arith.xori %iota3A_382, %xor3A_384 : vector<16xi32>
      %broadcast_in_dim3A_386 = vector.shape_cast %xor3A_385 : vector<16xi32> to vector<16x1xi32>
      %gather3A_387 = vector.shape_cast %broadcast_in_dim3A_386 : vector<16x1xi32> to vector<16xi32>
      %gather3A_388 = tpu.dynamic_gather %add3A_381[%gather3A_387] in [0] : vector<16xf32>, vector<16xi32> -> vector<16xf32>
      %add3A_389 = arith.addf %add3A_381, %gather3A_388 : vector<16xf32>
      %xor3A_390 = arith.constant 4 : i32
      %xor3A_391 = vector.broadcast %xor3A_390 : i32 to vector<16xi32>
      %xor3A_392 = arith.xori %iota3A_382, %xor3A_391 : vector<16xi32>
      %broadcast_in_dim3A_393 = vector.shape_cast %xor3A_392 : vector<16xi32> to vector<16x1xi32>
      %gather3A_394 = vector.shape_cast %broadcast_in_dim3A_393 : vector<16x1xi32> to vector<16xi32>
      %gather3A_395 = tpu.dynamic_gather %add3A_389[%gather3A_394] in [0] : vector<16xf32>, vector<16xi32> -> vector<16xf32>
      %add3A_396 = arith.addf %add3A_389, %gather3A_395 : vector<16xf32>
      %xor3A_397 = arith.constant 2 : i32
      %xor3A_398 = vector.broadcast %xor3A_397 : i32 to vector<16xi32>
      %xor3A_399 = arith.xori %iota3A_382, %xor3A_398 : vector<16xi32>
      %broadcast_in_dim3A_400 = vector.shape_cast %xor3A_399 : vector<16xi32> to vector<16x1xi32>
      %gather3A_401 = vector.shape_cast %broadcast_in_dim3A_400 : vector<16x1xi32> to vector<16xi32>
      %gather3A_402 = tpu.dynamic_gather %add3A_396[%gather3A_401] in [0] : vector<16xf32>, vector<16xi32> -> vector<16xf32>
      %add3A_403 = arith.addf %add3A_396, %gather3A_402 : vector<16xf32>
      %xor3A_404 = arith.constant 1 : i32
      %xor3A_405 = vector.broadcast %xor3A_404 : i32 to vector<16xi32>
      %xor3A_406 = arith.xori %iota3A_382, %xor3A_405 : vector<16xi32>
      %broadcast_in_dim3A_407 = vector.shape_cast %xor3A_406 : vector<16xi32> to vector<16x1xi32>
      %gather3A_408 = vector.shape_cast %broadcast_in_dim3A_407 : vector<16x1xi32> to vector<16xi32>
      %gather3A_409 = tpu.dynamic_gather %add3A_403[%gather3A_408] in [0] : vector<16xf32>, vector<16xi32> -> vector<16xf32>
      %add3A_410 = arith.addf %add3A_403, %gather3A_409 : vector<16xf32>
      %bitcast3A_411 = vector.bitcast %add3A_410 : vector<16xf32> to vector<16xi32>
      %shift_right_arithmetic3A_412 = arith.constant 1 : i32
      %shift_right_arithmetic3A_413 = vector.broadcast %shift_right_arithmetic3A_412 : i32 to vector<16xi32>
      %shift_right_arithmetic3A_414 = arith.shrsi %bitcast3A_411, %shift_right_arithmetic3A_413 : vector<16xi32>
      %sub3A_415 = arith.constant 1597463007 : i32
      %sub3A_416 = vector.broadcast %sub3A_415 : i32 to vector<16xi32>
      %sub3A_417 = arith.subi %sub3A_416, %shift_right_arithmetic3A_414 : vector<16xi32>
      %bitcast3A_418 = vector.bitcast %sub3A_417 : vector<16xi32> to vector<16xf32>
      %mul3A_419 = arith.constant 5.000000e-01 : f32
      %mul3A_420 = vector.broadcast %mul3A_419 : f32 to vector<16xf32>
      %mul3A_421 = arith.mulf %add3A_410, %mul3A_420 : vector<16xf32>
      %mul3A_422 = arith.mulf %mul3A_421, %bitcast3A_418 : vector<16xf32>
      %mul3A_423 = arith.mulf %mul3A_422, %bitcast3A_418 : vector<16xf32>
      %sub3A_424 = arith.constant 1.500000e+00 : f32
      %sub3A_425 = vector.broadcast %sub3A_424 : f32 to vector<16xf32>
      %sub3A_426 = arith.subf %sub3A_425, %mul3A_423 : vector<16xf32>
      %mul3A_427 = arith.mulf %bitcast3A_418, %sub3A_426 : vector<16xf32>
      %mul3A_428 = arith.mulf %get3A_345, %mul3A_427 : vector<16xf32>
      %swap3A_429 = arith.index_cast %add3A_342 : i32 to index
      %swap3A_430 = arith.constant 0 : index
      %swap3A_431 = tpu.vector_load %arg6[%swap3A_429, %swap3A_430] {strides = array<i32>} : memref<128x128xf32, #tpu.memory_space<vmem>>, vector<16xf32>,
      tpu.vector_store %arg6[%swap3A_429, %swap3A_430], %mul3A_428 {strides = array<i32>} : memref<128x128xf32, #tpu.memory_space<vmem>>, vector<16xf32>,
      %mul3A_432 = arith.mulf %get3A_348, %mul3A_427 : vector<16xf32>
      %swap3A_433 = arith.index_cast %add3A_342 : i32 to index
      %swap3A_434 = arith.constant 16 : index
      %swap3A_435 = tpu.vector_load %arg6[%swap3A_433, %swap3A_434] {strides = array<i32>} : memref<128x128xf32, #tpu.memory_space<vmem>>, vector<16xf32>,
      tpu.vector_store %arg6[%swap3A_433, %swap3A_434], %mul3A_432 {strides = array<i32>} : memref<128x128xf32, #tpu.memory_space<vmem>>, vector<16xf32>,
      %mul3A_436 = arith.mulf %get3A_351, %mul3A_427 : vector<16xf32>
      %swap3A_437 = arith.index_cast %add3A_342 : i32 to index
      %swap3A_438 = arith.constant 32 : index
      %swap3A_439 = tpu.vector_load %arg6[%swap3A_437, %swap3A_438] {strides = array<i32>} : memref<128x128xf32, #tpu.memory_space<vmem>>, vector<16xf32>,
      tpu.vector_store %arg6[%swap3A_437, %swap3A_438], %mul3A_436 {strides = array<i32>} : memref<128x128xf32, #tpu.memory_space<vmem>>, vector<16xf32>,
      %mul3A_440 = arith.mulf %get3A_354, %mul3A_427 : vector<16xf32>
      %swap3A_441 = arith.index_cast %add3A_342 : i32 to index
      %swap3A_442 = arith.constant 48 : index
      %swap3A_443 = tpu.vector_load %arg6[%swap3A_441, %swap3A_442] {strides = array<i32>} : memref<128x128xf32, #tpu.memory_space<vmem>>, vector<16xf32>,
      tpu.vector_store %arg6[%swap3A_441, %swap3A_442], %mul3A_440 {strides = array<i32>} : memref<128x128xf32, #tpu.memory_space<vmem>>, vector<16xf32>,
      %mul3A_444 = arith.mulf %get3A_357, %mul3A_427 : vector<16xf32>
      %swap3A_445 = arith.index_cast %add3A_342 : i32 to index
      %swap3A_446 = arith.constant 64 : index
      %swap3A_447 = tpu.vector_load %arg6[%swap3A_445, %swap3A_446] {strides = array<i32>} : memref<128x128xf32, #tpu.memory_space<vmem>>, vector<16xf32>,
      tpu.vector_store %arg6[%swap3A_445, %swap3A_446], %mul3A_444 {strides = array<i32>} : memref<128x128xf32, #tpu.memory_space<vmem>>, vector<16xf32>,
      %mul3A_448 = arith.mulf %get3A_360, %mul3A_427 : vector<16xf32>
      %swap3A_449 = arith.index_cast %add3A_342 : i32 to index
      %swap3A_450 = arith.constant 80 : index
      %swap3A_451 = tpu.vector_load %arg6[%swap3A_449, %swap3A_450] {strides = array<i32>} : memref<128x128xf32, #tpu.memory_space<vmem>>, vector<16xf32>,
      tpu.vector_store %arg6[%swap3A_449, %swap3A_450], %mul3A_448 {strides = array<i32>} : memref<128x128xf32, #tpu.memory_space<vmem>>, vector<16xf32>,
      %mul3A_452 = arith.mulf %get3A_363, %mul3A_427 : vector<16xf32>
      %swap3A_453 = arith.index_cast %add3A_342 : i32 to index
      %swap3A_454 = arith.constant 96 : index
      %swap3A_455 = tpu.vector_load %arg6[%swap3A_453, %swap3A_454] {strides = array<i32>} : memref<128x128xf32, #tpu.memory_space<vmem>>, vector<16xf32>,
      tpu.vector_store %arg6[%swap3A_453, %swap3A_454], %mul3A_452 {strides = array<i32>} : memref<128x128xf32, #tpu.memory_space<vmem>>, vector<16xf32>,
      %mul3A_456 = arith.mulf %get3A_366, %mul3A_427 : vector<16xf32>
      %swap3A_457 = arith.index_cast %add3A_342 : i32 to index
      %swap3A_458 = arith.constant 112 : index
      %swap3A_459 = tpu.vector_load %arg6[%swap3A_457, %swap3A_458] {strides = array<i32>} : memref<128x128xf32, #tpu.memory_space<vmem>>, vector<16xf32>,
      tpu.vector_store %arg6[%swap3A_457, %swap3A_458], %mul3A_456 {strides = array<i32>} : memref<128x128xf32, #tpu.memory_space<vmem>>, vector<16xf32>,
      %mul3A_460 = arith.constant 4 : i32
      %mul3A_461 = arith.muli %scan3A_222, %mul3A_460 : i32
      %add3A_462 = arith.constant 0 : i32
      %add3A_463 = arith.addi %add3A_462, %mul3A_461 : i32
      %add3A_464 = arith.constant 2 : i32
      %add3A_465 = arith.addi %add3A_463, %add3A_464 : i32
      %get3A_466 = arith.index_cast %add3A_465 : i32 to index
      %get3A_467 = arith.constant 0 : index
      %get3A_468 = tpu.vector_load %arg6[%get3A_466, %get3A_467] {strides = array<i32>} : memref<128x128xf32, #tpu.memory_space<vmem>>, vector<16xf32>,
      %get3A_469 = arith.index_cast %add3A_465 : i32 to index
      %get3A_470 = arith.constant 16 : index
      %get3A_471 = tpu.vector_load %arg6[%get3A_469, %get3A_470] {strides = array<i32>} : memref<128x128xf32, #tpu.memory_space<vmem>>, vector<16xf32>,
      %get3A_472 = arith.index_cast %add3A_465 : i32 to index
      %get3A_473 = arith.constant 32 : index
      %get3A_474 = tpu.vector_load %arg6[%get3A_472, %get3A_473] {strides = array<i32>} : memref<128x128xf32, #tpu.memory_space<vmem>>, vector<16xf32>,
      %get3A_475 = arith.index_cast %add3A_465 : i32 to index
      %get3A_476 = arith.constant 48 : index
      %get3A_477 = tpu.vector_load %arg6[%get3A_475, %get3A_476] {strides = array<i32>} : memref<128x128xf32, #tpu.memory_space<vmem>>, vector<16xf32>,
      %get3A_478 = arith.index_cast %add3A_465 : i32 to index
      %get3A_479 = arith.constant 64 : index
      %get3A_480 = tpu.vector_load %arg6[%get3A_478, %get3A_479] {strides = array<i32>} : memref<128x128xf32, #tpu.memory_space<vmem>>, vector<16xf32>,
      %get3A_481 = arith.index_cast %add3A_465 : i32 to index
      %get3A_482 = arith.constant 80 : index
      %get3A_483 = tpu.vector_load %arg6[%get3A_481, %get3A_482] {strides = array<i32>} : memref<128x128xf32, #tpu.memory_space<vmem>>, vector<16xf32>,
      %get3A_484 = arith.index_cast %add3A_465 : i32 to index
      %get3A_485 = arith.constant 96 : index
      %get3A_486 = tpu.vector_load %arg6[%get3A_484, %get3A_485] {strides = array<i32>} : memref<128x128xf32, #tpu.memory_space<vmem>>, vector<16xf32>,
      %get3A_487 = arith.index_cast %add3A_465 : i32 to index
      %get3A_488 = arith.constant 112 : index
      %get3A_489 = tpu.vector_load %arg6[%get3A_487, %get3A_488] {strides = array<i32>} : memref<128x128xf32, #tpu.memory_space<vmem>>, vector<16xf32>,
      %mul3A_490 = arith.mulf %get3A_468, %get3A_468 : vector<16xf32>
      %mul3A_491 = arith.mulf %get3A_471, %get3A_471 : vector<16xf32>
      %add3A_492 = arith.addf %mul3A_490, %mul3A_491 : vector<16xf32>
      %mul3A_493 = arith.mulf %get3A_474, %get3A_474 : vector<16xf32>
      %add3A_494 = arith.addf %add3A_492, %mul3A_493 : vector<16xf32>
      %mul3A_495 = arith.mulf %get3A_477, %get3A_477 : vector<16xf32>
      %add3A_496 = arith.addf %add3A_494, %mul3A_495 : vector<16xf32>
      %mul3A_497 = arith.mulf %get3A_480, %get3A_480 : vector<16xf32>
      %add3A_498 = arith.addf %add3A_496, %mul3A_497 : vector<16xf32>
      %mul3A_499 = arith.mulf %get3A_483, %get3A_483 : vector<16xf32>
      %add3A_500 = arith.addf %add3A_498, %mul3A_499 : vector<16xf32>
      %mul3A_501 = arith.mulf %get3A_486, %get3A_486 : vector<16xf32>
      %add3A_502 = arith.addf %add3A_500, %mul3A_501 : vector<16xf32>
      %mul3A_503 = arith.mulf %get3A_489, %get3A_489 : vector<16xf32>
      %add3A_504 = arith.addf %add3A_502, %mul3A_503 : vector<16xf32>
      %iota3A_505 = tpu.iota {dimensions = array<i32: 0>} : vector<16xi32>
      %xor3A_506 = arith.constant 8 : i32
      %xor3A_507 = vector.broadcast %xor3A_506 : i32 to vector<16xi32>
      %xor3A_508 = arith.xori %iota3A_505, %xor3A_507 : vector<16xi32>
      %broadcast_in_dim3A_509 = vector.shape_cast %xor3A_508 : vector<16xi32> to vector<16x1xi32>
      %gather3A_510 = vector.shape_cast %broadcast_in_dim3A_509 : vector<16x1xi32> to vector<16xi32>
      %gather3A_511 = tpu.dynamic_gather %add3A_504[%gather3A_510] in [0] : vector<16xf32>, vector<16xi32> -> vector<16xf32>
      %add3A_512 = arith.addf %add3A_504, %gather3A_511 : vector<16xf32>
      %xor3A_513 = arith.constant 4 : i32
      %xor3A_514 = vector.broadcast %xor3A_513 : i32 to vector<16xi32>
      %xor3A_515 = arith.xori %iota3A_505, %xor3A_514 : vector<16xi32>
      %broadcast_in_dim3A_516 = vector.shape_cast %xor3A_515 : vector<16xi32> to vector<16x1xi32>
      %gather3A_517 = vector.shape_cast %broadcast_in_dim3A_516 : vector<16x1xi32> to vector<16xi32>
      %gather3A_518 = tpu.dynamic_gather %add3A_512[%gather3A_517] in [0] : vector<16xf32>, vector<16xi32> -> vector<16xf32>
      %add3A_519 = arith.addf %add3A_512, %gather3A_518 : vector<16xf32>
      %xor3A_520 = arith.constant 2 : i32
      %xor3A_521 = vector.broadcast %xor3A_520 : i32 to vector<16xi32>
      %xor3A_522 = arith.xori %iota3A_505, %xor3A_521 : vector<16xi32>
      %broadcast_in_dim3A_523 = vector.shape_cast %xor3A_522 : vector<16xi32> to vector<16x1xi32>
      %gather3A_524 = vector.shape_cast %broadcast_in_dim3A_523 : vector<16x1xi32> to vector<16xi32>
      %gather3A_525 = tpu.dynamic_gather %add3A_519[%gather3A_524] in [0] : vector<16xf32>, vector<16xi32> -> vector<16xf32>
      %add3A_526 = arith.addf %add3A_519, %gather3A_525 : vector<16xf32>
      %xor3A_527 = arith.constant 1 : i32
      %xor3A_528 = vector.broadcast %xor3A_527 : i32 to vector<16xi32>
      %xor3A_529 = arith.xori %iota3A_505, %xor3A_528 : vector<16xi32>
      %broadcast_in_dim3A_530 = vector.shape_cast %xor3A_529 : vector<16xi32> to vector<16x1xi32>
      %gather3A_531 = vector.shape_cast %broadcast_in_dim3A_530 : vector<16x1xi32> to vector<16xi32>
      %gather3A_532 = tpu.dynamic_gather %add3A_526[%gather3A_531] in [0] : vector<16xf32>, vector<16xi32> -> vector<16xf32>
      %add3A_533 = arith.addf %add3A_526, %gather3A_532 : vector<16xf32>
      %bitcast3A_534 = vector.bitcast %add3A_533 : vector<16xf32> to vector<16xi32>
      %shift_right_arithmetic3A_535 = arith.constant 1 : i32
      %shift_right_arithmetic3A_536 = vector.broadcast %shift_right_arithmetic3A_535 : i32 to vector<16xi32>
      %shift_right_arithmetic3A_537 = arith.shrsi %bitcast3A_534, %shift_right_arithmetic3A_536 : vector<16xi32>
      %sub3A_538 = arith.constant 1597463007 : i32
      %sub3A_539 = vector.broadcast %sub3A_538 : i32 to vector<16xi32>
      %sub3A_540 = arith.subi %sub3A_539, %shift_right_arithmetic3A_537 : vector<16xi32>
      %bitcast3A_541 = vector.bitcast %sub3A_540 : vector<16xi32> to vector<16xf32>
      %mul3A_542 = arith.constant 5.000000e-01 : f32
      %mul3A_543 = vector.broadcast %mul3A_542 : f32 to vector<16xf32>
      %mul3A_544 = arith.mulf %add3A_533, %mul3A_543 : vector<16xf32>
      %mul3A_545 = arith.mulf %mul3A_544, %bitcast3A_541 : vector<16xf32>
      %mul3A_546 = arith.mulf %mul3A_545, %bitcast3A_541 : vector<16xf32>
      %sub3A_547 = arith.constant 1.500000e+00 : f32
      %sub3A_548 = vector.broadcast %sub3A_547 : f32 to vector<16xf32>
      %sub3A_549 = arith.subf %sub3A_548, %mul3A_546 : vector<16xf32>
      %mul3A_550 = arith.mulf %bitcast3A_541, %sub3A_549 : vector<16xf32>
      %mul3A_551 = arith.mulf %get3A_468, %mul3A_550 : vector<16xf32>
      %swap3A_552 = arith.index_cast %add3A_465 : i32 to index
      %swap3A_553 = arith.constant 0 : index
      %swap3A_554 = tpu.vector_load %arg6[%swap3A_552, %swap3A_553] {strides = array<i32>} : memref<128x128xf32, #tpu.memory_space<vmem>>, vector<16xf32>,
      tpu.vector_store %arg6[%swap3A_552, %swap3A_553], %mul3A_551 {strides = array<i32>} : memref<128x128xf32, #tpu.memory_space<vmem>>, vector<16xf32>,
      %mul3A_555 = arith.mulf %get3A_471, %mul3A_550 : vector<16xf32>
      %swap3A_556 = arith.index_cast %add3A_465 : i32 to index
      %swap3A_557 = arith.constant 16 : index
      %swap3A_558 = tpu.vector_load %arg6[%swap3A_556, %swap3A_557] {strides = array<i32>} : memref<128x128xf32, #tpu.memory_space<vmem>>, vector<16xf32>,
      tpu.vector_store %arg6[%swap3A_556, %swap3A_557], %mul3A_555 {strides = array<i32>} : memref<128x128xf32, #tpu.memory_space<vmem>>, vector<16xf32>,
      %mul3A_559 = arith.mulf %get3A_474, %mul3A_550 : vector<16xf32>
      %swap3A_560 = arith.index_cast %add3A_465 : i32 to index
      %swap3A_561 = arith.constant 32 : index
      %swap3A_562 = tpu.vector_load %arg6[%swap3A_560, %swap3A_561] {strides = array<i32>} : memref<128x128xf32, #tpu.memory_space<vmem>>, vector<16xf32>,
      tpu.vector_store %arg6[%swap3A_560, %swap3A_561], %mul3A_559 {strides = array<i32>} : memref<128x128xf32, #tpu.memory_space<vmem>>, vector<16xf32>,
      %mul3A_563 = arith.mulf %get3A_477, %mul3A_550 : vector<16xf32>
      %swap3A_564 = arith.index_cast %add3A_465 : i32 to index
      %swap3A_565 = arith.constant 48 : index
      %swap3A_566 = tpu.vector_load %arg6[%swap3A_564, %swap3A_565] {strides = array<i32>} : memref<128x128xf32, #tpu.memory_space<vmem>>, vector<16xf32>,
      tpu.vector_store %arg6[%swap3A_564, %swap3A_565], %mul3A_563 {strides = array<i32>} : memref<128x128xf32, #tpu.memory_space<vmem>>, vector<16xf32>,
      %mul3A_567 = arith.mulf %get3A_480, %mul3A_550 : vector<16xf32>
      %swap3A_568 = arith.index_cast %add3A_465 : i32 to index
      %swap3A_569 = arith.constant 64 : index
      %swap3A_570 = tpu.vector_load %arg6[%swap3A_568, %swap3A_569] {strides = array<i32>} : memref<128x128xf32, #tpu.memory_space<vmem>>, vector<16xf32>,
      tpu.vector_store %arg6[%swap3A_568, %swap3A_569], %mul3A_567 {strides = array<i32>} : memref<128x128xf32, #tpu.memory_space<vmem>>, vector<16xf32>,
      %mul3A_571 = arith.mulf %get3A_483, %mul3A_550 : vector<16xf32>
      %swap3A_572 = arith.index_cast %add3A_465 : i32 to index
      %swap3A_573 = arith.constant 80 : index
      %swap3A_574 = tpu.vector_load %arg6[%swap3A_572, %swap3A_573] {strides = array<i32>} : memref<128x128xf32, #tpu.memory_space<vmem>>, vector<16xf32>,
      tpu.vector_store %arg6[%swap3A_572, %swap3A_573], %mul3A_571 {strides = array<i32>} : memref<128x128xf32, #tpu.memory_space<vmem>>, vector<16xf32>,
      %mul3A_575 = arith.mulf %get3A_486, %mul3A_550 : vector<16xf32>
      %swap3A_576 = arith.index_cast %add3A_465 : i32 to index
      %swap3A_577 = arith.constant 96 : index
      %swap3A_578 = tpu.vector_load %arg6[%swap3A_576, %swap3A_577] {strides = array<i32>} : memref<128x128xf32, #tpu.memory_space<vmem>>, vector<16xf32>,
      tpu.vector_store %arg6[%swap3A_576, %swap3A_577], %mul3A_575 {strides = array<i32>} : memref<128x128xf32, #tpu.memory_space<vmem>>, vector<16xf32>,
      %mul3A_579 = arith.mulf %get3A_489, %mul3A_550 : vector<16xf32>
      %swap3A_580 = arith.index_cast %add3A_465 : i32 to index
      %swap3A_581 = arith.constant 112 : index
      %swap3A_582 = tpu.vector_load %arg6[%swap3A_580, %swap3A_581] {strides = array<i32>} : memref<128x128xf32, #tpu.memory_space<vmem>>, vector<16xf32>,
      tpu.vector_store %arg6[%swap3A_580, %swap3A_581], %mul3A_579 {strides = array<i32>} : memref<128x128xf32, #tpu.memory_space<vmem>>, vector<16xf32>,
      %mul3A_583 = arith.constant 4 : i32
      %mul3A_584 = arith.muli %scan3A_222, %mul3A_583 : i32
      %add3A_585 = arith.constant 0 : i32
      %add3A_586 = arith.addi %add3A_585, %mul3A_584 : i32
      %add3A_587 = arith.constant 3 : i32
      %add3A_588 = arith.addi %add3A_586, %add3A_587 : i32
      %get3A_589 = arith.index_cast %add3A_588 : i32 to index
      %get3A_590 = arith.constant 0 : index
      %get3A_591 = tpu.vector_load %arg6[%get3A_589, %get3A_590] {strides = array<i32>} : memref<128x128xf32, #tpu.memory_space<vmem>>, vector<16xf32>,
      %get3A_592 = arith.index_cast %add3A_588 : i32 to index
      %get3A_593 = arith.constant 16 : index
      %get3A_594 = tpu.vector_load %arg6[%get3A_592, %get3A_593] {strides = array<i32>} : memref<128x128xf32, #tpu.memory_space<vmem>>, vector<16xf32>,
      %get3A_595 = arith.index_cast %add3A_588 : i32 to index
      %get3A_596 = arith.constant 32 : index
      %get3A_597 = tpu.vector_load %arg6[%get3A_595, %get3A_596] {strides = array<i32>} : memref<128x128xf32, #tpu.memory_space<vmem>>, vector<16xf32>,
      %get3A_598 = arith.index_cast %add3A_588 : i32 to index
      %get3A_599 = arith.constant 48 : index
      %get3A_600 = tpu.vector_load %arg6[%get3A_598, %get3A_599] {strides = array<i32>} : memref<128x128xf32, #tpu.memory_space<vmem>>, vector<16xf32>,
      %get3A_601 = arith.index_cast %add3A_588 : i32 to index
      %get3A_602 = arith.constant 64 : index
      %get3A_603 = tpu.vector_load %arg6[%get3A_601, %get3A_602] {strides = array<i32>} : memref<128x128xf32, #tpu.memory_space<vmem>>, vector<16xf32>,
      %get3A_604 = arith.index_cast %add3A_588 : i32 to index
      %get3A_605 = arith.constant 80 : index
      %get3A_606 = tpu.vector_load %arg6[%get3A_604, %get3A_605] {strides = array<i32>} : memref<128x128xf32, #tpu.memory_space<vmem>>, vector<16xf32>,
      %get3A_607 = arith.index_cast %add3A_588 : i32 to index
      %get3A_608 = arith.constant 96 : index
      %get3A_609 = tpu.vector_load %arg6[%get3A_607, %get3A_608] {strides = array<i32>} : memref<128x128xf32, #tpu.memory_space<vmem>>, vector<16xf32>,
      %get3A_610 = arith.index_cast %add3A_588 : i32 to index
      %get3A_611 = arith.constant 112 : index
      %get3A_612 = tpu.vector_load %arg6[%get3A_610, %get3A_611] {strides = array<i32>} : memref<128x128xf32, #tpu.memory_space<vmem>>, vector<16xf32>,
      %mul3A_613 = arith.mulf %get3A_591, %get3A_591 : vector<16xf32>
      %mul3A_614 = arith.mulf %get3A_594, %get3A_594 : vector<16xf32>
      %add3A_615 = arith.addf %mul3A_613, %mul3A_614 : vector<16xf32>
      %mul3A_616 = arith.mulf %get3A_597, %get3A_597 : vector<16xf32>
      %add3A_617 = arith.addf %add3A_615, %mul3A_616 : vector<16xf32>
      %mul3A_618 = arith.mulf %get3A_600, %get3A_600 : vector<16xf32>
      %add3A_619 = arith.addf %add3A_617, %mul3A_618 : vector<16xf32>
      %mul3A_620 = arith.mulf %get3A_603, %get3A_603 : vector<16xf32>
      %add3A_621 = arith.addf %add3A_619, %mul3A_620 : vector<16xf32>
      %mul3A_622 = arith.mulf %get3A_606, %get3A_606 : vector<16xf32>
      %add3A_623 = arith.addf %add3A_621, %mul3A_622 : vector<16xf32>
      %mul3A_624 = arith.mulf %get3A_609, %get3A_609 : vector<16xf32>
      %add3A_625 = arith.addf %add3A_623, %mul3A_624 : vector<16xf32>
      %mul3A_626 = arith.mulf %get3A_612, %get3A_612 : vector<16xf32>
      %add3A_627 = arith.addf %add3A_625, %mul3A_626 : vector<16xf32>
      %iota3A_628 = tpu.iota {dimensions = array<i32: 0>} : vector<16xi32>
      %xor3A_629 = arith.constant 8 : i32
      %xor3A_630 = vector.broadcast %xor3A_629 : i32 to vector<16xi32>
      %xor3A_631 = arith.xori %iota3A_628, %xor3A_630 : vector<16xi32>
      %broadcast_in_dim3A_632 = vector.shape_cast %xor3A_631 : vector<16xi32> to vector<16x1xi32>
      %gather3A_633 = vector.shape_cast %broadcast_in_dim3A_632 : vector<16x1xi32> to vector<16xi32>
      %gather3A_634 = tpu.dynamic_gather %add3A_627[%gather3A_633] in [0] : vector<16xf32>, vector<16xi32> -> vector<16xf32>
      %add3A_635 = arith.addf %add3A_627, %gather3A_634 : vector<16xf32>
      %xor3A_636 = arith.constant 4 : i32
      %xor3A_637 = vector.broadcast %xor3A_636 : i32 to vector<16xi32>
      %xor3A_638 = arith.xori %iota3A_628, %xor3A_637 : vector<16xi32>
      %broadcast_in_dim3A_639 = vector.shape_cast %xor3A_638 : vector<16xi32> to vector<16x1xi32>
      %gather3A_640 = vector.shape_cast %broadcast_in_dim3A_639 : vector<16x1xi32> to vector<16xi32>
      %gather3A_641 = tpu.dynamic_gather %add3A_635[%gather3A_640] in [0] : vector<16xf32>, vector<16xi32> -> vector<16xf32>
      %add3A_642 = arith.addf %add3A_635, %gather3A_641 : vector<16xf32>
      %xor3A_643 = arith.constant 2 : i32
      %xor3A_644 = vector.broadcast %xor3A_643 : i32 to vector<16xi32>
      %xor3A_645 = arith.xori %iota3A_628, %xor3A_644 : vector<16xi32>
      %broadcast_in_dim3A_646 = vector.shape_cast %xor3A_645 : vector<16xi32> to vector<16x1xi32>
      %gather3A_647 = vector.shape_cast %broadcast_in_dim3A_646 : vector<16x1xi32> to vector<16xi32>
      %gather3A_648 = tpu.dynamic_gather %add3A_642[%gather3A_647] in [0] : vector<16xf32>, vector<16xi32> -> vector<16xf32>
      %add3A_649 = arith.addf %add3A_642, %gather3A_648 : vector<16xf32>
      %xor3A_650 = arith.constant 1 : i32
      %xor3A_651 = vector.broadcast %xor3A_650 : i32 to vector<16xi32>
      %xor3A_652 = arith.xori %iota3A_628, %xor3A_651 : vector<16xi32>
      %broadcast_in_dim3A_653 = vector.shape_cast %xor3A_652 : vector<16xi32> to vector<16x1xi32>
      %gather3A_654 = vector.shape_cast %broadcast_in_dim3A_653 : vector<16x1xi32> to vector<16xi32>
      %gather3A_655 = tpu.dynamic_gather %add3A_649[%gather3A_654] in [0] : vector<16xf32>, vector<16xi32> -> vector<16xf32>
      %add3A_656 = arith.addf %add3A_649, %gather3A_655 : vector<16xf32>
      %bitcast3A_657 = vector.bitcast %add3A_656 : vector<16xf32> to vector<16xi32>
      %shift_right_arithmetic3A_658 = arith.constant 1 : i32
      %shift_right_arithmetic3A_659 = vector.broadcast %shift_right_arithmetic3A_658 : i32 to vector<16xi32>
      %shift_right_arithmetic3A_660 = arith.shrsi %bitcast3A_657, %shift_right_arithmetic3A_659 : vector<16xi32>
      %sub3A_661 = arith.constant 1597463007 : i32
      %sub3A_662 = vector.broadcast %sub3A_661 : i32 to vector<16xi32>
      %sub3A_663 = arith.subi %sub3A_662, %shift_right_arithmetic3A_660 : vector<16xi32>
      %bitcast3A_664 = vector.bitcast %sub3A_663 : vector<16xi32> to vector<16xf32>
      %mul3A_665 = arith.constant 5.000000e-01 : f32
      %mul3A_666 = vector.broadcast %mul3A_665 : f32 to vector<16xf32>
      %mul3A_667 = arith.mulf %add3A_656, %mul3A_666 : vector<16xf32>
      %mul3A_668 = arith.mulf %mul3A_667, %bitcast3A_664 : vector<16xf32>
      %mul3A_669 = arith.mulf %mul3A_668, %bitcast3A_664 : vector<16xf32>
      %sub3A_670 = arith.constant 1.500000e+00 : f32
      %sub3A_671 = vector.broadcast %sub3A_670 : f32 to vector<16xf32>
      %sub3A_672 = arith.subf %sub3A_671, %mul3A_669 : vector<16xf32>
      %mul3A_673 = arith.mulf %bitcast3A_664, %sub3A_672 : vector<16xf32>
      %mul3A_674 = arith.mulf %get3A_591, %mul3A_673 : vector<16xf32>
      %swap3A_675 = arith.index_cast %add3A_588 : i32 to index
      %swap3A_676 = arith.constant 0 : index
      %swap3A_677 = tpu.vector_load %arg6[%swap3A_675, %swap3A_676] {strides = array<i32>} : memref<128x128xf32, #tpu.memory_space<vmem>>, vector<16xf32>,
      tpu.vector_store %arg6[%swap3A_675, %swap3A_676], %mul3A_674 {strides = array<i32>} : memref<128x128xf32, #tpu.memory_space<vmem>>, vector<16xf32>,
      %mul3A_678 = arith.mulf %get3A_594, %mul3A_673 : vector<16xf32>
      %swap3A_679 = arith.index_cast %add3A_588 : i32 to index
      %swap3A_680 = arith.constant 16 : index
      %swap3A_681 = tpu.vector_load %arg6[%swap3A_679, %swap3A_680] {strides = array<i32>} : memref<128x128xf32, #tpu.memory_space<vmem>>, vector<16xf32>,
      tpu.vector_store %arg6[%swap3A_679, %swap3A_680], %mul3A_678 {strides = array<i32>} : memref<128x128xf32, #tpu.memory_space<vmem>>, vector<16xf32>,
      %mul3A_682 = arith.mulf %get3A_597, %mul3A_673 : vector<16xf32>
      %swap3A_683 = arith.index_cast %add3A_588 : i32 to index
      %swap3A_684 = arith.constant 32 : index
      %swap3A_685 = tpu.vector_load %arg6[%swap3A_683, %swap3A_684] {strides = array<i32>} : memref<128x128xf32, #tpu.memory_space<vmem>>, vector<16xf32>,
      tpu.vector_store %arg6[%swap3A_683, %swap3A_684], %mul3A_682 {strides = array<i32>} : memref<128x128xf32, #tpu.memory_space<vmem>>, vector<16xf32>,
      %mul3A_686 = arith.mulf %get3A_600, %mul3A_673 : vector<16xf32>
      %swap3A_687 = arith.index_cast %add3A_588 : i32 to index
      %swap3A_688 = arith.constant 48 : index
      %swap3A_689 = tpu.vector_load %arg6[%swap3A_687, %swap3A_688] {strides = array<i32>} : memref<128x128xf32, #tpu.memory_space<vmem>>, vector<16xf32>,
      tpu.vector_store %arg6[%swap3A_687, %swap3A_688], %mul3A_686 {strides = array<i32>} : memref<128x128xf32, #tpu.memory_space<vmem>>, vector<16xf32>,
      %mul3A_690 = arith.mulf %get3A_603, %mul3A_673 : vector<16xf32>
      %swap3A_691 = arith.index_cast %add3A_588 : i32 to index
      %swap3A_692 = arith.constant 64 : index
      %swap3A_693 = tpu.vector_load %arg6[%swap3A_691, %swap3A_692] {strides = array<i32>} : memref<128x128xf32, #tpu.memory_space<vmem>>, vector<16xf32>,
      tpu.vector_store %arg6[%swap3A_691, %swap3A_692], %mul3A_690 {strides = array<i32>} : memref<128x128xf32, #tpu.memory_space<vmem>>, vector<16xf32>,
      %mul3A_694 = arith.mulf %get3A_606, %mul3A_673 : vector<16xf32>
      %swap3A_695 = arith.index_cast %add3A_588 : i32 to index
      %swap3A_696 = arith.constant 80 : index
      %swap3A_697 = tpu.vector_load %arg6[%swap3A_695, %swap3A_696] {strides = array<i32>} : memref<128x128xf32, #tpu.memory_space<vmem>>, vector<16xf32>,
      tpu.vector_store %arg6[%swap3A_695, %swap3A_696], %mul3A_694 {strides = array<i32>} : memref<128x128xf32, #tpu.memory_space<vmem>>, vector<16xf32>,
      %mul3A_698 = arith.mulf %get3A_609, %mul3A_673 : vector<16xf32>
      %swap3A_699 = arith.index_cast %add3A_588 : i32 to index
      %swap3A_700 = arith.constant 96 : index
      %swap3A_701 = tpu.vector_load %arg6[%swap3A_699, %swap3A_700] {strides = array<i32>} : memref<128x128xf32, #tpu.memory_space<vmem>>, vector<16xf32>,
      tpu.vector_store %arg6[%swap3A_699, %swap3A_700], %mul3A_698 {strides = array<i32>} : memref<128x128xf32, #tpu.memory_space<vmem>>, vector<16xf32>,
      %mul3A_702 = arith.mulf %get3A_612, %mul3A_673 : vector<16xf32>
      %swap3A_703 = arith.index_cast %add3A_588 : i32 to index
      %swap3A_704 = arith.constant 112 : index
      %swap3A_705 = tpu.vector_load %arg6[%swap3A_703, %swap3A_704] {strides = array<i32>} : memref<128x128xf32, #tpu.memory_space<vmem>>, vector<16xf32>,
      tpu.vector_store %arg6[%swap3A_703, %swap3A_704], %mul3A_702 {strides = array<i32>} : memref<128x128xf32, #tpu.memory_space<vmem>>, vector<16xf32>,
    }
    %scan3A_61 = arith.constant 8 : i32
    %add3A_62 = arith.constant 0 : i32
    %add3A_63 = arith.addi %mul3A_2, %add3A_62 : i32
    %dma_start3A_64 = arith.constant 0 : i32
    %dma_start3A_65 = arith.constant 0 : i32
    %dma_start3A_66 = arith.constant 0 : i32
    %dma_start3A_67 = tpu.memref_slice %arg6[%dma_start3A_65, %dma_start3A_66] : memref<128x128xf32, #tpu.memory_space<vmem>> -> memref<32x128xf32, #tpu.memory_space<vmem>>
    %dma_start3A_68 = arith.constant 0 : i32
    %dma_start3A_69 = tpu.memref_slice %arg4[%add3A_63, %dma_start3A_68] : memref<4096x128xf32, #tpu.memory_space<hbm>> -> memref<32x128xf32, #tpu.memory_space<hbm>>
    %dma_start3A_70 = tpu.memref_slice %arg8[%dma_start3A_64] : memref<4x!tpu.dma_semaphore, #tpu.memory_space<semaphore_mem>> -> memref<1x!tpu.dma_semaphore, #tpu.memory_space<semaphore_mem>>
    %dma_start3A_71 = tpu.memref_squeeze %dma_start3A_70 : memref<1x!tpu.dma_semaphore, #tpu.memory_space<semaphore_mem>> -> memref<!tpu.dma_semaphore, #tpu.memory_space<semaphore_mem>>
    %dma_start3A_72 = arith.constant 0 : i32
    %dma_start3A_73 = tpu.memref_slice %arg4[%add3A_63, %dma_start3A_72] : memref<4096x128xf32, #tpu.memory_space<hbm>> -> memref<32x128xf32, #tpu.memory_space<hbm>>
    %dma_start3A_74 = arith.constant 0 : i32
    %dma_start3A_75 = arith.constant 0 : i32
    %dma_start3A_76 = tpu.memref_slice %arg6[%dma_start3A_74, %dma_start3A_75] : memref<128x128xf32, #tpu.memory_space<vmem>> -> memref<32x128xf32, #tpu.memory_space<vmem>>
    tpu.enqueue_dma source(%dma_start3A_76 : memref<32x128xf32, #tpu.memory_space<vmem>>) target(%dma_start3A_73 : memref<32x128xf32, #tpu.memory_space<hbm>>) target_semaphore(%dma_start3A_71 : memref<!tpu.dma_semaphore, #tpu.memory_space<semaphore_mem>>)
    %dma_wait3A_77 = arith.constant 1 : i32
    %dma_wait3A_78 = arith.constant 32 : i32
    %dma_wait3A_79 = arith.constant 0 : i32
    %dma_wait3A_80 = tpu.memref_slice %arg6[%dma_wait3A_78, %dma_wait3A_79] : memref<128x128xf32, #tpu.memory_space<vmem>> -> memref<48x128xf32, #tpu.memory_space<vmem>>
    %dma_wait3A_81 = arith.constant 32 : i32
    %dma_wait3A_82 = tpu.memref_slice %arg5[%dma_wait3A_81] : memref<128xi32, #tpu.memory_space<vmem>> -> memref<48xi32, #tpu.memory_space<vmem>>
    %dma_wait3A_83 = arith.constant 0 : i32
    %dma_wait3A_84 = arith.constant 0 : i32
    %dma_wait3A_85 = tpu.memref_slice %arg3[%dma_wait3A_83, %dma_wait3A_84] : memref<100000x128xf32, #tpu.memory_space<hbm>> -> memref<100000x128xf32, #tpu.memory_space<hbm>>
    %dma_wait3A_86 = tpu.memref_slice %arg7[%dma_wait3A_77] : memref<4x!tpu.dma_semaphore, #tpu.memory_space<semaphore_mem>> -> memref<1x!tpu.dma_semaphore, #tpu.memory_space<semaphore_mem>>
    %dma_wait3A_87 = tpu.memref_squeeze %dma_wait3A_86 : memref<1x!tpu.dma_semaphore, #tpu.memory_space<semaphore_mem>> -> memref<!tpu.dma_semaphore, #tpu.memory_space<semaphore_mem>>
    tpu.wait_indirect_dma semaphore(%dma_wait3A_87 : memref<!tpu.dma_semaphore, #tpu.memory_space<semaphore_mem>>) src(%dma_wait3A_85 : memref<100000x128xf32, #tpu.memory_space<hbm>>) dst(%dma_wait3A_80 : memref<48x128xf32, #tpu.memory_space<vmem>>)
    %scan3A_88 = arith.constant 0 : i32
    %scan3A_89 = arith.constant 12 : i32
    %scan3A_90 = arith.addi %scan3A_88, %scan3A_89 : i32
    %scan3A_91 = arith.constant 1 : i32
    scf.for %scan3A_222 = %scan3A_88 to %scan3A_90 step %scan3A_91  : i32 {
      %mul3A_223 = arith.constant 4 : i32
      %mul3A_224 = arith.muli %scan3A_222, %mul3A_223 : i32
      %add3A_225 = arith.constant 32 : i32
      %add3A_226 = arith.addi %add3A_225, %mul3A_224 : i32
      %add3A_227 = arith.constant 0 : i32
      %add3A_228 = arith.addi %add3A_226, %add3A_227 : i32
      %get3A = arith.index_cast %add3A_228 : i32 to index
      %get3A_229 = arith.constant 0 : index
      %get3A_230 = tpu.vector_load %arg6[%get3A, %get3A_229] {strides = array<i32>} : memref<128x128xf32, #tpu.memory_space<vmem>>, vector<16xf32>,
      %get3A_231 = arith.index_cast %add3A_228 : i32 to index
      %get3A_232 = arith.constant 16 : index
      %get3A_233 = tpu.vector_load %arg6[%get3A_231, %get3A_232] {strides = array<i32>} : memref<128x128xf32, #tpu.memory_space<vmem>>, vector<16xf32>,
      %get3A_234 = arith.index_cast %add3A_228 : i32 to index
      %get3A_235 = arith.constant 32 : index
      %get3A_236 = tpu.vector_load %arg6[%get3A_234, %get3A_235] {strides = array<i32>} : memref<128x128xf32, #tpu.memory_space<vmem>>, vector<16xf32>,
      %get3A_237 = arith.index_cast %add3A_228 : i32 to index
      %get3A_238 = arith.constant 48 : index
      %get3A_239 = tpu.vector_load %arg6[%get3A_237, %get3A_238] {strides = array<i32>} : memref<128x128xf32, #tpu.memory_space<vmem>>, vector<16xf32>,
      %get3A_240 = arith.index_cast %add3A_228 : i32 to index
      %get3A_241 = arith.constant 64 : index
      %get3A_242 = tpu.vector_load %arg6[%get3A_240, %get3A_241] {strides = array<i32>} : memref<128x128xf32, #tpu.memory_space<vmem>>, vector<16xf32>,
      %get3A_243 = arith.index_cast %add3A_228 : i32 to index
      %get3A_244 = arith.constant 80 : index
      %get3A_245 = tpu.vector_load %arg6[%get3A_243, %get3A_244] {strides = array<i32>} : memref<128x128xf32, #tpu.memory_space<vmem>>, vector<16xf32>,
      %get3A_246 = arith.index_cast %add3A_228 : i32 to index
      %get3A_247 = arith.constant 96 : index
      %get3A_248 = tpu.vector_load %arg6[%get3A_246, %get3A_247] {strides = array<i32>} : memref<128x128xf32, #tpu.memory_space<vmem>>, vector<16xf32>,
      %get3A_249 = arith.index_cast %add3A_228 : i32 to index
      %get3A_250 = arith.constant 112 : index
      %get3A_251 = tpu.vector_load %arg6[%get3A_249, %get3A_250] {strides = array<i32>} : memref<128x128xf32, #tpu.memory_space<vmem>>, vector<16xf32>,
      %mul3A_252 = arith.mulf %get3A_230, %get3A_230 : vector<16xf32>
      %mul3A_253 = arith.mulf %get3A_233, %get3A_233 : vector<16xf32>
      %add3A_254 = arith.addf %mul3A_252, %mul3A_253 : vector<16xf32>
      %mul3A_255 = arith.mulf %get3A_236, %get3A_236 : vector<16xf32>
      %add3A_256 = arith.addf %add3A_254, %mul3A_255 : vector<16xf32>
      %mul3A_257 = arith.mulf %get3A_239, %get3A_239 : vector<16xf32>
      %add3A_258 = arith.addf %add3A_256, %mul3A_257 : vector<16xf32>
      %mul3A_259 = arith.mulf %get3A_242, %get3A_242 : vector<16xf32>
      %add3A_260 = arith.addf %add3A_258, %mul3A_259 : vector<16xf32>
      %mul3A_261 = arith.mulf %get3A_245, %get3A_245 : vector<16xf32>
      %add3A_262 = arith.addf %add3A_260, %mul3A_261 : vector<16xf32>
      %mul3A_263 = arith.mulf %get3A_248, %get3A_248 : vector<16xf32>
      %add3A_264 = arith.addf %add3A_262, %mul3A_263 : vector<16xf32>
      %mul3A_265 = arith.mulf %get3A_251, %get3A_251 : vector<16xf32>
      %add3A_266 = arith.addf %add3A_264, %mul3A_265 : vector<16xf32>
      %iota3A = tpu.iota {dimensions = array<i32: 0>} : vector<16xi32>
      %xor3A = arith.constant 8 : i32
      %xor3A_267 = vector.broadcast %xor3A : i32 to vector<16xi32>
      %xor3A_268 = arith.xori %iota3A, %xor3A_267 : vector<16xi32>
      %broadcast_in_dim3A = vector.shape_cast %xor3A_268 : vector<16xi32> to vector<16x1xi32>
      %gather3A = vector.shape_cast %broadcast_in_dim3A : vector<16x1xi32> to vector<16xi32>
      %gather3A_269 = tpu.dynamic_gather %add3A_266[%gather3A] in [0] : vector<16xf32>, vector<16xi32> -> vector<16xf32>
      %add3A_270 = arith.addf %add3A_266, %gather3A_269 : vector<16xf32>
      %xor3A_271 = arith.constant 4 : i32
      %xor3A_272 = vector.broadcast %xor3A_271 : i32 to vector<16xi32>
      %xor3A_273 = arith.xori %iota3A, %xor3A_272 : vector<16xi32>
      %broadcast_in_dim3A_274 = vector.shape_cast %xor3A_273 : vector<16xi32> to vector<16x1xi32>
      %gather3A_275 = vector.shape_cast %broadcast_in_dim3A_274 : vector<16x1xi32> to vector<16xi32>
      %gather3A_276 = tpu.dynamic_gather %add3A_270[%gather3A_275] in [0] : vector<16xf32>, vector<16xi32> -> vector<16xf32>
      %add3A_277 = arith.addf %add3A_270, %gather3A_276 : vector<16xf32>
      %xor3A_278 = arith.constant 2 : i32
      %xor3A_279 = vector.broadcast %xor3A_278 : i32 to vector<16xi32>
      %xor3A_280 = arith.xori %iota3A, %xor3A_279 : vector<16xi32>
      %broadcast_in_dim3A_281 = vector.shape_cast %xor3A_280 : vector<16xi32> to vector<16x1xi32>
      %gather3A_282 = vector.shape_cast %broadcast_in_dim3A_281 : vector<16x1xi32> to vector<16xi32>
      %gather3A_283 = tpu.dynamic_gather %add3A_277[%gather3A_282] in [0] : vector<16xf32>, vector<16xi32> -> vector<16xf32>
      %add3A_284 = arith.addf %add3A_277, %gather3A_283 : vector<16xf32>
      %xor3A_285 = arith.constant 1 : i32
      %xor3A_286 = vector.broadcast %xor3A_285 : i32 to vector<16xi32>
      %xor3A_287 = arith.xori %iota3A, %xor3A_286 : vector<16xi32>
      %broadcast_in_dim3A_288 = vector.shape_cast %xor3A_287 : vector<16xi32> to vector<16x1xi32>
      %gather3A_289 = vector.shape_cast %broadcast_in_dim3A_288 : vector<16x1xi32> to vector<16xi32>
      %gather3A_290 = tpu.dynamic_gather %add3A_284[%gather3A_289] in [0] : vector<16xf32>, vector<16xi32> -> vector<16xf32>
      %add3A_291 = arith.addf %add3A_284, %gather3A_290 : vector<16xf32>
      %bitcast3A = vector.bitcast %add3A_291 : vector<16xf32> to vector<16xi32>
      %shift_right_arithmetic3A = arith.constant 1 : i32
      %shift_right_arithmetic3A_292 = vector.broadcast %shift_right_arithmetic3A : i32 to vector<16xi32>
      %shift_right_arithmetic3A_293 = arith.shrsi %bitcast3A, %shift_right_arithmetic3A_292 : vector<16xi32>
      %sub3A = arith.constant 1597463007 : i32
      %sub3A_294 = vector.broadcast %sub3A : i32 to vector<16xi32>
      %sub3A_295 = arith.subi %sub3A_294, %shift_right_arithmetic3A_293 : vector<16xi32>
      %bitcast3A_296 = vector.bitcast %sub3A_295 : vector<16xi32> to vector<16xf32>
      %mul3A_297 = arith.constant 5.000000e-01 : f32
      %mul3A_298 = vector.broadcast %mul3A_297 : f32 to vector<16xf32>
      %mul3A_299 = arith.mulf %add3A_291, %mul3A_298 : vector<16xf32>
      %mul3A_300 = arith.mulf %mul3A_299, %bitcast3A_296 : vector<16xf32>
      %mul3A_301 = arith.mulf %mul3A_300, %bitcast3A_296 : vector<16xf32>
      %sub3A_302 = arith.constant 1.500000e+00 : f32
      %sub3A_303 = vector.broadcast %sub3A_302 : f32 to vector<16xf32>
      %sub3A_304 = arith.subf %sub3A_303, %mul3A_301 : vector<16xf32>
      %mul3A_305 = arith.mulf %bitcast3A_296, %sub3A_304 : vector<16xf32>
      %mul3A_306 = arith.mulf %get3A_230, %mul3A_305 : vector<16xf32>
      %swap3A = arith.index_cast %add3A_228 : i32 to index
      %swap3A_307 = arith.constant 0 : index
      %swap3A_308 = tpu.vector_load %arg6[%swap3A, %swap3A_307] {strides = array<i32>} : memref<128x128xf32, #tpu.memory_space<vmem>>, vector<16xf32>,
      tpu.vector_store %arg6[%swap3A, %swap3A_307], %mul3A_306 {strides = array<i32>} : memref<128x128xf32, #tpu.memory_space<vmem>>, vector<16xf32>,
      %mul3A_309 = arith.mulf %get3A_233, %mul3A_305 : vector<16xf32>
      %swap3A_310 = arith.index_cast %add3A_228 : i32 to index
      %swap3A_311 = arith.constant 16 : index
      %swap3A_312 = tpu.vector_load %arg6[%swap3A_310, %swap3A_311] {strides = array<i32>} : memref<128x128xf32, #tpu.memory_space<vmem>>, vector<16xf32>,
      tpu.vector_store %arg6[%swap3A_310, %swap3A_311], %mul3A_309 {strides = array<i32>} : memref<128x128xf32, #tpu.memory_space<vmem>>, vector<16xf32>,
      %mul3A_313 = arith.mulf %get3A_236, %mul3A_305 : vector<16xf32>
      %swap3A_314 = arith.index_cast %add3A_228 : i32 to index
      %swap3A_315 = arith.constant 32 : index
      %swap3A_316 = tpu.vector_load %arg6[%swap3A_314, %swap3A_315] {strides = array<i32>} : memref<128x128xf32, #tpu.memory_space<vmem>>, vector<16xf32>,
      tpu.vector_store %arg6[%swap3A_314, %swap3A_315], %mul3A_313 {strides = array<i32>} : memref<128x128xf32, #tpu.memory_space<vmem>>, vector<16xf32>,
      %mul3A_317 = arith.mulf %get3A_239, %mul3A_305 : vector<16xf32>
      %swap3A_318 = arith.index_cast %add3A_228 : i32 to index
      %swap3A_319 = arith.constant 48 : index
      %swap3A_320 = tpu.vector_load %arg6[%swap3A_318, %swap3A_319] {strides = array<i32>} : memref<128x128xf32, #tpu.memory_space<vmem>>, vector<16xf32>,
      tpu.vector_store %arg6[%swap3A_318, %swap3A_319], %mul3A_317 {strides = array<i32>} : memref<128x128xf32, #tpu.memory_space<vmem>>, vector<16xf32>,
      %mul3A_321 = arith.mulf %get3A_242, %mul3A_305 : vector<16xf32>
      %swap3A_322 = arith.index_cast %add3A_228 : i32 to index
      %swap3A_323 = arith.constant 64 : index
      %swap3A_324 = tpu.vector_load %arg6[%swap3A_322, %swap3A_323] {strides = array<i32>} : memref<128x128xf32, #tpu.memory_space<vmem>>, vector<16xf32>,
      tpu.vector_store %arg6[%swap3A_322, %swap3A_323], %mul3A_321 {strides = array<i32>} : memref<128x128xf32, #tpu.memory_space<vmem>>, vector<16xf32>,
      %mul3A_325 = arith.mulf %get3A_245, %mul3A_305 : vector<16xf32>
      %swap3A_326 = arith.index_cast %add3A_228 : i32 to index
      %swap3A_327 = arith.constant 80 : index
      %swap3A_328 = tpu.vector_load %arg6[%swap3A_326, %swap3A_327] {strides = array<i32>} : memref<128x128xf32, #tpu.memory_space<vmem>>, vector<16xf32>,
      tpu.vector_store %arg6[%swap3A_326, %swap3A_327], %mul3A_325 {strides = array<i32>} : memref<128x128xf32, #tpu.memory_space<vmem>>, vector<16xf32>,
      %mul3A_329 = arith.mulf %get3A_248, %mul3A_305 : vector<16xf32>
      %swap3A_330 = arith.index_cast %add3A_228 : i32 to index
      %swap3A_331 = arith.constant 96 : index
      %swap3A_332 = tpu.vector_load %arg6[%swap3A_330, %swap3A_331] {strides = array<i32>} : memref<128x128xf32, #tpu.memory_space<vmem>>, vector<16xf32>,
      tpu.vector_store %arg6[%swap3A_330, %swap3A_331], %mul3A_329 {strides = array<i32>} : memref<128x128xf32, #tpu.memory_space<vmem>>, vector<16xf32>,
      %mul3A_333 = arith.mulf %get3A_251, %mul3A_305 : vector<16xf32>
      %swap3A_334 = arith.index_cast %add3A_228 : i32 to index
      %swap3A_335 = arith.constant 112 : index
      %swap3A_336 = tpu.vector_load %arg6[%swap3A_334, %swap3A_335] {strides = array<i32>} : memref<128x128xf32, #tpu.memory_space<vmem>>, vector<16xf32>,
      tpu.vector_store %arg6[%swap3A_334, %swap3A_335], %mul3A_333 {strides = array<i32>} : memref<128x128xf32, #tpu.memory_space<vmem>>, vector<16xf32>,
      %mul3A_337 = arith.constant 4 : i32
      %mul3A_338 = arith.muli %scan3A_222, %mul3A_337 : i32
      %add3A_339 = arith.constant 32 : i32
      %add3A_340 = arith.addi %add3A_339, %mul3A_338 : i32
      %add3A_341 = arith.constant 1 : i32
      %add3A_342 = arith.addi %add3A_340, %add3A_341 : i32
      %get3A_343 = arith.index_cast %add3A_342 : i32 to index
      %get3A_344 = arith.constant 0 : index
      %get3A_345 = tpu.vector_load %arg6[%get3A_343, %get3A_344] {strides = array<i32>} : memref<128x128xf32, #tpu.memory_space<vmem>>, vector<16xf32>,
      %get3A_346 = arith.index_cast %add3A_342 : i32 to index
      %get3A_347 = arith.constant 16 : index
      %get3A_348 = tpu.vector_load %arg6[%get3A_346, %get3A_347] {strides = array<i32>} : memref<128x128xf32, #tpu.memory_space<vmem>>, vector<16xf32>,
      %get3A_349 = arith.index_cast %add3A_342 : i32 to index
      %get3A_350 = arith.constant 32 : index
      %get3A_351 = tpu.vector_load %arg6[%get3A_349, %get3A_350] {strides = array<i32>} : memref<128x128xf32, #tpu.memory_space<vmem>>, vector<16xf32>,
      %get3A_352 = arith.index_cast %add3A_342 : i32 to index
      %get3A_353 = arith.constant 48 : index
      %get3A_354 = tpu.vector_load %arg6[%get3A_352, %get3A_353] {strides = array<i32>} : memref<128x128xf32, #tpu.memory_space<vmem>>, vector<16xf32>,
      %get3A_355 = arith.index_cast %add3A_342 : i32 to index
      %get3A_356 = arith.constant 64 : index
      %get3A_357 = tpu.vector_load %arg6[%get3A_355, %get3A_356] {strides = array<i32>} : memref<128x128xf32, #tpu.memory_space<vmem>>, vector<16xf32>,
      %get3A_358 = arith.index_cast %add3A_342 : i32 to index
      %get3A_359 = arith.constant 80 : index
      %get3A_360 = tpu.vector_load %arg6[%get3A_358, %get3A_359] {strides = array<i32>} : memref<128x128xf32, #tpu.memory_space<vmem>>, vector<16xf32>,
      %get3A_361 = arith.index_cast %add3A_342 : i32 to index
      %get3A_362 = arith.constant 96 : index
      %get3A_363 = tpu.vector_load %arg6[%get3A_361, %get3A_362] {strides = array<i32>} : memref<128x128xf32, #tpu.memory_space<vmem>>, vector<16xf32>,
      %get3A_364 = arith.index_cast %add3A_342 : i32 to index
      %get3A_365 = arith.constant 112 : index
      %get3A_366 = tpu.vector_load %arg6[%get3A_364, %get3A_365] {strides = array<i32>} : memref<128x128xf32, #tpu.memory_space<vmem>>, vector<16xf32>,
      %mul3A_367 = arith.mulf %get3A_345, %get3A_345 : vector<16xf32>
      %mul3A_368 = arith.mulf %get3A_348, %get3A_348 : vector<16xf32>
      %add3A_369 = arith.addf %mul3A_367, %mul3A_368 : vector<16xf32>
      %mul3A_370 = arith.mulf %get3A_351, %get3A_351 : vector<16xf32>
      %add3A_371 = arith.addf %add3A_369, %mul3A_370 : vector<16xf32>
      %mul3A_372 = arith.mulf %get3A_354, %get3A_354 : vector<16xf32>
      %add3A_373 = arith.addf %add3A_371, %mul3A_372 : vector<16xf32>
      %mul3A_374 = arith.mulf %get3A_357, %get3A_357 : vector<16xf32>
      %add3A_375 = arith.addf %add3A_373, %mul3A_374 : vector<16xf32>
      %mul3A_376 = arith.mulf %get3A_360, %get3A_360 : vector<16xf32>
      %add3A_377 = arith.addf %add3A_375, %mul3A_376 : vector<16xf32>
      %mul3A_378 = arith.mulf %get3A_363, %get3A_363 : vector<16xf32>
      %add3A_379 = arith.addf %add3A_377, %mul3A_378 : vector<16xf32>
      %mul3A_380 = arith.mulf %get3A_366, %get3A_366 : vector<16xf32>
      %add3A_381 = arith.addf %add3A_379, %mul3A_380 : vector<16xf32>
      %iota3A_382 = tpu.iota {dimensions = array<i32: 0>} : vector<16xi32>
      %xor3A_383 = arith.constant 8 : i32
      %xor3A_384 = vector.broadcast %xor3A_383 : i32 to vector<16xi32>
      %xor3A_385 = arith.xori %iota3A_382, %xor3A_384 : vector<16xi32>
      %broadcast_in_dim3A_386 = vector.shape_cast %xor3A_385 : vector<16xi32> to vector<16x1xi32>
      %gather3A_387 = vector.shape_cast %broadcast_in_dim3A_386 : vector<16x1xi32> to vector<16xi32>
      %gather3A_388 = tpu.dynamic_gather %add3A_381[%gather3A_387] in [0] : vector<16xf32>, vector<16xi32> -> vector<16xf32>
      %add3A_389 = arith.addf %add3A_381, %gather3A_388 : vector<16xf32>
      %xor3A_390 = arith.constant 4 : i32
      %xor3A_391 = vector.broadcast %xor3A_390 : i32 to vector<16xi32>
      %xor3A_392 = arith.xori %iota3A_382, %xor3A_391 : vector<16xi32>
      %broadcast_in_dim3A_393 = vector.shape_cast %xor3A_392 : vector<16xi32> to vector<16x1xi32>
      %gather3A_394 = vector.shape_cast %broadcast_in_dim3A_393 : vector<16x1xi32> to vector<16xi32>
      %gather3A_395 = tpu.dynamic_gather %add3A_389[%gather3A_394] in [0] : vector<16xf32>, vector<16xi32> -> vector<16xf32>
      %add3A_396 = arith.addf %add3A_389, %gather3A_395 : vector<16xf32>
      %xor3A_397 = arith.constant 2 : i32
      %xor3A_398 = vector.broadcast %xor3A_397 : i32 to vector<16xi32>
      %xor3A_399 = arith.xori %iota3A_382, %xor3A_398 : vector<16xi32>
      %broadcast_in_dim3A_400 = vector.shape_cast %xor3A_399 : vector<16xi32> to vector<16x1xi32>
      %gather3A_401 = vector.shape_cast %broadcast_in_dim3A_400 : vector<16x1xi32> to vector<16xi32>
      %gather3A_402 = tpu.dynamic_gather %add3A_396[%gather3A_401] in [0] : vector<16xf32>, vector<16xi32> -> vector<16xf32>
      %add3A_403 = arith.addf %add3A_396, %gather3A_402 : vector<16xf32>
      %xor3A_404 = arith.constant 1 : i32
      %xor3A_405 = vector.broadcast %xor3A_404 : i32 to vector<16xi32>
      %xor3A_406 = arith.xori %iota3A_382, %xor3A_405 : vector<16xi32>
      %broadcast_in_dim3A_407 = vector.shape_cast %xor3A_406 : vector<16xi32> to vector<16x1xi32>
      %gather3A_408 = vector.shape_cast %broadcast_in_dim3A_407 : vector<16x1xi32> to vector<16xi32>
      %gather3A_409 = tpu.dynamic_gather %add3A_403[%gather3A_408] in [0] : vector<16xf32>, vector<16xi32> -> vector<16xf32>
      %add3A_410 = arith.addf %add3A_403, %gather3A_409 : vector<16xf32>
      %bitcast3A_411 = vector.bitcast %add3A_410 : vector<16xf32> to vector<16xi32>
      %shift_right_arithmetic3A_412 = arith.constant 1 : i32
      %shift_right_arithmetic3A_413 = vector.broadcast %shift_right_arithmetic3A_412 : i32 to vector<16xi32>
      %shift_right_arithmetic3A_414 = arith.shrsi %bitcast3A_411, %shift_right_arithmetic3A_413 : vector<16xi32>
      %sub3A_415 = arith.constant 1597463007 : i32
      %sub3A_416 = vector.broadcast %sub3A_415 : i32 to vector<16xi32>
      %sub3A_417 = arith.subi %sub3A_416, %shift_right_arithmetic3A_414 : vector<16xi32>
      %bitcast3A_418 = vector.bitcast %sub3A_417 : vector<16xi32> to vector<16xf32>
      %mul3A_419 = arith.constant 5.000000e-01 : f32
      %mul3A_420 = vector.broadcast %mul3A_419 : f32 to vector<16xf32>
      %mul3A_421 = arith.mulf %add3A_410, %mul3A_420 : vector<16xf32>
      %mul3A_422 = arith.mulf %mul3A_421, %bitcast3A_418 : vector<16xf32>
      %mul3A_423 = arith.mulf %mul3A_422, %bitcast3A_418 : vector<16xf32>
      %sub3A_424 = arith.constant 1.500000e+00 : f32
      %sub3A_425 = vector.broadcast %sub3A_424 : f32 to vector<16xf32>
      %sub3A_426 = arith.subf %sub3A_425, %mul3A_423 : vector<16xf32>
      %mul3A_427 = arith.mulf %bitcast3A_418, %sub3A_426 : vector<16xf32>
      %mul3A_428 = arith.mulf %get3A_345, %mul3A_427 : vector<16xf32>
      %swap3A_429 = arith.index_cast %add3A_342 : i32 to index
      %swap3A_430 = arith.constant 0 : index
      %swap3A_431 = tpu.vector_load %arg6[%swap3A_429, %swap3A_430] {strides = array<i32>} : memref<128x128xf32, #tpu.memory_space<vmem>>, vector<16xf32>,
      tpu.vector_store %arg6[%swap3A_429, %swap3A_430], %mul3A_428 {strides = array<i32>} : memref<128x128xf32, #tpu.memory_space<vmem>>, vector<16xf32>,
      %mul3A_432 = arith.mulf %get3A_348, %mul3A_427 : vector<16xf32>
      %swap3A_433 = arith.index_cast %add3A_342 : i32 to index
      %swap3A_434 = arith.constant 16 : index
      %swap3A_435 = tpu.vector_load %arg6[%swap3A_433, %swap3A_434] {strides = array<i32>} : memref<128x128xf32, #tpu.memory_space<vmem>>, vector<16xf32>,
      tpu.vector_store %arg6[%swap3A_433, %swap3A_434], %mul3A_432 {strides = array<i32>} : memref<128x128xf32, #tpu.memory_space<vmem>>, vector<16xf32>,
      %mul3A_436 = arith.mulf %get3A_351, %mul3A_427 : vector<16xf32>
      %swap3A_437 = arith.index_cast %add3A_342 : i32 to index
      %swap3A_438 = arith.constant 32 : index
      %swap3A_439 = tpu.vector_load %arg6[%swap3A_437, %swap3A_438] {strides = array<i32>} : memref<128x128xf32, #tpu.memory_space<vmem>>, vector<16xf32>,
      tpu.vector_store %arg6[%swap3A_437, %swap3A_438], %mul3A_436 {strides = array<i32>} : memref<128x128xf32, #tpu.memory_space<vmem>>, vector<16xf32>,
      %mul3A_440 = arith.mulf %get3A_354, %mul3A_427 : vector<16xf32>
      %swap3A_441 = arith.index_cast %add3A_342 : i32 to index
      %swap3A_442 = arith.constant 48 : index
      %swap3A_443 = tpu.vector_load %arg6[%swap3A_441, %swap3A_442] {strides = array<i32>} : memref<128x128xf32, #tpu.memory_space<vmem>>, vector<16xf32>,
      tpu.vector_store %arg6[%swap3A_441, %swap3A_442], %mul3A_440 {strides = array<i32>} : memref<128x128xf32, #tpu.memory_space<vmem>>, vector<16xf32>,
      %mul3A_444 = arith.mulf %get3A_357, %mul3A_427 : vector<16xf32>
      %swap3A_445 = arith.index_cast %add3A_342 : i32 to index
      %swap3A_446 = arith.constant 64 : index
      %swap3A_447 = tpu.vector_load %arg6[%swap3A_445, %swap3A_446] {strides = array<i32>} : memref<128x128xf32, #tpu.memory_space<vmem>>, vector<16xf32>,
      tpu.vector_store %arg6[%swap3A_445, %swap3A_446], %mul3A_444 {strides = array<i32>} : memref<128x128xf32, #tpu.memory_space<vmem>>, vector<16xf32>,
      %mul3A_448 = arith.mulf %get3A_360, %mul3A_427 : vector<16xf32>
      %swap3A_449 = arith.index_cast %add3A_342 : i32 to index
      %swap3A_450 = arith.constant 80 : index
      %swap3A_451 = tpu.vector_load %arg6[%swap3A_449, %swap3A_450] {strides = array<i32>} : memref<128x128xf32, #tpu.memory_space<vmem>>, vector<16xf32>,
      tpu.vector_store %arg6[%swap3A_449, %swap3A_450], %mul3A_448 {strides = array<i32>} : memref<128x128xf32, #tpu.memory_space<vmem>>, vector<16xf32>,
      %mul3A_452 = arith.mulf %get3A_363, %mul3A_427 : vector<16xf32>
      %swap3A_453 = arith.index_cast %add3A_342 : i32 to index
      %swap3A_454 = arith.constant 96 : index
      %swap3A_455 = tpu.vector_load %arg6[%swap3A_453, %swap3A_454] {strides = array<i32>} : memref<128x128xf32, #tpu.memory_space<vmem>>, vector<16xf32>,
      tpu.vector_store %arg6[%swap3A_453, %swap3A_454], %mul3A_452 {strides = array<i32>} : memref<128x128xf32, #tpu.memory_space<vmem>>, vector<16xf32>,
      %mul3A_456 = arith.mulf %get3A_366, %mul3A_427 : vector<16xf32>
      %swap3A_457 = arith.index_cast %add3A_342 : i32 to index
      %swap3A_458 = arith.constant 112 : index
      %swap3A_459 = tpu.vector_load %arg6[%swap3A_457, %swap3A_458] {strides = array<i32>} : memref<128x128xf32, #tpu.memory_space<vmem>>, vector<16xf32>,
      tpu.vector_store %arg6[%swap3A_457, %swap3A_458], %mul3A_456 {strides = array<i32>} : memref<128x128xf32, #tpu.memory_space<vmem>>, vector<16xf32>,
      %mul3A_460 = arith.constant 4 : i32
      %mul3A_461 = arith.muli %scan3A_222, %mul3A_460 : i32
      %add3A_462 = arith.constant 32 : i32
      %add3A_463 = arith.addi %add3A_462, %mul3A_461 : i32
      %add3A_464 = arith.constant 2 : i32
      %add3A_465 = arith.addi %add3A_463, %add3A_464 : i32
      %get3A_466 = arith.index_cast %add3A_465 : i32 to index
      %get3A_467 = arith.constant 0 : index
      %get3A_468 = tpu.vector_load %arg6[%get3A_466, %get3A_467] {strides = array<i32>} : memref<128x128xf32, #tpu.memory_space<vmem>>, vector<16xf32>,
      %get3A_469 = arith.index_cast %add3A_465 : i32 to index
      %get3A_470 = arith.constant 16 : index
      %get3A_471 = tpu.vector_load %arg6[%get3A_469, %get3A_470] {strides = array<i32>} : memref<128x128xf32, #tpu.memory_space<vmem>>, vector<16xf32>,
      %get3A_472 = arith.index_cast %add3A_465 : i32 to index
      %get3A_473 = arith.constant 32 : index
      %get3A_474 = tpu.vector_load %arg6[%get3A_472, %get3A_473] {strides = array<i32>} : memref<128x128xf32, #tpu.memory_space<vmem>>, vector<16xf32>,
      %get3A_475 = arith.index_cast %add3A_465 : i32 to index
      %get3A_476 = arith.constant 48 : index
      %get3A_477 = tpu.vector_load %arg6[%get3A_475, %get3A_476] {strides = array<i32>} : memref<128x128xf32, #tpu.memory_space<vmem>>, vector<16xf32>,
      %get3A_478 = arith.index_cast %add3A_465 : i32 to index
      %get3A_479 = arith.constant 64 : index
      %get3A_480 = tpu.vector_load %arg6[%get3A_478, %get3A_479] {strides = array<i32>} : memref<128x128xf32, #tpu.memory_space<vmem>>, vector<16xf32>,
      %get3A_481 = arith.index_cast %add3A_465 : i32 to index
      %get3A_482 = arith.constant 80 : index
      %get3A_483 = tpu.vector_load %arg6[%get3A_481, %get3A_482] {strides = array<i32>} : memref<128x128xf32, #tpu.memory_space<vmem>>, vector<16xf32>,
      %get3A_484 = arith.index_cast %add3A_465 : i32 to index
      %get3A_485 = arith.constant 96 : index
      %get3A_486 = tpu.vector_load %arg6[%get3A_484, %get3A_485] {strides = array<i32>} : memref<128x128xf32, #tpu.memory_space<vmem>>, vector<16xf32>,
      %get3A_487 = arith.index_cast %add3A_465 : i32 to index
      %get3A_488 = arith.constant 112 : index
      %get3A_489 = tpu.vector_load %arg6[%get3A_487, %get3A_488] {strides = array<i32>} : memref<128x128xf32, #tpu.memory_space<vmem>>, vector<16xf32>,
      %mul3A_490 = arith.mulf %get3A_468, %get3A_468 : vector<16xf32>
      %mul3A_491 = arith.mulf %get3A_471, %get3A_471 : vector<16xf32>
      %add3A_492 = arith.addf %mul3A_490, %mul3A_491 : vector<16xf32>
      %mul3A_493 = arith.mulf %get3A_474, %get3A_474 : vector<16xf32>
      %add3A_494 = arith.addf %add3A_492, %mul3A_493 : vector<16xf32>
      %mul3A_495 = arith.mulf %get3A_477, %get3A_477 : vector<16xf32>
      %add3A_496 = arith.addf %add3A_494, %mul3A_495 : vector<16xf32>
      %mul3A_497 = arith.mulf %get3A_480, %get3A_480 : vector<16xf32>
      %add3A_498 = arith.addf %add3A_496, %mul3A_497 : vector<16xf32>
      %mul3A_499 = arith.mulf %get3A_483, %get3A_483 : vector<16xf32>
      %add3A_500 = arith.addf %add3A_498, %mul3A_499 : vector<16xf32>
      %mul3A_501 = arith.mulf %get3A_486, %get3A_486 : vector<16xf32>
      %add3A_502 = arith.addf %add3A_500, %mul3A_501 : vector<16xf32>
      %mul3A_503 = arith.mulf %get3A_489, %get3A_489 : vector<16xf32>
      %add3A_504 = arith.addf %add3A_502, %mul3A_503 : vector<16xf32>
      %iota3A_505 = tpu.iota {dimensions = array<i32: 0>} : vector<16xi32>
      %xor3A_506 = arith.constant 8 : i32
      %xor3A_507 = vector.broadcast %xor3A_506 : i32 to vector<16xi32>
      %xor3A_508 = arith.xori %iota3A_505, %xor3A_507 : vector<16xi32>
      %broadcast_in_dim3A_509 = vector.shape_cast %xor3A_508 : vector<16xi32> to vector<16x1xi32>
      %gather3A_510 = vector.shape_cast %broadcast_in_dim3A_509 : vector<16x1xi32> to vector<16xi32>
      %gather3A_511 = tpu.dynamic_gather %add3A_504[%gather3A_510] in [0] : vector<16xf32>, vector<16xi32> -> vector<16xf32>
      %add3A_512 = arith.addf %add3A_504, %gather3A_511 : vector<16xf32>
      %xor3A_513 = arith.constant 4 : i32
      %xor3A_514 = vector.broadcast %xor3A_513 : i32 to vector<16xi32>
      %xor3A_515 = arith.xori %iota3A_505, %xor3A_514 : vector<16xi32>
      %broadcast_in_dim3A_516 = vector.shape_cast %xor3A_515 : vector<16xi32> to vector<16x1xi32>
      %gather3A_517 = vector.shape_cast %broadcast_in_dim3A_516 : vector<16x1xi32> to vector<16xi32>
      %gather3A_518 = tpu.dynamic_gather %add3A_512[%gather3A_517] in [0] : vector<16xf32>, vector<16xi32> -> vector<16xf32>
      %add3A_519 = arith.addf %add3A_512, %gather3A_518 : vector<16xf32>
      %xor3A_520 = arith.constant 2 : i32
      %xor3A_521 = vector.broadcast %xor3A_520 : i32 to vector<16xi32>
      %xor3A_522 = arith.xori %iota3A_505, %xor3A_521 : vector<16xi32>
      %broadcast_in_dim3A_523 = vector.shape_cast %xor3A_522 : vector<16xi32> to vector<16x1xi32>
      %gather3A_524 = vector.shape_cast %broadcast_in_dim3A_523 : vector<16x1xi32> to vector<16xi32>
      %gather3A_525 = tpu.dynamic_gather %add3A_519[%gather3A_524] in [0] : vector<16xf32>, vector<16xi32> -> vector<16xf32>
      %add3A_526 = arith.addf %add3A_519, %gather3A_525 : vector<16xf32>
      %xor3A_527 = arith.constant 1 : i32
      %xor3A_528 = vector.broadcast %xor3A_527 : i32 to vector<16xi32>
      %xor3A_529 = arith.xori %iota3A_505, %xor3A_528 : vector<16xi32>
      %broadcast_in_dim3A_530 = vector.shape_cast %xor3A_529 : vector<16xi32> to vector<16x1xi32>
      %gather3A_531 = vector.shape_cast %broadcast_in_dim3A_530 : vector<16x1xi32> to vector<16xi32>
      %gather3A_532 = tpu.dynamic_gather %add3A_526[%gather3A_531] in [0] : vector<16xf32>, vector<16xi32> -> vector<16xf32>
      %add3A_533 = arith.addf %add3A_526, %gather3A_532 : vector<16xf32>
      %bitcast3A_534 = vector.bitcast %add3A_533 : vector<16xf32> to vector<16xi32>
      %shift_right_arithmetic3A_535 = arith.constant 1 : i32
      %shift_right_arithmetic3A_536 = vector.broadcast %shift_right_arithmetic3A_535 : i32 to vector<16xi32>
      %shift_right_arithmetic3A_537 = arith.shrsi %bitcast3A_534, %shift_right_arithmetic3A_536 : vector<16xi32>
      %sub3A_538 = arith.constant 1597463007 : i32
      %sub3A_539 = vector.broadcast %sub3A_538 : i32 to vector<16xi32>
      %sub3A_540 = arith.subi %sub3A_539, %shift_right_arithmetic3A_537 : vector<16xi32>
      %bitcast3A_541 = vector.bitcast %sub3A_540 : vector<16xi32> to vector<16xf32>
      %mul3A_542 = arith.constant 5.000000e-01 : f32
      %mul3A_543 = vector.broadcast %mul3A_542 : f32 to vector<16xf32>
      %mul3A_544 = arith.mulf %add3A_533, %mul3A_543 : vector<16xf32>
      %mul3A_545 = arith.mulf %mul3A_544, %bitcast3A_541 : vector<16xf32>
      %mul3A_546 = arith.mulf %mul3A_545, %bitcast3A_541 : vector<16xf32>
      %sub3A_547 = arith.constant 1.500000e+00 : f32
      %sub3A_548 = vector.broadcast %sub3A_547 : f32 to vector<16xf32>
      %sub3A_549 = arith.subf %sub3A_548, %mul3A_546 : vector<16xf32>
      %mul3A_550 = arith.mulf %bitcast3A_541, %sub3A_549 : vector<16xf32>
      %mul3A_551 = arith.mulf %get3A_468, %mul3A_550 : vector<16xf32>
      %swap3A_552 = arith.index_cast %add3A_465 : i32 to index
      %swap3A_553 = arith.constant 0 : index
      %swap3A_554 = tpu.vector_load %arg6[%swap3A_552, %swap3A_553] {strides = array<i32>} : memref<128x128xf32, #tpu.memory_space<vmem>>, vector<16xf32>,
      tpu.vector_store %arg6[%swap3A_552, %swap3A_553], %mul3A_551 {strides = array<i32>} : memref<128x128xf32, #tpu.memory_space<vmem>>, vector<16xf32>,
      %mul3A_555 = arith.mulf %get3A_471, %mul3A_550 : vector<16xf32>
      %swap3A_556 = arith.index_cast %add3A_465 : i32 to index
      %swap3A_557 = arith.constant 16 : index
      %swap3A_558 = tpu.vector_load %arg6[%swap3A_556, %swap3A_557] {strides = array<i32>} : memref<128x128xf32, #tpu.memory_space<vmem>>, vector<16xf32>,
      tpu.vector_store %arg6[%swap3A_556, %swap3A_557], %mul3A_555 {strides = array<i32>} : memref<128x128xf32, #tpu.memory_space<vmem>>, vector<16xf32>,
      %mul3A_559 = arith.mulf %get3A_474, %mul3A_550 : vector<16xf32>
      %swap3A_560 = arith.index_cast %add3A_465 : i32 to index
      %swap3A_561 = arith.constant 32 : index
      %swap3A_562 = tpu.vector_load %arg6[%swap3A_560, %swap3A_561] {strides = array<i32>} : memref<128x128xf32, #tpu.memory_space<vmem>>, vector<16xf32>,
      tpu.vector_store %arg6[%swap3A_560, %swap3A_561], %mul3A_559 {strides = array<i32>} : memref<128x128xf32, #tpu.memory_space<vmem>>, vector<16xf32>,
      %mul3A_563 = arith.mulf %get3A_477, %mul3A_550 : vector<16xf32>
      %swap3A_564 = arith.index_cast %add3A_465 : i32 to index
      %swap3A_565 = arith.constant 48 : index
      %swap3A_566 = tpu.vector_load %arg6[%swap3A_564, %swap3A_565] {strides = array<i32>} : memref<128x128xf32, #tpu.memory_space<vmem>>, vector<16xf32>,
      tpu.vector_store %arg6[%swap3A_564, %swap3A_565], %mul3A_563 {strides = array<i32>} : memref<128x128xf32, #tpu.memory_space<vmem>>, vector<16xf32>,
      %mul3A_567 = arith.mulf %get3A_480, %mul3A_550 : vector<16xf32>
      %swap3A_568 = arith.index_cast %add3A_465 : i32 to index
      %swap3A_569 = arith.constant 64 : index
      %swap3A_570 = tpu.vector_load %arg6[%swap3A_568, %swap3A_569] {strides = array<i32>} : memref<128x128xf32, #tpu.memory_space<vmem>>, vector<16xf32>,
      tpu.vector_store %arg6[%swap3A_568, %swap3A_569], %mul3A_567 {strides = array<i32>} : memref<128x128xf32, #tpu.memory_space<vmem>>, vector<16xf32>,
      %mul3A_571 = arith.mulf %get3A_483, %mul3A_550 : vector<16xf32>
      %swap3A_572 = arith.index_cast %add3A_465 : i32 to index
      %swap3A_573 = arith.constant 80 : index
      %swap3A_574 = tpu.vector_load %arg6[%swap3A_572, %swap3A_573] {strides = array<i32>} : memref<128x128xf32, #tpu.memory_space<vmem>>, vector<16xf32>,
      tpu.vector_store %arg6[%swap3A_572, %swap3A_573], %mul3A_571 {strides = array<i32>} : memref<128x128xf32, #tpu.memory_space<vmem>>, vector<16xf32>,
      %mul3A_575 = arith.mulf %get3A_486, %mul3A_550 : vector<16xf32>
      %swap3A_576 = arith.index_cast %add3A_465 : i32 to index
      %swap3A_577 = arith.constant 96 : index
      %swap3A_578 = tpu.vector_load %arg6[%swap3A_576, %swap3A_577] {strides = array<i32>} : memref<128x128xf32, #tpu.memory_space<vmem>>, vector<16xf32>,
      tpu.vector_store %arg6[%swap3A_576, %swap3A_577], %mul3A_575 {strides = array<i32>} : memref<128x128xf32, #tpu.memory_space<vmem>>, vector<16xf32>,
      %mul3A_579 = arith.mulf %get3A_489, %mul3A_550 : vector<16xf32>
      %swap3A_580 = arith.index_cast %add3A_465 : i32 to index
      %swap3A_581 = arith.constant 112 : index
      %swap3A_582 = tpu.vector_load %arg6[%swap3A_580, %swap3A_581] {strides = array<i32>} : memref<128x128xf32, #tpu.memory_space<vmem>>, vector<16xf32>,
      tpu.vector_store %arg6[%swap3A_580, %swap3A_581], %mul3A_579 {strides = array<i32>} : memref<128x128xf32, #tpu.memory_space<vmem>>, vector<16xf32>,
      %mul3A_583 = arith.constant 4 : i32
      %mul3A_584 = arith.muli %scan3A_222, %mul3A_583 : i32
      %add3A_585 = arith.constant 32 : i32
      %add3A_586 = arith.addi %add3A_585, %mul3A_584 : i32
      %add3A_587 = arith.constant 3 : i32
      %add3A_588 = arith.addi %add3A_586, %add3A_587 : i32
      %get3A_589 = arith.index_cast %add3A_588 : i32 to index
      %get3A_590 = arith.constant 0 : index
      %get3A_591 = tpu.vector_load %arg6[%get3A_589, %get3A_590] {strides = array<i32>} : memref<128x128xf32, #tpu.memory_space<vmem>>, vector<16xf32>,
      %get3A_592 = arith.index_cast %add3A_588 : i32 to index
      %get3A_593 = arith.constant 16 : index
      %get3A_594 = tpu.vector_load %arg6[%get3A_592, %get3A_593] {strides = array<i32>} : memref<128x128xf32, #tpu.memory_space<vmem>>, vector<16xf32>,
      %get3A_595 = arith.index_cast %add3A_588 : i32 to index
      %get3A_596 = arith.constant 32 : index
      %get3A_597 = tpu.vector_load %arg6[%get3A_595, %get3A_596] {strides = array<i32>} : memref<128x128xf32, #tpu.memory_space<vmem>>, vector<16xf32>,
      %get3A_598 = arith.index_cast %add3A_588 : i32 to index
      %get3A_599 = arith.constant 48 : index
      %get3A_600 = tpu.vector_load %arg6[%get3A_598, %get3A_599] {strides = array<i32>} : memref<128x128xf32, #tpu.memory_space<vmem>>, vector<16xf32>,
      %get3A_601 = arith.index_cast %add3A_588 : i32 to index
      %get3A_602 = arith.constant 64 : index
      %get3A_603 = tpu.vector_load %arg6[%get3A_601, %get3A_602] {strides = array<i32>} : memref<128x128xf32, #tpu.memory_space<vmem>>, vector<16xf32>,
      %get3A_604 = arith.index_cast %add3A_588 : i32 to index
      %get3A_605 = arith.constant 80 : index
      %get3A_606 = tpu.vector_load %arg6[%get3A_604, %get3A_605] {strides = array<i32>} : memref<128x128xf32, #tpu.memory_space<vmem>>, vector<16xf32>,
      %get3A_607 = arith.index_cast %add3A_588 : i32 to index
      %get3A_608 = arith.constant 96 : index
      %get3A_609 = tpu.vector_load %arg6[%get3A_607, %get3A_608] {strides = array<i32>} : memref<128x128xf32, #tpu.memory_space<vmem>>, vector<16xf32>,
      %get3A_610 = arith.index_cast %add3A_588 : i32 to index
      %get3A_611 = arith.constant 112 : index
      %get3A_612 = tpu.vector_load %arg6[%get3A_610, %get3A_611] {strides = array<i32>} : memref<128x128xf32, #tpu.memory_space<vmem>>, vector<16xf32>,
      %mul3A_613 = arith.mulf %get3A_591, %get3A_591 : vector<16xf32>
      %mul3A_614 = arith.mulf %get3A_594, %get3A_594 : vector<16xf32>
      %add3A_615 = arith.addf %mul3A_613, %mul3A_614 : vector<16xf32>
      %mul3A_616 = arith.mulf %get3A_597, %get3A_597 : vector<16xf32>
      %add3A_617 = arith.addf %add3A_615, %mul3A_616 : vector<16xf32>
      %mul3A_618 = arith.mulf %get3A_600, %get3A_600 : vector<16xf32>
      %add3A_619 = arith.addf %add3A_617, %mul3A_618 : vector<16xf32>
      %mul3A_620 = arith.mulf %get3A_603, %get3A_603 : vector<16xf32>
      %add3A_621 = arith.addf %add3A_619, %mul3A_620 : vector<16xf32>
      %mul3A_622 = arith.mulf %get3A_606, %get3A_606 : vector<16xf32>
      %add3A_623 = arith.addf %add3A_621, %mul3A_622 : vector<16xf32>
      %mul3A_624 = arith.mulf %get3A_609, %get3A_609 : vector<16xf32>
      %add3A_625 = arith.addf %add3A_623, %mul3A_624 : vector<16xf32>
      %mul3A_626 = arith.mulf %get3A_612, %get3A_612 : vector<16xf32>
      %add3A_627 = arith.addf %add3A_625, %mul3A_626 : vector<16xf32>
      %iota3A_628 = tpu.iota {dimensions = array<i32: 0>} : vector<16xi32>
      %xor3A_629 = arith.constant 8 : i32
      %xor3A_630 = vector.broadcast %xor3A_629 : i32 to vector<16xi32>
      %xor3A_631 = arith.xori %iota3A_628, %xor3A_630 : vector<16xi32>
      %broadcast_in_dim3A_632 = vector.shape_cast %xor3A_631 : vector<16xi32> to vector<16x1xi32>
      %gather3A_633 = vector.shape_cast %broadcast_in_dim3A_632 : vector<16x1xi32> to vector<16xi32>
      %gather3A_634 = tpu.dynamic_gather %add3A_627[%gather3A_633] in [0] : vector<16xf32>, vector<16xi32> -> vector<16xf32>
      %add3A_635 = arith.addf %add3A_627, %gather3A_634 : vector<16xf32>
      %xor3A_636 = arith.constant 4 : i32
      %xor3A_637 = vector.broadcast %xor3A_636 : i32 to vector<16xi32>
      %xor3A_638 = arith.xori %iota3A_628, %xor3A_637 : vector<16xi32>
      %broadcast_in_dim3A_639 = vector.shape_cast %xor3A_638 : vector<16xi32> to vector<16x1xi32>
      %gather3A_640 = vector.shape_cast %broadcast_in_dim3A_639 : vector<16x1xi32> to vector<16xi32>
      %gather3A_641 = tpu.dynamic_gather %add3A_635[%gather3A_640] in [0] : vector<16xf32>, vector<16xi32> -> vector<16xf32>
      %add3A_642 = arith.addf %add3A_635, %gather3A_641 : vector<16xf32>
      %xor3A_643 = arith.constant 2 : i32
      %xor3A_644 = vector.broadcast %xor3A_643 : i32 to vector<16xi32>
      %xor3A_645 = arith.xori %iota3A_628, %xor3A_644 : vector<16xi32>
      %broadcast_in_dim3A_646 = vector.shape_cast %xor3A_645 : vector<16xi32> to vector<16x1xi32>
      %gather3A_647 = vector.shape_cast %broadcast_in_dim3A_646 : vector<16x1xi32> to vector<16xi32>
      %gather3A_648 = tpu.dynamic_gather %add3A_642[%gather3A_647] in [0] : vector<16xf32>, vector<16xi32> -> vector<16xf32>
      %add3A_649 = arith.addf %add3A_642, %gather3A_648 : vector<16xf32>
      %xor3A_650 = arith.constant 1 : i32
      %xor3A_651 = vector.broadcast %xor3A_650 : i32 to vector<16xi32>
      %xor3A_652 = arith.xori %iota3A_628, %xor3A_651 : vector<16xi32>
      %broadcast_in_dim3A_653 = vector.shape_cast %xor3A_652 : vector<16xi32> to vector<16x1xi32>
      %gather3A_654 = vector.shape_cast %broadcast_in_dim3A_653 : vector<16x1xi32> to vector<16xi32>
      %gather3A_655 = tpu.dynamic_gather %add3A_649[%gather3A_654] in [0] : vector<16xf32>, vector<16xi32> -> vector<16xf32>
      %add3A_656 = arith.addf %add3A_649, %gather3A_655 : vector<16xf32>
      %bitcast3A_657 = vector.bitcast %add3A_656 : vector<16xf32> to vector<16xi32>
      %shift_right_arithmetic3A_658 = arith.constant 1 : i32
      %shift_right_arithmetic3A_659 = vector.broadcast %shift_right_arithmetic3A_658 : i32 to vector<16xi32>
      %shift_right_arithmetic3A_660 = arith.shrsi %bitcast3A_657, %shift_right_arithmetic3A_659 : vector<16xi32>
      %sub3A_661 = arith.constant 1597463007 : i32
      %sub3A_662 = vector.broadcast %sub3A_661 : i32 to vector<16xi32>
      %sub3A_663 = arith.subi %sub3A_662, %shift_right_arithmetic3A_660 : vector<16xi32>
      %bitcast3A_664 = vector.bitcast %sub3A_663 : vector<16xi32> to vector<16xf32>
      %mul3A_665 = arith.constant 5.000000e-01 : f32
      %mul3A_666 = vector.broadcast %mul3A_665 : f32 to vector<16xf32>
      %mul3A_667 = arith.mulf %add3A_656, %mul3A_666 : vector<16xf32>
      %mul3A_668 = arith.mulf %mul3A_667, %bitcast3A_664 : vector<16xf32>
      %mul3A_669 = arith.mulf %mul3A_668, %bitcast3A_664 : vector<16xf32>
      %sub3A_670 = arith.constant 1.500000e+00 : f32
      %sub3A_671 = vector.broadcast %sub3A_670 : f32 to vector<16xf32>
      %sub3A_672 = arith.subf %sub3A_671, %mul3A_669 : vector<16xf32>
      %mul3A_673 = arith.mulf %bitcast3A_664, %sub3A_672 : vector<16xf32>
      %mul3A_674 = arith.mulf %get3A_591, %mul3A_673 : vector<16xf32>
      %swap3A_675 = arith.index_cast %add3A_588 : i32 to index
      %swap3A_676 = arith.constant 0 : index
      %swap3A_677 = tpu.vector_load %arg6[%swap3A_675, %swap3A_676] {strides = array<i32>} : memref<128x128xf32, #tpu.memory_space<vmem>>, vector<16xf32>,
      tpu.vector_store %arg6[%swap3A_675, %swap3A_676], %mul3A_674 {strides = array<i32>} : memref<128x128xf32, #tpu.memory_space<vmem>>, vector<16xf32>,
      %mul3A_678 = arith.mulf %get3A_594, %mul3A_673 : vector<16xf32>
      %swap3A_679 = arith.index_cast %add3A_588 : i32 to index
      %swap3A_680 = arith.constant 16 : index
      %swap3A_681 = tpu.vector_load %arg6[%swap3A_679, %swap3A_680] {strides = array<i32>} : memref<128x128xf32, #tpu.memory_space<vmem>>, vector<16xf32>,
      tpu.vector_store %arg6[%swap3A_679, %swap3A_680], %mul3A_678 {strides = array<i32>} : memref<128x128xf32, #tpu.memory_space<vmem>>, vector<16xf32>,
      %mul3A_682 = arith.mulf %get3A_597, %mul3A_673 : vector<16xf32>
      %swap3A_683 = arith.index_cast %add3A_588 : i32 to index
      %swap3A_684 = arith.constant 32 : index
      %swap3A_685 = tpu.vector_load %arg6[%swap3A_683, %swap3A_684] {strides = array<i32>} : memref<128x128xf32, #tpu.memory_space<vmem>>, vector<16xf32>,
      tpu.vector_store %arg6[%swap3A_683, %swap3A_684], %mul3A_682 {strides = array<i32>} : memref<128x128xf32, #tpu.memory_space<vmem>>, vector<16xf32>,
      %mul3A_686 = arith.mulf %get3A_600, %mul3A_673 : vector<16xf32>
      %swap3A_687 = arith.index_cast %add3A_588 : i32 to index
      %swap3A_688 = arith.constant 48 : index
      %swap3A_689 = tpu.vector_load %arg6[%swap3A_687, %swap3A_688] {strides = array<i32>} : memref<128x128xf32, #tpu.memory_space<vmem>>, vector<16xf32>,
      tpu.vector_store %arg6[%swap3A_687, %swap3A_688], %mul3A_686 {strides = array<i32>} : memref<128x128xf32, #tpu.memory_space<vmem>>, vector<16xf32>,
      %mul3A_690 = arith.mulf %get3A_603, %mul3A_673 : vector<16xf32>
      %swap3A_691 = arith.index_cast %add3A_588 : i32 to index
      %swap3A_692 = arith.constant 64 : index
      %swap3A_693 = tpu.vector_load %arg6[%swap3A_691, %swap3A_692] {strides = array<i32>} : memref<128x128xf32, #tpu.memory_space<vmem>>, vector<16xf32>,
      tpu.vector_store %arg6[%swap3A_691, %swap3A_692], %mul3A_690 {strides = array<i32>} : memref<128x128xf32, #tpu.memory_space<vmem>>, vector<16xf32>,
      %mul3A_694 = arith.mulf %get3A_606, %mul3A_673 : vector<16xf32>
      %swap3A_695 = arith.index_cast %add3A_588 : i32 to index
      %swap3A_696 = arith.constant 80 : index
      %swap3A_697 = tpu.vector_load %arg6[%swap3A_695, %swap3A_696] {strides = array<i32>} : memref<128x128xf32, #tpu.memory_space<vmem>>, vector<16xf32>,
      tpu.vector_store %arg6[%swap3A_695, %swap3A_696], %mul3A_694 {strides = array<i32>} : memref<128x128xf32, #tpu.memory_space<vmem>>, vector<16xf32>,
      %mul3A_698 = arith.mulf %get3A_609, %mul3A_673 : vector<16xf32>
      %swap3A_699 = arith.index_cast %add3A_588 : i32 to index
      %swap3A_700 = arith.constant 96 : index
      %swap3A_701 = tpu.vector_load %arg6[%swap3A_699, %swap3A_700] {strides = array<i32>} : memref<128x128xf32, #tpu.memory_space<vmem>>, vector<16xf32>,
      tpu.vector_store %arg6[%swap3A_699, %swap3A_700], %mul3A_698 {strides = array<i32>} : memref<128x128xf32, #tpu.memory_space<vmem>>, vector<16xf32>,
      %mul3A_702 = arith.mulf %get3A_612, %mul3A_673 : vector<16xf32>
      %swap3A_703 = arith.index_cast %add3A_588 : i32 to index
      %swap3A_704 = arith.constant 112 : index
      %swap3A_705 = tpu.vector_load %arg6[%swap3A_703, %swap3A_704] {strides = array<i32>} : memref<128x128xf32, #tpu.memory_space<vmem>>, vector<16xf32>,
      tpu.vector_store %arg6[%swap3A_703, %swap3A_704], %mul3A_702 {strides = array<i32>} : memref<128x128xf32, #tpu.memory_space<vmem>>, vector<16xf32>,
    }
    %scan3A_92 = arith.constant 12 : i32
    %add3A_93 = arith.constant 32 : i32
    %add3A_94 = arith.addi %mul3A_2, %add3A_93 : i32
    %dma_start3A_95 = arith.constant 1 : i32
    %dma_start3A_96 = arith.constant 32 : i32
    %dma_start3A_97 = arith.constant 0 : i32
    %dma_start3A_98 = tpu.memref_slice %arg6[%dma_start3A_96, %dma_start3A_97] : memref<128x128xf32, #tpu.memory_space<vmem>> -> memref<48x128xf32, #tpu.memory_space<vmem>>
    %dma_start3A_99 = arith.constant 0 : i32
    %dma_start3A_100 = tpu.memref_slice %arg4[%add3A_94, %dma_start3A_99] : memref<4096x128xf32, #tpu.memory_space<hbm>> -> memref<48x128xf32, #tpu.memory_space<hbm>>
    %dma_start3A_101 = tpu.memref_slice %arg8[%dma_start3A_95] : memref<4x!tpu.dma_semaphore, #tpu.memory_space<semaphore_mem>> -> memref<1x!tpu.dma_semaphore, #tpu.memory_space<semaphore_mem>>
    %dma_start3A_102 = tpu.memref_squeeze %dma_start3A_101 : memref<1x!tpu.dma_semaphore, #tpu.memory_space<semaphore_mem>> -> memref<!tpu.dma_semaphore, #tpu.memory_space<semaphore_mem>>
    %dma_start3A_103 = arith.constant 0 : i32
    %dma_start3A_104 = tpu.memref_slice %arg4[%add3A_94, %dma_start3A_103] : memref<4096x128xf32, #tpu.memory_space<hbm>> -> memref<48x128xf32, #tpu.memory_space<hbm>>
    %dma_start3A_105 = arith.constant 32 : i32
    %dma_start3A_106 = arith.constant 0 : i32
    %dma_start3A_107 = tpu.memref_slice %arg6[%dma_start3A_105, %dma_start3A_106] : memref<128x128xf32, #tpu.memory_space<vmem>> -> memref<48x128xf32, #tpu.memory_space<vmem>>
    tpu.enqueue_dma source(%dma_start3A_107 : memref<48x128xf32, #tpu.memory_space<vmem>>) target(%dma_start3A_104 : memref<48x128xf32, #tpu.memory_space<hbm>>) target_semaphore(%dma_start3A_102 : memref<!tpu.dma_semaphore, #tpu.memory_space<semaphore_mem>>)
    %dma_wait3A_108 = arith.constant 2 : i32
    %dma_wait3A_109 = arith.constant 80 : i32
    %dma_wait3A_110 = arith.constant 0 : i32
    %dma_wait3A_111 = tpu.memref_slice %arg6[%dma_wait3A_109, %dma_wait3A_110] : memref<128x128xf32, #tpu.memory_space<vmem>> -> memref<40x128xf32, #tpu.memory_space<vmem>>
    %dma_wait3A_112 = arith.constant 80 : i32
    %dma_wait3A_113 = tpu.memref_slice %arg5[%dma_wait3A_112] : memref<128xi32, #tpu.memory_space<vmem>> -> memref<40xi32, #tpu.memory_space<vmem>>
    %dma_wait3A_114 = arith.constant 0 : i32
    %dma_wait3A_115 = arith.constant 0 : i32
    %dma_wait3A_116 = tpu.memref_slice %arg3[%dma_wait3A_114, %dma_wait3A_115] : memref<100000x128xf32, #tpu.memory_space<hbm>> -> memref<100000x128xf32, #tpu.memory_space<hbm>>
    %dma_wait3A_117 = tpu.memref_slice %arg7[%dma_wait3A_108] : memref<4x!tpu.dma_semaphore, #tpu.memory_space<semaphore_mem>> -> memref<1x!tpu.dma_semaphore, #tpu.memory_space<semaphore_mem>>
    %dma_wait3A_118 = tpu.memref_squeeze %dma_wait3A_117 : memref<1x!tpu.dma_semaphore, #tpu.memory_space<semaphore_mem>> -> memref<!tpu.dma_semaphore, #tpu.memory_space<semaphore_mem>>
    tpu.wait_indirect_dma semaphore(%dma_wait3A_118 : memref<!tpu.dma_semaphore, #tpu.memory_space<semaphore_mem>>) src(%dma_wait3A_116 : memref<100000x128xf32, #tpu.memory_space<hbm>>) dst(%dma_wait3A_111 : memref<40x128xf32, #tpu.memory_space<vmem>>)
    %scan3A_119 = arith.constant 0 : i32
    %scan3A_120 = arith.constant 10 : i32
    %scan3A_121 = arith.addi %scan3A_119, %scan3A_120 : i32
    %scan3A_122 = arith.constant 1 : i32
    scf.for %scan3A_222 = %scan3A_119 to %scan3A_121 step %scan3A_122  : i32 {
      %mul3A_223 = arith.constant 4 : i32
      %mul3A_224 = arith.muli %scan3A_222, %mul3A_223 : i32
      %add3A_225 = arith.constant 80 : i32
      %add3A_226 = arith.addi %add3A_225, %mul3A_224 : i32
      %add3A_227 = arith.constant 0 : i32
      %add3A_228 = arith.addi %add3A_226, %add3A_227 : i32
      %get3A = arith.index_cast %add3A_228 : i32 to index
      %get3A_229 = arith.constant 0 : index
      %get3A_230 = tpu.vector_load %arg6[%get3A, %get3A_229] {strides = array<i32>} : memref<128x128xf32, #tpu.memory_space<vmem>>, vector<16xf32>,
      %get3A_231 = arith.index_cast %add3A_228 : i32 to index
      %get3A_232 = arith.constant 16 : index
      %get3A_233 = tpu.vector_load %arg6[%get3A_231, %get3A_232] {strides = array<i32>} : memref<128x128xf32, #tpu.memory_space<vmem>>, vector<16xf32>,
      %get3A_234 = arith.index_cast %add3A_228 : i32 to index
      %get3A_235 = arith.constant 32 : index
      %get3A_236 = tpu.vector_load %arg6[%get3A_234, %get3A_235] {strides = array<i32>} : memref<128x128xf32, #tpu.memory_space<vmem>>, vector<16xf32>,
      %get3A_237 = arith.index_cast %add3A_228 : i32 to index
      %get3A_238 = arith.constant 48 : index
      %get3A_239 = tpu.vector_load %arg6[%get3A_237, %get3A_238] {strides = array<i32>} : memref<128x128xf32, #tpu.memory_space<vmem>>, vector<16xf32>,
      %get3A_240 = arith.index_cast %add3A_228 : i32 to index
      %get3A_241 = arith.constant 64 : index
      %get3A_242 = tpu.vector_load %arg6[%get3A_240, %get3A_241] {strides = array<i32>} : memref<128x128xf32, #tpu.memory_space<vmem>>, vector<16xf32>,
      %get3A_243 = arith.index_cast %add3A_228 : i32 to index
      %get3A_244 = arith.constant 80 : index
      %get3A_245 = tpu.vector_load %arg6[%get3A_243, %get3A_244] {strides = array<i32>} : memref<128x128xf32, #tpu.memory_space<vmem>>, vector<16xf32>,
      %get3A_246 = arith.index_cast %add3A_228 : i32 to index
      %get3A_247 = arith.constant 96 : index
      %get3A_248 = tpu.vector_load %arg6[%get3A_246, %get3A_247] {strides = array<i32>} : memref<128x128xf32, #tpu.memory_space<vmem>>, vector<16xf32>,
      %get3A_249 = arith.index_cast %add3A_228 : i32 to index
      %get3A_250 = arith.constant 112 : index
      %get3A_251 = tpu.vector_load %arg6[%get3A_249, %get3A_250] {strides = array<i32>} : memref<128x128xf32, #tpu.memory_space<vmem>>, vector<16xf32>,
      %mul3A_252 = arith.mulf %get3A_230, %get3A_230 : vector<16xf32>
      %mul3A_253 = arith.mulf %get3A_233, %get3A_233 : vector<16xf32>
      %add3A_254 = arith.addf %mul3A_252, %mul3A_253 : vector<16xf32>
      %mul3A_255 = arith.mulf %get3A_236, %get3A_236 : vector<16xf32>
      %add3A_256 = arith.addf %add3A_254, %mul3A_255 : vector<16xf32>
      %mul3A_257 = arith.mulf %get3A_239, %get3A_239 : vector<16xf32>
      %add3A_258 = arith.addf %add3A_256, %mul3A_257 : vector<16xf32>
      %mul3A_259 = arith.mulf %get3A_242, %get3A_242 : vector<16xf32>
      %add3A_260 = arith.addf %add3A_258, %mul3A_259 : vector<16xf32>
      %mul3A_261 = arith.mulf %get3A_245, %get3A_245 : vector<16xf32>
      %add3A_262 = arith.addf %add3A_260, %mul3A_261 : vector<16xf32>
      %mul3A_263 = arith.mulf %get3A_248, %get3A_248 : vector<16xf32>
      %add3A_264 = arith.addf %add3A_262, %mul3A_263 : vector<16xf32>
      %mul3A_265 = arith.mulf %get3A_251, %get3A_251 : vector<16xf32>
      %add3A_266 = arith.addf %add3A_264, %mul3A_265 : vector<16xf32>
      %iota3A = tpu.iota {dimensions = array<i32: 0>} : vector<16xi32>
      %xor3A = arith.constant 8 : i32
      %xor3A_267 = vector.broadcast %xor3A : i32 to vector<16xi32>
      %xor3A_268 = arith.xori %iota3A, %xor3A_267 : vector<16xi32>
      %broadcast_in_dim3A = vector.shape_cast %xor3A_268 : vector<16xi32> to vector<16x1xi32>
      %gather3A = vector.shape_cast %broadcast_in_dim3A : vector<16x1xi32> to vector<16xi32>
      %gather3A_269 = tpu.dynamic_gather %add3A_266[%gather3A] in [0] : vector<16xf32>, vector<16xi32> -> vector<16xf32>
      %add3A_270 = arith.addf %add3A_266, %gather3A_269 : vector<16xf32>
      %xor3A_271 = arith.constant 4 : i32
      %xor3A_272 = vector.broadcast %xor3A_271 : i32 to vector<16xi32>
      %xor3A_273 = arith.xori %iota3A, %xor3A_272 : vector<16xi32>
      %broadcast_in_dim3A_274 = vector.shape_cast %xor3A_273 : vector<16xi32> to vector<16x1xi32>
      %gather3A_275 = vector.shape_cast %broadcast_in_dim3A_274 : vector<16x1xi32> to vector<16xi32>
      %gather3A_276 = tpu.dynamic_gather %add3A_270[%gather3A_275] in [0] : vector<16xf32>, vector<16xi32> -> vector<16xf32>
      %add3A_277 = arith.addf %add3A_270, %gather3A_276 : vector<16xf32>
      %xor3A_278 = arith.constant 2 : i32
      %xor3A_279 = vector.broadcast %xor3A_278 : i32 to vector<16xi32>
      %xor3A_280 = arith.xori %iota3A, %xor3A_279 : vector<16xi32>
      %broadcast_in_dim3A_281 = vector.shape_cast %xor3A_280 : vector<16xi32> to vector<16x1xi32>
      %gather3A_282 = vector.shape_cast %broadcast_in_dim3A_281 : vector<16x1xi32> to vector<16xi32>
      %gather3A_283 = tpu.dynamic_gather %add3A_277[%gather3A_282] in [0] : vector<16xf32>, vector<16xi32> -> vector<16xf32>
      %add3A_284 = arith.addf %add3A_277, %gather3A_283 : vector<16xf32>
      %xor3A_285 = arith.constant 1 : i32
      %xor3A_286 = vector.broadcast %xor3A_285 : i32 to vector<16xi32>
      %xor3A_287 = arith.xori %iota3A, %xor3A_286 : vector<16xi32>
      %broadcast_in_dim3A_288 = vector.shape_cast %xor3A_287 : vector<16xi32> to vector<16x1xi32>
      %gather3A_289 = vector.shape_cast %broadcast_in_dim3A_288 : vector<16x1xi32> to vector<16xi32>
      %gather3A_290 = tpu.dynamic_gather %add3A_284[%gather3A_289] in [0] : vector<16xf32>, vector<16xi32> -> vector<16xf32>
      %add3A_291 = arith.addf %add3A_284, %gather3A_290 : vector<16xf32>
      %bitcast3A = vector.bitcast %add3A_291 : vector<16xf32> to vector<16xi32>
      %shift_right_arithmetic3A = arith.constant 1 : i32
      %shift_right_arithmetic3A_292 = vector.broadcast %shift_right_arithmetic3A : i32 to vector<16xi32>
      %shift_right_arithmetic3A_293 = arith.shrsi %bitcast3A, %shift_right_arithmetic3A_292 : vector<16xi32>
      %sub3A = arith.constant 1597463007 : i32
      %sub3A_294 = vector.broadcast %sub3A : i32 to vector<16xi32>
      %sub3A_295 = arith.subi %sub3A_294, %shift_right_arithmetic3A_293 : vector<16xi32>
      %bitcast3A_296 = vector.bitcast %sub3A_295 : vector<16xi32> to vector<16xf32>
      %mul3A_297 = arith.constant 5.000000e-01 : f32
      %mul3A_298 = vector.broadcast %mul3A_297 : f32 to vector<16xf32>
      %mul3A_299 = arith.mulf %add3A_291, %mul3A_298 : vector<16xf32>
      %mul3A_300 = arith.mulf %mul3A_299, %bitcast3A_296 : vector<16xf32>
      %mul3A_301 = arith.mulf %mul3A_300, %bitcast3A_296 : vector<16xf32>
      %sub3A_302 = arith.constant 1.500000e+00 : f32
      %sub3A_303 = vector.broadcast %sub3A_302 : f32 to vector<16xf32>
      %sub3A_304 = arith.subf %sub3A_303, %mul3A_301 : vector<16xf32>
      %mul3A_305 = arith.mulf %bitcast3A_296, %sub3A_304 : vector<16xf32>
      %mul3A_306 = arith.mulf %get3A_230, %mul3A_305 : vector<16xf32>
      %swap3A = arith.index_cast %add3A_228 : i32 to index
      %swap3A_307 = arith.constant 0 : index
      %swap3A_308 = tpu.vector_load %arg6[%swap3A, %swap3A_307] {strides = array<i32>} : memref<128x128xf32, #tpu.memory_space<vmem>>, vector<16xf32>,
      tpu.vector_store %arg6[%swap3A, %swap3A_307], %mul3A_306 {strides = array<i32>} : memref<128x128xf32, #tpu.memory_space<vmem>>, vector<16xf32>,
      %mul3A_309 = arith.mulf %get3A_233, %mul3A_305 : vector<16xf32>
      %swap3A_310 = arith.index_cast %add3A_228 : i32 to index
      %swap3A_311 = arith.constant 16 : index
      %swap3A_312 = tpu.vector_load %arg6[%swap3A_310, %swap3A_311] {strides = array<i32>} : memref<128x128xf32, #tpu.memory_space<vmem>>, vector<16xf32>,
      tpu.vector_store %arg6[%swap3A_310, %swap3A_311], %mul3A_309 {strides = array<i32>} : memref<128x128xf32, #tpu.memory_space<vmem>>, vector<16xf32>,
      %mul3A_313 = arith.mulf %get3A_236, %mul3A_305 : vector<16xf32>
      %swap3A_314 = arith.index_cast %add3A_228 : i32 to index
      %swap3A_315 = arith.constant 32 : index
      %swap3A_316 = tpu.vector_load %arg6[%swap3A_314, %swap3A_315] {strides = array<i32>} : memref<128x128xf32, #tpu.memory_space<vmem>>, vector<16xf32>,
      tpu.vector_store %arg6[%swap3A_314, %swap3A_315], %mul3A_313 {strides = array<i32>} : memref<128x128xf32, #tpu.memory_space<vmem>>, vector<16xf32>,
      %mul3A_317 = arith.mulf %get3A_239, %mul3A_305 : vector<16xf32>
      %swap3A_318 = arith.index_cast %add3A_228 : i32 to index
      %swap3A_319 = arith.constant 48 : index
      %swap3A_320 = tpu.vector_load %arg6[%swap3A_318, %swap3A_319] {strides = array<i32>} : memref<128x128xf32, #tpu.memory_space<vmem>>, vector<16xf32>,
      tpu.vector_store %arg6[%swap3A_318, %swap3A_319], %mul3A_317 {strides = array<i32>} : memref<128x128xf32, #tpu.memory_space<vmem>>, vector<16xf32>,
      %mul3A_321 = arith.mulf %get3A_242, %mul3A_305 : vector<16xf32>
      %swap3A_322 = arith.index_cast %add3A_228 : i32 to index
      %swap3A_323 = arith.constant 64 : index
      %swap3A_324 = tpu.vector_load %arg6[%swap3A_322, %swap3A_323] {strides = array<i32>} : memref<128x128xf32, #tpu.memory_space<vmem>>, vector<16xf32>,
      tpu.vector_store %arg6[%swap3A_322, %swap3A_323], %mul3A_321 {strides = array<i32>} : memref<128x128xf32, #tpu.memory_space<vmem>>, vector<16xf32>,
      %mul3A_325 = arith.mulf %get3A_245, %mul3A_305 : vector<16xf32>
      %swap3A_326 = arith.index_cast %add3A_228 : i32 to index
      %swap3A_327 = arith.constant 80 : index
      %swap3A_328 = tpu.vector_load %arg6[%swap3A_326, %swap3A_327] {strides = array<i32>} : memref<128x128xf32, #tpu.memory_space<vmem>>, vector<16xf32>,
      tpu.vector_store %arg6[%swap3A_326, %swap3A_327], %mul3A_325 {strides = array<i32>} : memref<128x128xf32, #tpu.memory_space<vmem>>, vector<16xf32>,
      %mul3A_329 = arith.mulf %get3A_248, %mul3A_305 : vector<16xf32>
      %swap3A_330 = arith.index_cast %add3A_228 : i32 to index
      %swap3A_331 = arith.constant 96 : index
      %swap3A_332 = tpu.vector_load %arg6[%swap3A_330, %swap3A_331] {strides = array<i32>} : memref<128x128xf32, #tpu.memory_space<vmem>>, vector<16xf32>,
      tpu.vector_store %arg6[%swap3A_330, %swap3A_331], %mul3A_329 {strides = array<i32>} : memref<128x128xf32, #tpu.memory_space<vmem>>, vector<16xf32>,
      %mul3A_333 = arith.mulf %get3A_251, %mul3A_305 : vector<16xf32>
      %swap3A_334 = arith.index_cast %add3A_228 : i32 to index
      %swap3A_335 = arith.constant 112 : index
      %swap3A_336 = tpu.vector_load %arg6[%swap3A_334, %swap3A_335] {strides = array<i32>} : memref<128x128xf32, #tpu.memory_space<vmem>>, vector<16xf32>,
      tpu.vector_store %arg6[%swap3A_334, %swap3A_335], %mul3A_333 {strides = array<i32>} : memref<128x128xf32, #tpu.memory_space<vmem>>, vector<16xf32>,
      %mul3A_337 = arith.constant 4 : i32
      %mul3A_338 = arith.muli %scan3A_222, %mul3A_337 : i32
      %add3A_339 = arith.constant 80 : i32
      %add3A_340 = arith.addi %add3A_339, %mul3A_338 : i32
      %add3A_341 = arith.constant 1 : i32
      %add3A_342 = arith.addi %add3A_340, %add3A_341 : i32
      %get3A_343 = arith.index_cast %add3A_342 : i32 to index
      %get3A_344 = arith.constant 0 : index
      %get3A_345 = tpu.vector_load %arg6[%get3A_343, %get3A_344] {strides = array<i32>} : memref<128x128xf32, #tpu.memory_space<vmem>>, vector<16xf32>,
      %get3A_346 = arith.index_cast %add3A_342 : i32 to index
      %get3A_347 = arith.constant 16 : index
      %get3A_348 = tpu.vector_load %arg6[%get3A_346, %get3A_347] {strides = array<i32>} : memref<128x128xf32, #tpu.memory_space<vmem>>, vector<16xf32>,
      %get3A_349 = arith.index_cast %add3A_342 : i32 to index
      %get3A_350 = arith.constant 32 : index
      %get3A_351 = tpu.vector_load %arg6[%get3A_349, %get3A_350] {strides = array<i32>} : memref<128x128xf32, #tpu.memory_space<vmem>>, vector<16xf32>,
      %get3A_352 = arith.index_cast %add3A_342 : i32 to index
      %get3A_353 = arith.constant 48 : index
      %get3A_354 = tpu.vector_load %arg6[%get3A_352, %get3A_353] {strides = array<i32>} : memref<128x128xf32, #tpu.memory_space<vmem>>, vector<16xf32>,
      %get3A_355 = arith.index_cast %add3A_342 : i32 to index
      %get3A_356 = arith.constant 64 : index
      %get3A_357 = tpu.vector_load %arg6[%get3A_355, %get3A_356] {strides = array<i32>} : memref<128x128xf32, #tpu.memory_space<vmem>>, vector<16xf32>,
      %get3A_358 = arith.index_cast %add3A_342 : i32 to index
      %get3A_359 = arith.constant 80 : index
      %get3A_360 = tpu.vector_load %arg6[%get3A_358, %get3A_359] {strides = array<i32>} : memref<128x128xf32, #tpu.memory_space<vmem>>, vector<16xf32>,
      %get3A_361 = arith.index_cast %add3A_342 : i32 to index
      %get3A_362 = arith.constant 96 : index
      %get3A_363 = tpu.vector_load %arg6[%get3A_361, %get3A_362] {strides = array<i32>} : memref<128x128xf32, #tpu.memory_space<vmem>>, vector<16xf32>,
      %get3A_364 = arith.index_cast %add3A_342 : i32 to index
      %get3A_365 = arith.constant 112 : index
      %get3A_366 = tpu.vector_load %arg6[%get3A_364, %get3A_365] {strides = array<i32>} : memref<128x128xf32, #tpu.memory_space<vmem>>, vector<16xf32>,
      %mul3A_367 = arith.mulf %get3A_345, %get3A_345 : vector<16xf32>
      %mul3A_368 = arith.mulf %get3A_348, %get3A_348 : vector<16xf32>
      %add3A_369 = arith.addf %mul3A_367, %mul3A_368 : vector<16xf32>
      %mul3A_370 = arith.mulf %get3A_351, %get3A_351 : vector<16xf32>
      %add3A_371 = arith.addf %add3A_369, %mul3A_370 : vector<16xf32>
      %mul3A_372 = arith.mulf %get3A_354, %get3A_354 : vector<16xf32>
      %add3A_373 = arith.addf %add3A_371, %mul3A_372 : vector<16xf32>
      %mul3A_374 = arith.mulf %get3A_357, %get3A_357 : vector<16xf32>
      %add3A_375 = arith.addf %add3A_373, %mul3A_374 : vector<16xf32>
      %mul3A_376 = arith.mulf %get3A_360, %get3A_360 : vector<16xf32>
      %add3A_377 = arith.addf %add3A_375, %mul3A_376 : vector<16xf32>
      %mul3A_378 = arith.mulf %get3A_363, %get3A_363 : vector<16xf32>
      %add3A_379 = arith.addf %add3A_377, %mul3A_378 : vector<16xf32>
      %mul3A_380 = arith.mulf %get3A_366, %get3A_366 : vector<16xf32>
      %add3A_381 = arith.addf %add3A_379, %mul3A_380 : vector<16xf32>
      %iota3A_382 = tpu.iota {dimensions = array<i32: 0>} : vector<16xi32>
      %xor3A_383 = arith.constant 8 : i32
      %xor3A_384 = vector.broadcast %xor3A_383 : i32 to vector<16xi32>
      %xor3A_385 = arith.xori %iota3A_382, %xor3A_384 : vector<16xi32>
      %broadcast_in_dim3A_386 = vector.shape_cast %xor3A_385 : vector<16xi32> to vector<16x1xi32>
      %gather3A_387 = vector.shape_cast %broadcast_in_dim3A_386 : vector<16x1xi32> to vector<16xi32>
      %gather3A_388 = tpu.dynamic_gather %add3A_381[%gather3A_387] in [0] : vector<16xf32>, vector<16xi32> -> vector<16xf32>
      %add3A_389 = arith.addf %add3A_381, %gather3A_388 : vector<16xf32>
      %xor3A_390 = arith.constant 4 : i32
      %xor3A_391 = vector.broadcast %xor3A_390 : i32 to vector<16xi32>
      %xor3A_392 = arith.xori %iota3A_382, %xor3A_391 : vector<16xi32>
      %broadcast_in_dim3A_393 = vector.shape_cast %xor3A_392 : vector<16xi32> to vector<16x1xi32>
      %gather3A_394 = vector.shape_cast %broadcast_in_dim3A_393 : vector<16x1xi32> to vector<16xi32>
      %gather3A_395 = tpu.dynamic_gather %add3A_389[%gather3A_394] in [0] : vector<16xf32>, vector<16xi32> -> vector<16xf32>
      %add3A_396 = arith.addf %add3A_389, %gather3A_395 : vector<16xf32>
      %xor3A_397 = arith.constant 2 : i32
      %xor3A_398 = vector.broadcast %xor3A_397 : i32 to vector<16xi32>
      %xor3A_399 = arith.xori %iota3A_382, %xor3A_398 : vector<16xi32>
      %broadcast_in_dim3A_400 = vector.shape_cast %xor3A_399 : vector<16xi32> to vector<16x1xi32>
      %gather3A_401 = vector.shape_cast %broadcast_in_dim3A_400 : vector<16x1xi32> to vector<16xi32>
      %gather3A_402 = tpu.dynamic_gather %add3A_396[%gather3A_401] in [0] : vector<16xf32>, vector<16xi32> -> vector<16xf32>
      %add3A_403 = arith.addf %add3A_396, %gather3A_402 : vector<16xf32>
      %xor3A_404 = arith.constant 1 : i32
      %xor3A_405 = vector.broadcast %xor3A_404 : i32 to vector<16xi32>
      %xor3A_406 = arith.xori %iota3A_382, %xor3A_405 : vector<16xi32>
      %broadcast_in_dim3A_407 = vector.shape_cast %xor3A_406 : vector<16xi32> to vector<16x1xi32>
      %gather3A_408 = vector.shape_cast %broadcast_in_dim3A_407 : vector<16x1xi32> to vector<16xi32>
      %gather3A_409 = tpu.dynamic_gather %add3A_403[%gather3A_408] in [0] : vector<16xf32>, vector<16xi32> -> vector<16xf32>
      %add3A_410 = arith.addf %add3A_403, %gather3A_409 : vector<16xf32>
      %bitcast3A_411 = vector.bitcast %add3A_410 : vector<16xf32> to vector<16xi32>
      %shift_right_arithmetic3A_412 = arith.constant 1 : i32
      %shift_right_arithmetic3A_413 = vector.broadcast %shift_right_arithmetic3A_412 : i32 to vector<16xi32>
      %shift_right_arithmetic3A_414 = arith.shrsi %bitcast3A_411, %shift_right_arithmetic3A_413 : vector<16xi32>
      %sub3A_415 = arith.constant 1597463007 : i32
      %sub3A_416 = vector.broadcast %sub3A_415 : i32 to vector<16xi32>
      %sub3A_417 = arith.subi %sub3A_416, %shift_right_arithmetic3A_414 : vector<16xi32>
      %bitcast3A_418 = vector.bitcast %sub3A_417 : vector<16xi32> to vector<16xf32>
      %mul3A_419 = arith.constant 5.000000e-01 : f32
      %mul3A_420 = vector.broadcast %mul3A_419 : f32 to vector<16xf32>
      %mul3A_421 = arith.mulf %add3A_410, %mul3A_420 : vector<16xf32>
      %mul3A_422 = arith.mulf %mul3A_421, %bitcast3A_418 : vector<16xf32>
      %mul3A_423 = arith.mulf %mul3A_422, %bitcast3A_418 : vector<16xf32>
      %sub3A_424 = arith.constant 1.500000e+00 : f32
      %sub3A_425 = vector.broadcast %sub3A_424 : f32 to vector<16xf32>
      %sub3A_426 = arith.subf %sub3A_425, %mul3A_423 : vector<16xf32>
      %mul3A_427 = arith.mulf %bitcast3A_418, %sub3A_426 : vector<16xf32>
      %mul3A_428 = arith.mulf %get3A_345, %mul3A_427 : vector<16xf32>
      %swap3A_429 = arith.index_cast %add3A_342 : i32 to index
      %swap3A_430 = arith.constant 0 : index
      %swap3A_431 = tpu.vector_load %arg6[%swap3A_429, %swap3A_430] {strides = array<i32>} : memref<128x128xf32, #tpu.memory_space<vmem>>, vector<16xf32>,
      tpu.vector_store %arg6[%swap3A_429, %swap3A_430], %mul3A_428 {strides = array<i32>} : memref<128x128xf32, #tpu.memory_space<vmem>>, vector<16xf32>,
      %mul3A_432 = arith.mulf %get3A_348, %mul3A_427 : vector<16xf32>
      %swap3A_433 = arith.index_cast %add3A_342 : i32 to index
      %swap3A_434 = arith.constant 16 : index
      %swap3A_435 = tpu.vector_load %arg6[%swap3A_433, %swap3A_434] {strides = array<i32>} : memref<128x128xf32, #tpu.memory_space<vmem>>, vector<16xf32>,
      tpu.vector_store %arg6[%swap3A_433, %swap3A_434], %mul3A_432 {strides = array<i32>} : memref<128x128xf32, #tpu.memory_space<vmem>>, vector<16xf32>,
      %mul3A_436 = arith.mulf %get3A_351, %mul3A_427 : vector<16xf32>
      %swap3A_437 = arith.index_cast %add3A_342 : i32 to index
      %swap3A_438 = arith.constant 32 : index
      %swap3A_439 = tpu.vector_load %arg6[%swap3A_437, %swap3A_438] {strides = array<i32>} : memref<128x128xf32, #tpu.memory_space<vmem>>, vector<16xf32>,
      tpu.vector_store %arg6[%swap3A_437, %swap3A_438], %mul3A_436 {strides = array<i32>} : memref<128x128xf32, #tpu.memory_space<vmem>>, vector<16xf32>,
      %mul3A_440 = arith.mulf %get3A_354, %mul3A_427 : vector<16xf32>
      %swap3A_441 = arith.index_cast %add3A_342 : i32 to index
      %swap3A_442 = arith.constant 48 : index
      %swap3A_443 = tpu.vector_load %arg6[%swap3A_441, %swap3A_442] {strides = array<i32>} : memref<128x128xf32, #tpu.memory_space<vmem>>, vector<16xf32>,
      tpu.vector_store %arg6[%swap3A_441, %swap3A_442], %mul3A_440 {strides = array<i32>} : memref<128x128xf32, #tpu.memory_space<vmem>>, vector<16xf32>,
      %mul3A_444 = arith.mulf %get3A_357, %mul3A_427 : vector<16xf32>
      %swap3A_445 = arith.index_cast %add3A_342 : i32 to index
      %swap3A_446 = arith.constant 64 : index
      %swap3A_447 = tpu.vector_load %arg6[%swap3A_445, %swap3A_446] {strides = array<i32>} : memref<128x128xf32, #tpu.memory_space<vmem>>, vector<16xf32>,
      tpu.vector_store %arg6[%swap3A_445, %swap3A_446], %mul3A_444 {strides = array<i32>} : memref<128x128xf32, #tpu.memory_space<vmem>>, vector<16xf32>,
      %mul3A_448 = arith.mulf %get3A_360, %mul3A_427 : vector<16xf32>
      %swap3A_449 = arith.index_cast %add3A_342 : i32 to index
      %swap3A_450 = arith.constant 80 : index
      %swap3A_451 = tpu.vector_load %arg6[%swap3A_449, %swap3A_450] {strides = array<i32>} : memref<128x128xf32, #tpu.memory_space<vmem>>, vector<16xf32>,
      tpu.vector_store %arg6[%swap3A_449, %swap3A_450], %mul3A_448 {strides = array<i32>} : memref<128x128xf32, #tpu.memory_space<vmem>>, vector<16xf32>,
      %mul3A_452 = arith.mulf %get3A_363, %mul3A_427 : vector<16xf32>
      %swap3A_453 = arith.index_cast %add3A_342 : i32 to index
      %swap3A_454 = arith.constant 96 : index
      %swap3A_455 = tpu.vector_load %arg6[%swap3A_453, %swap3A_454] {strides = array<i32>} : memref<128x128xf32, #tpu.memory_space<vmem>>, vector<16xf32>,
      tpu.vector_store %arg6[%swap3A_453, %swap3A_454], %mul3A_452 {strides = array<i32>} : memref<128x128xf32, #tpu.memory_space<vmem>>, vector<16xf32>,
      %mul3A_456 = arith.mulf %get3A_366, %mul3A_427 : vector<16xf32>
      %swap3A_457 = arith.index_cast %add3A_342 : i32 to index
      %swap3A_458 = arith.constant 112 : index
      %swap3A_459 = tpu.vector_load %arg6[%swap3A_457, %swap3A_458] {strides = array<i32>} : memref<128x128xf32, #tpu.memory_space<vmem>>, vector<16xf32>,
      tpu.vector_store %arg6[%swap3A_457, %swap3A_458], %mul3A_456 {strides = array<i32>} : memref<128x128xf32, #tpu.memory_space<vmem>>, vector<16xf32>,
      %mul3A_460 = arith.constant 4 : i32
      %mul3A_461 = arith.muli %scan3A_222, %mul3A_460 : i32
      %add3A_462 = arith.constant 80 : i32
      %add3A_463 = arith.addi %add3A_462, %mul3A_461 : i32
      %add3A_464 = arith.constant 2 : i32
      %add3A_465 = arith.addi %add3A_463, %add3A_464 : i32
      %get3A_466 = arith.index_cast %add3A_465 : i32 to index
      %get3A_467 = arith.constant 0 : index
      %get3A_468 = tpu.vector_load %arg6[%get3A_466, %get3A_467] {strides = array<i32>} : memref<128x128xf32, #tpu.memory_space<vmem>>, vector<16xf32>,
      %get3A_469 = arith.index_cast %add3A_465 : i32 to index
      %get3A_470 = arith.constant 16 : index
      %get3A_471 = tpu.vector_load %arg6[%get3A_469, %get3A_470] {strides = array<i32>} : memref<128x128xf32, #tpu.memory_space<vmem>>, vector<16xf32>,
      %get3A_472 = arith.index_cast %add3A_465 : i32 to index
      %get3A_473 = arith.constant 32 : index
      %get3A_474 = tpu.vector_load %arg6[%get3A_472, %get3A_473] {strides = array<i32>} : memref<128x128xf32, #tpu.memory_space<vmem>>, vector<16xf32>,
      %get3A_475 = arith.index_cast %add3A_465 : i32 to index
      %get3A_476 = arith.constant 48 : index
      %get3A_477 = tpu.vector_load %arg6[%get3A_475, %get3A_476] {strides = array<i32>} : memref<128x128xf32, #tpu.memory_space<vmem>>, vector<16xf32>,
      %get3A_478 = arith.index_cast %add3A_465 : i32 to index
      %get3A_479 = arith.constant 64 : index
      %get3A_480 = tpu.vector_load %arg6[%get3A_478, %get3A_479] {strides = array<i32>} : memref<128x128xf32, #tpu.memory_space<vmem>>, vector<16xf32>,
      %get3A_481 = arith.index_cast %add3A_465 : i32 to index
      %get3A_482 = arith.constant 80 : index
      %get3A_483 = tpu.vector_load %arg6[%get3A_481, %get3A_482] {strides = array<i32>} : memref<128x128xf32, #tpu.memory_space<vmem>>, vector<16xf32>,
      %get3A_484 = arith.index_cast %add3A_465 : i32 to index
      %get3A_485 = arith.constant 96 : index
      %get3A_486 = tpu.vector_load %arg6[%get3A_484, %get3A_485] {strides = array<i32>} : memref<128x128xf32, #tpu.memory_space<vmem>>, vector<16xf32>,
      %get3A_487 = arith.index_cast %add3A_465 : i32 to index
      %get3A_488 = arith.constant 112 : index
      %get3A_489 = tpu.vector_load %arg6[%get3A_487, %get3A_488] {strides = array<i32>} : memref<128x128xf32, #tpu.memory_space<vmem>>, vector<16xf32>,
      %mul3A_490 = arith.mulf %get3A_468, %get3A_468 : vector<16xf32>
      %mul3A_491 = arith.mulf %get3A_471, %get3A_471 : vector<16xf32>
      %add3A_492 = arith.addf %mul3A_490, %mul3A_491 : vector<16xf32>
      %mul3A_493 = arith.mulf %get3A_474, %get3A_474 : vector<16xf32>
      %add3A_494 = arith.addf %add3A_492, %mul3A_493 : vector<16xf32>
      %mul3A_495 = arith.mulf %get3A_477, %get3A_477 : vector<16xf32>
      %add3A_496 = arith.addf %add3A_494, %mul3A_495 : vector<16xf32>
      %mul3A_497 = arith.mulf %get3A_480, %get3A_480 : vector<16xf32>
      %add3A_498 = arith.addf %add3A_496, %mul3A_497 : vector<16xf32>
      %mul3A_499 = arith.mulf %get3A_483, %get3A_483 : vector<16xf32>
      %add3A_500 = arith.addf %add3A_498, %mul3A_499 : vector<16xf32>
      %mul3A_501 = arith.mulf %get3A_486, %get3A_486 : vector<16xf32>
      %add3A_502 = arith.addf %add3A_500, %mul3A_501 : vector<16xf32>
      %mul3A_503 = arith.mulf %get3A_489, %get3A_489 : vector<16xf32>
      %add3A_504 = arith.addf %add3A_502, %mul3A_503 : vector<16xf32>
      %iota3A_505 = tpu.iota {dimensions = array<i32: 0>} : vector<16xi32>
      %xor3A_506 = arith.constant 8 : i32
      %xor3A_507 = vector.broadcast %xor3A_506 : i32 to vector<16xi32>
      %xor3A_508 = arith.xori %iota3A_505, %xor3A_507 : vector<16xi32>
      %broadcast_in_dim3A_509 = vector.shape_cast %xor3A_508 : vector<16xi32> to vector<16x1xi32>
      %gather3A_510 = vector.shape_cast %broadcast_in_dim3A_509 : vector<16x1xi32> to vector<16xi32>
      %gather3A_511 = tpu.dynamic_gather %add3A_504[%gather3A_510] in [0] : vector<16xf32>, vector<16xi32> -> vector<16xf32>
      %add3A_512 = arith.addf %add3A_504, %gather3A_511 : vector<16xf32>
      %xor3A_513 = arith.constant 4 : i32
      %xor3A_514 = vector.broadcast %xor3A_513 : i32 to vector<16xi32>
      %xor3A_515 = arith.xori %iota3A_505, %xor3A_514 : vector<16xi32>
      %broadcast_in_dim3A_516 = vector.shape_cast %xor3A_515 : vector<16xi32> to vector<16x1xi32>
      %gather3A_517 = vector.shape_cast %broadcast_in_dim3A_516 : vector<16x1xi32> to vector<16xi32>
      %gather3A_518 = tpu.dynamic_gather %add3A_512[%gather3A_517] in [0] : vector<16xf32>, vector<16xi32> -> vector<16xf32>
      %add3A_519 = arith.addf %add3A_512, %gather3A_518 : vector<16xf32>
      %xor3A_520 = arith.constant 2 : i32
      %xor3A_521 = vector.broadcast %xor3A_520 : i32 to vector<16xi32>
      %xor3A_522 = arith.xori %iota3A_505, %xor3A_521 : vector<16xi32>
      %broadcast_in_dim3A_523 = vector.shape_cast %xor3A_522 : vector<16xi32> to vector<16x1xi32>
      %gather3A_524 = vector.shape_cast %broadcast_in_dim3A_523 : vector<16x1xi32> to vector<16xi32>
      %gather3A_525 = tpu.dynamic_gather %add3A_519[%gather3A_524] in [0] : vector<16xf32>, vector<16xi32> -> vector<16xf32>
      %add3A_526 = arith.addf %add3A_519, %gather3A_525 : vector<16xf32>
      %xor3A_527 = arith.constant 1 : i32
      %xor3A_528 = vector.broadcast %xor3A_527 : i32 to vector<16xi32>
      %xor3A_529 = arith.xori %iota3A_505, %xor3A_528 : vector<16xi32>
      %broadcast_in_dim3A_530 = vector.shape_cast %xor3A_529 : vector<16xi32> to vector<16x1xi32>
      %gather3A_531 = vector.shape_cast %broadcast_in_dim3A_530 : vector<16x1xi32> to vector<16xi32>
      %gather3A_532 = tpu.dynamic_gather %add3A_526[%gather3A_531] in [0] : vector<16xf32>, vector<16xi32> -> vector<16xf32>
      %add3A_533 = arith.addf %add3A_526, %gather3A_532 : vector<16xf32>
      %bitcast3A_534 = vector.bitcast %add3A_533 : vector<16xf32> to vector<16xi32>
      %shift_right_arithmetic3A_535 = arith.constant 1 : i32
      %shift_right_arithmetic3A_536 = vector.broadcast %shift_right_arithmetic3A_535 : i32 to vector<16xi32>
      %shift_right_arithmetic3A_537 = arith.shrsi %bitcast3A_534, %shift_right_arithmetic3A_536 : vector<16xi32>
      %sub3A_538 = arith.constant 1597463007 : i32
      %sub3A_539 = vector.broadcast %sub3A_538 : i32 to vector<16xi32>
      %sub3A_540 = arith.subi %sub3A_539, %shift_right_arithmetic3A_537 : vector<16xi32>
      %bitcast3A_541 = vector.bitcast %sub3A_540 : vector<16xi32> to vector<16xf32>
      %mul3A_542 = arith.constant 5.000000e-01 : f32
      %mul3A_543 = vector.broadcast %mul3A_542 : f32 to vector<16xf32>
      %mul3A_544 = arith.mulf %add3A_533, %mul3A_543 : vector<16xf32>
      %mul3A_545 = arith.mulf %mul3A_544, %bitcast3A_541 : vector<16xf32>
      %mul3A_546 = arith.mulf %mul3A_545, %bitcast3A_541 : vector<16xf32>
      %sub3A_547 = arith.constant 1.500000e+00 : f32
      %sub3A_548 = vector.broadcast %sub3A_547 : f32 to vector<16xf32>
      %sub3A_549 = arith.subf %sub3A_548, %mul3A_546 : vector<16xf32>
      %mul3A_550 = arith.mulf %bitcast3A_541, %sub3A_549 : vector<16xf32>
      %mul3A_551 = arith.mulf %get3A_468, %mul3A_550 : vector<16xf32>
      %swap3A_552 = arith.index_cast %add3A_465 : i32 to index
      %swap3A_553 = arith.constant 0 : index
      %swap3A_554 = tpu.vector_load %arg6[%swap3A_552, %swap3A_553] {strides = array<i32>} : memref<128x128xf32, #tpu.memory_space<vmem>>, vector<16xf32>,
      tpu.vector_store %arg6[%swap3A_552, %swap3A_553], %mul3A_551 {strides = array<i32>} : memref<128x128xf32, #tpu.memory_space<vmem>>, vector<16xf32>,
      %mul3A_555 = arith.mulf %get3A_471, %mul3A_550 : vector<16xf32>
      %swap3A_556 = arith.index_cast %add3A_465 : i32 to index
      %swap3A_557 = arith.constant 16 : index
      %swap3A_558 = tpu.vector_load %arg6[%swap3A_556, %swap3A_557] {strides = array<i32>} : memref<128x128xf32, #tpu.memory_space<vmem>>, vector<16xf32>,
      tpu.vector_store %arg6[%swap3A_556, %swap3A_557], %mul3A_555 {strides = array<i32>} : memref<128x128xf32, #tpu.memory_space<vmem>>, vector<16xf32>,
      %mul3A_559 = arith.mulf %get3A_474, %mul3A_550 : vector<16xf32>
      %swap3A_560 = arith.index_cast %add3A_465 : i32 to index
      %swap3A_561 = arith.constant 32 : index
      %swap3A_562 = tpu.vector_load %arg6[%swap3A_560, %swap3A_561] {strides = array<i32>} : memref<128x128xf32, #tpu.memory_space<vmem>>, vector<16xf32>,
      tpu.vector_store %arg6[%swap3A_560, %swap3A_561], %mul3A_559 {strides = array<i32>} : memref<128x128xf32, #tpu.memory_space<vmem>>, vector<16xf32>,
      %mul3A_563 = arith.mulf %get3A_477, %mul3A_550 : vector<16xf32>
      %swap3A_564 = arith.index_cast %add3A_465 : i32 to index
      %swap3A_565 = arith.constant 48 : index
      %swap3A_566 = tpu.vector_load %arg6[%swap3A_564, %swap3A_565] {strides = array<i32>} : memref<128x128xf32, #tpu.memory_space<vmem>>, vector<16xf32>,
      tpu.vector_store %arg6[%swap3A_564, %swap3A_565], %mul3A_563 {strides = array<i32>} : memref<128x128xf32, #tpu.memory_space<vmem>>, vector<16xf32>,
      %mul3A_567 = arith.mulf %get3A_480, %mul3A_550 : vector<16xf32>
      %swap3A_568 = arith.index_cast %add3A_465 : i32 to index
      %swap3A_569 = arith.constant 64 : index
      %swap3A_570 = tpu.vector_load %arg6[%swap3A_568, %swap3A_569] {strides = array<i32>} : memref<128x128xf32, #tpu.memory_space<vmem>>, vector<16xf32>,
      tpu.vector_store %arg6[%swap3A_568, %swap3A_569], %mul3A_567 {strides = array<i32>} : memref<128x128xf32, #tpu.memory_space<vmem>>, vector<16xf32>,
      %mul3A_571 = arith.mulf %get3A_483, %mul3A_550 : vector<16xf32>
      %swap3A_572 = arith.index_cast %add3A_465 : i32 to index
      %swap3A_573 = arith.constant 80 : index
      %swap3A_574 = tpu.vector_load %arg6[%swap3A_572, %swap3A_573] {strides = array<i32>} : memref<128x128xf32, #tpu.memory_space<vmem>>, vector<16xf32>,
      tpu.vector_store %arg6[%swap3A_572, %swap3A_573], %mul3A_571 {strides = array<i32>} : memref<128x128xf32, #tpu.memory_space<vmem>>, vector<16xf32>,
      %mul3A_575 = arith.mulf %get3A_486, %mul3A_550 : vector<16xf32>
      %swap3A_576 = arith.index_cast %add3A_465 : i32 to index
      %swap3A_577 = arith.constant 96 : index
      %swap3A_578 = tpu.vector_load %arg6[%swap3A_576, %swap3A_577] {strides = array<i32>} : memref<128x128xf32, #tpu.memory_space<vmem>>, vector<16xf32>,
      tpu.vector_store %arg6[%swap3A_576, %swap3A_577], %mul3A_575 {strides = array<i32>} : memref<128x128xf32, #tpu.memory_space<vmem>>, vector<16xf32>,
      %mul3A_579 = arith.mulf %get3A_489, %mul3A_550 : vector<16xf32>
      %swap3A_580 = arith.index_cast %add3A_465 : i32 to index
      %swap3A_581 = arith.constant 112 : index
      %swap3A_582 = tpu.vector_load %arg6[%swap3A_580, %swap3A_581] {strides = array<i32>} : memref<128x128xf32, #tpu.memory_space<vmem>>, vector<16xf32>,
      tpu.vector_store %arg6[%swap3A_580, %swap3A_581], %mul3A_579 {strides = array<i32>} : memref<128x128xf32, #tpu.memory_space<vmem>>, vector<16xf32>,
      %mul3A_583 = arith.constant 4 : i32
      %mul3A_584 = arith.muli %scan3A_222, %mul3A_583 : i32
      %add3A_585 = arith.constant 80 : i32
      %add3A_586 = arith.addi %add3A_585, %mul3A_584 : i32
      %add3A_587 = arith.constant 3 : i32
      %add3A_588 = arith.addi %add3A_586, %add3A_587 : i32
      %get3A_589 = arith.index_cast %add3A_588 : i32 to index
      %get3A_590 = arith.constant 0 : index
      %get3A_591 = tpu.vector_load %arg6[%get3A_589, %get3A_590] {strides = array<i32>} : memref<128x128xf32, #tpu.memory_space<vmem>>, vector<16xf32>,
      %get3A_592 = arith.index_cast %add3A_588 : i32 to index
      %get3A_593 = arith.constant 16 : index
      %get3A_594 = tpu.vector_load %arg6[%get3A_592, %get3A_593] {strides = array<i32>} : memref<128x128xf32, #tpu.memory_space<vmem>>, vector<16xf32>,
      %get3A_595 = arith.index_cast %add3A_588 : i32 to index
      %get3A_596 = arith.constant 32 : index
      %get3A_597 = tpu.vector_load %arg6[%get3A_595, %get3A_596] {strides = array<i32>} : memref<128x128xf32, #tpu.memory_space<vmem>>, vector<16xf32>,
      %get3A_598 = arith.index_cast %add3A_588 : i32 to index
      %get3A_599 = arith.constant 48 : index
      %get3A_600 = tpu.vector_load %arg6[%get3A_598, %get3A_599] {strides = array<i32>} : memref<128x128xf32, #tpu.memory_space<vmem>>, vector<16xf32>,
      %get3A_601 = arith.index_cast %add3A_588 : i32 to index
      %get3A_602 = arith.constant 64 : index
      %get3A_603 = tpu.vector_load %arg6[%get3A_601, %get3A_602] {strides = array<i32>} : memref<128x128xf32, #tpu.memory_space<vmem>>, vector<16xf32>,
      %get3A_604 = arith.index_cast %add3A_588 : i32 to index
      %get3A_605 = arith.constant 80 : index
      %get3A_606 = tpu.vector_load %arg6[%get3A_604, %get3A_605] {strides = array<i32>} : memref<128x128xf32, #tpu.memory_space<vmem>>, vector<16xf32>,
      %get3A_607 = arith.index_cast %add3A_588 : i32 to index
      %get3A_608 = arith.constant 96 : index
      %get3A_609 = tpu.vector_load %arg6[%get3A_607, %get3A_608] {strides = array<i32>} : memref<128x128xf32, #tpu.memory_space<vmem>>, vector<16xf32>,
      %get3A_610 = arith.index_cast %add3A_588 : i32 to index
      %get3A_611 = arith.constant 112 : index
      %get3A_612 = tpu.vector_load %arg6[%get3A_610, %get3A_611] {strides = array<i32>} : memref<128x128xf32, #tpu.memory_space<vmem>>, vector<16xf32>,
      %mul3A_613 = arith.mulf %get3A_591, %get3A_591 : vector<16xf32>
      %mul3A_614 = arith.mulf %get3A_594, %get3A_594 : vector<16xf32>
      %add3A_615 = arith.addf %mul3A_613, %mul3A_614 : vector<16xf32>
      %mul3A_616 = arith.mulf %get3A_597, %get3A_597 : vector<16xf32>
      %add3A_617 = arith.addf %add3A_615, %mul3A_616 : vector<16xf32>
      %mul3A_618 = arith.mulf %get3A_600, %get3A_600 : vector<16xf32>
      %add3A_619 = arith.addf %add3A_617, %mul3A_618 : vector<16xf32>
      %mul3A_620 = arith.mulf %get3A_603, %get3A_603 : vector<16xf32>
      %add3A_621 = arith.addf %add3A_619, %mul3A_620 : vector<16xf32>
      %mul3A_622 = arith.mulf %get3A_606, %get3A_606 : vector<16xf32>
      %add3A_623 = arith.addf %add3A_621, %mul3A_622 : vector<16xf32>
      %mul3A_624 = arith.mulf %get3A_609, %get3A_609 : vector<16xf32>
      %add3A_625 = arith.addf %add3A_623, %mul3A_624 : vector<16xf32>
      %mul3A_626 = arith.mulf %get3A_612, %get3A_612 : vector<16xf32>
      %add3A_627 = arith.addf %add3A_625, %mul3A_626 : vector<16xf32>
      %iota3A_628 = tpu.iota {dimensions = array<i32: 0>} : vector<16xi32>
      %xor3A_629 = arith.constant 8 : i32
      %xor3A_630 = vector.broadcast %xor3A_629 : i32 to vector<16xi32>
      %xor3A_631 = arith.xori %iota3A_628, %xor3A_630 : vector<16xi32>
      %broadcast_in_dim3A_632 = vector.shape_cast %xor3A_631 : vector<16xi32> to vector<16x1xi32>
      %gather3A_633 = vector.shape_cast %broadcast_in_dim3A_632 : vector<16x1xi32> to vector<16xi32>
      %gather3A_634 = tpu.dynamic_gather %add3A_627[%gather3A_633] in [0] : vector<16xf32>, vector<16xi32> -> vector<16xf32>
      %add3A_635 = arith.addf %add3A_627, %gather3A_634 : vector<16xf32>
      %xor3A_636 = arith.constant 4 : i32
      %xor3A_637 = vector.broadcast %xor3A_636 : i32 to vector<16xi32>
      %xor3A_638 = arith.xori %iota3A_628, %xor3A_637 : vector<16xi32>
      %broadcast_in_dim3A_639 = vector.shape_cast %xor3A_638 : vector<16xi32> to vector<16x1xi32>
      %gather3A_640 = vector.shape_cast %broadcast_in_dim3A_639 : vector<16x1xi32> to vector<16xi32>
      %gather3A_641 = tpu.dynamic_gather %add3A_635[%gather3A_640] in [0] : vector<16xf32>, vector<16xi32> -> vector<16xf32>
      %add3A_642 = arith.addf %add3A_635, %gather3A_641 : vector<16xf32>
      %xor3A_643 = arith.constant 2 : i32
      %xor3A_644 = vector.broadcast %xor3A_643 : i32 to vector<16xi32>
      %xor3A_645 = arith.xori %iota3A_628, %xor3A_644 : vector<16xi32>
      %broadcast_in_dim3A_646 = vector.shape_cast %xor3A_645 : vector<16xi32> to vector<16x1xi32>
      %gather3A_647 = vector.shape_cast %broadcast_in_dim3A_646 : vector<16x1xi32> to vector<16xi32>
      %gather3A_648 = tpu.dynamic_gather %add3A_642[%gather3A_647] in [0] : vector<16xf32>, vector<16xi32> -> vector<16xf32>
      %add3A_649 = arith.addf %add3A_642, %gather3A_648 : vector<16xf32>
      %xor3A_650 = arith.constant 1 : i32
      %xor3A_651 = vector.broadcast %xor3A_650 : i32 to vector<16xi32>
      %xor3A_652 = arith.xori %iota3A_628, %xor3A_651 : vector<16xi32>
      %broadcast_in_dim3A_653 = vector.shape_cast %xor3A_652 : vector<16xi32> to vector<16x1xi32>
      %gather3A_654 = vector.shape_cast %broadcast_in_dim3A_653 : vector<16x1xi32> to vector<16xi32>
      %gather3A_655 = tpu.dynamic_gather %add3A_649[%gather3A_654] in [0] : vector<16xf32>, vector<16xi32> -> vector<16xf32>
      %add3A_656 = arith.addf %add3A_649, %gather3A_655 : vector<16xf32>
      %bitcast3A_657 = vector.bitcast %add3A_656 : vector<16xf32> to vector<16xi32>
      %shift_right_arithmetic3A_658 = arith.constant 1 : i32
      %shift_right_arithmetic3A_659 = vector.broadcast %shift_right_arithmetic3A_658 : i32 to vector<16xi32>
      %shift_right_arithmetic3A_660 = arith.shrsi %bitcast3A_657, %shift_right_arithmetic3A_659 : vector<16xi32>
      %sub3A_661 = arith.constant 1597463007 : i32
      %sub3A_662 = vector.broadcast %sub3A_661 : i32 to vector<16xi32>
      %sub3A_663 = arith.subi %sub3A_662, %shift_right_arithmetic3A_660 : vector<16xi32>
      %bitcast3A_664 = vector.bitcast %sub3A_663 : vector<16xi32> to vector<16xf32>
      %mul3A_665 = arith.constant 5.000000e-01 : f32
      %mul3A_666 = vector.broadcast %mul3A_665 : f32 to vector<16xf32>
      %mul3A_667 = arith.mulf %add3A_656, %mul3A_666 : vector<16xf32>
      %mul3A_668 = arith.mulf %mul3A_667, %bitcast3A_664 : vector<16xf32>
      %mul3A_669 = arith.mulf %mul3A_668, %bitcast3A_664 : vector<16xf32>
      %sub3A_670 = arith.constant 1.500000e+00 : f32
      %sub3A_671 = vector.broadcast %sub3A_670 : f32 to vector<16xf32>
      %sub3A_672 = arith.subf %sub3A_671, %mul3A_669 : vector<16xf32>
      %mul3A_673 = arith.mulf %bitcast3A_664, %sub3A_672 : vector<16xf32>
      %mul3A_674 = arith.mulf %get3A_591, %mul3A_673 : vector<16xf32>
      %swap3A_675 = arith.index_cast %add3A_588 : i32 to index
      %swap3A_676 = arith.constant 0 : index
      %swap3A_677 = tpu.vector_load %arg6[%swap3A_675, %swap3A_676] {strides = array<i32>} : memref<128x128xf32, #tpu.memory_space<vmem>>, vector<16xf32>,
      tpu.vector_store %arg6[%swap3A_675, %swap3A_676], %mul3A_674 {strides = array<i32>} : memref<128x128xf32, #tpu.memory_space<vmem>>, vector<16xf32>,
      %mul3A_678 = arith.mulf %get3A_594, %mul3A_673 : vector<16xf32>
      %swap3A_679 = arith.index_cast %add3A_588 : i32 to index
      %swap3A_680 = arith.constant 16 : index
      %swap3A_681 = tpu.vector_load %arg6[%swap3A_679, %swap3A_680] {strides = array<i32>} : memref<128x128xf32, #tpu.memory_space<vmem>>, vector<16xf32>,
      tpu.vector_store %arg6[%swap3A_679, %swap3A_680], %mul3A_678 {strides = array<i32>} : memref<128x128xf32, #tpu.memory_space<vmem>>, vector<16xf32>,
      %mul3A_682 = arith.mulf %get3A_597, %mul3A_673 : vector<16xf32>
      %swap3A_683 = arith.index_cast %add3A_588 : i32 to index
      %swap3A_684 = arith.constant 32 : index
      %swap3A_685 = tpu.vector_load %arg6[%swap3A_683, %swap3A_684] {strides = array<i32>} : memref<128x128xf32, #tpu.memory_space<vmem>>, vector<16xf32>,
      tpu.vector_store %arg6[%swap3A_683, %swap3A_684], %mul3A_682 {strides = array<i32>} : memref<128x128xf32, #tpu.memory_space<vmem>>, vector<16xf32>,
      %mul3A_686 = arith.mulf %get3A_600, %mul3A_673 : vector<16xf32>
      %swap3A_687 = arith.index_cast %add3A_588 : i32 to index
      %swap3A_688 = arith.constant 48 : index
      %swap3A_689 = tpu.vector_load %arg6[%swap3A_687, %swap3A_688] {strides = array<i32>} : memref<128x128xf32, #tpu.memory_space<vmem>>, vector<16xf32>,
      tpu.vector_store %arg6[%swap3A_687, %swap3A_688], %mul3A_686 {strides = array<i32>} : memref<128x128xf32, #tpu.memory_space<vmem>>, vector<16xf32>,
      %mul3A_690 = arith.mulf %get3A_603, %mul3A_673 : vector<16xf32>
      %swap3A_691 = arith.index_cast %add3A_588 : i32 to index
      %swap3A_692 = arith.constant 64 : index
      %swap3A_693 = tpu.vector_load %arg6[%swap3A_691, %swap3A_692] {strides = array<i32>} : memref<128x128xf32, #tpu.memory_space<vmem>>, vector<16xf32>,
      tpu.vector_store %arg6[%swap3A_691, %swap3A_692], %mul3A_690 {strides = array<i32>} : memref<128x128xf32, #tpu.memory_space<vmem>>, vector<16xf32>,
      %mul3A_694 = arith.mulf %get3A_606, %mul3A_673 : vector<16xf32>
      %swap3A_695 = arith.index_cast %add3A_588 : i32 to index
      %swap3A_696 = arith.constant 80 : index
      %swap3A_697 = tpu.vector_load %arg6[%swap3A_695, %swap3A_696] {strides = array<i32>} : memref<128x128xf32, #tpu.memory_space<vmem>>, vector<16xf32>,
      tpu.vector_store %arg6[%swap3A_695, %swap3A_696], %mul3A_694 {strides = array<i32>} : memref<128x128xf32, #tpu.memory_space<vmem>>, vector<16xf32>,
      %mul3A_698 = arith.mulf %get3A_609, %mul3A_673 : vector<16xf32>
      %swap3A_699 = arith.index_cast %add3A_588 : i32 to index
      %swap3A_700 = arith.constant 96 : index
      %swap3A_701 = tpu.vector_load %arg6[%swap3A_699, %swap3A_700] {strides = array<i32>} : memref<128x128xf32, #tpu.memory_space<vmem>>, vector<16xf32>,
      tpu.vector_store %arg6[%swap3A_699, %swap3A_700], %mul3A_698 {strides = array<i32>} : memref<128x128xf32, #tpu.memory_space<vmem>>, vector<16xf32>,
      %mul3A_702 = arith.mulf %get3A_612, %mul3A_673 : vector<16xf32>
      %swap3A_703 = arith.index_cast %add3A_588 : i32 to index
      %swap3A_704 = arith.constant 112 : index
      %swap3A_705 = tpu.vector_load %arg6[%swap3A_703, %swap3A_704] {strides = array<i32>} : memref<128x128xf32, #tpu.memory_space<vmem>>, vector<16xf32>,
      tpu.vector_store %arg6[%swap3A_703, %swap3A_704], %mul3A_702 {strides = array<i32>} : memref<128x128xf32, #tpu.memory_space<vmem>>, vector<16xf32>,
    }
    %scan3A_123 = arith.constant 10 : i32
    %add3A_124 = arith.constant 80 : i32
    %add3A_125 = arith.addi %mul3A_2, %add3A_124 : i32
    %dma_start3A_126 = arith.constant 2 : i32
    %dma_start3A_127 = arith.constant 80 : i32
    %dma_start3A_128 = arith.constant 0 : i32
    %dma_start3A_129 = tpu.memref_slice %arg6[%dma_start3A_127, %dma_start3A_128] : memref<128x128xf32, #tpu.memory_space<vmem>> -> memref<40x128xf32, #tpu.memory_space<vmem>>
    %dma_start3A_130 = arith.constant 0 : i32
    %dma_start3A_131 = tpu.memref_slice %arg4[%add3A_125, %dma_start3A_130] : memref<4096x128xf32, #tpu.memory_space<hbm>> -> memref<40x128xf32, #tpu.memory_space<hbm>>
    %dma_start3A_132 = tpu.memref_slice %arg8[%dma_start3A_126] : memref<4x!tpu.dma_semaphore, #tpu.memory_space<semaphore_mem>> -> memref<1x!tpu.dma_semaphore, #tpu.memory_space<semaphore_mem>>
    %dma_start3A_133 = tpu.memref_squeeze %dma_start3A_132 : memref<1x!tpu.dma_semaphore, #tpu.memory_space<semaphore_mem>> -> memref<!tpu.dma_semaphore, #tpu.memory_space<semaphore_mem>>
    %dma_start3A_134 = arith.constant 0 : i32
    %dma_start3A_135 = tpu.memref_slice %arg4[%add3A_125, %dma_start3A_134] : memref<4096x128xf32, #tpu.memory_space<hbm>> -> memref<40x128xf32, #tpu.memory_space<hbm>>
    %dma_start3A_136 = arith.constant 80 : i32
    %dma_start3A_137 = arith.constant 0 : i32
    %dma_start3A_138 = tpu.memref_slice %arg6[%dma_start3A_136, %dma_start3A_137] : memref<128x128xf32, #tpu.memory_space<vmem>> -> memref<40x128xf32, #tpu.memory_space<vmem>>
    tpu.enqueue_dma source(%dma_start3A_138 : memref<40x128xf32, #tpu.memory_space<vmem>>) target(%dma_start3A_135 : memref<40x128xf32, #tpu.memory_space<hbm>>) target_semaphore(%dma_start3A_133 : memref<!tpu.dma_semaphore, #tpu.memory_space<semaphore_mem>>)
    %dma_wait3A_139 = arith.constant 3 : i32
    %dma_wait3A_140 = arith.constant 120 : i32
    %dma_wait3A_141 = arith.constant 0 : i32
    %dma_wait3A_142 = tpu.memref_slice %arg6[%dma_wait3A_140, %dma_wait3A_141] : memref<128x128xf32, #tpu.memory_space<vmem>> -> memref<8x128xf32, #tpu.memory_space<vmem>>
    %dma_wait3A_143 = arith.constant 120 : i32
    %dma_wait3A_144 = tpu.memref_slice %arg5[%dma_wait3A_143] : memref<128xi32, #tpu.memory_space<vmem>> -> memref<8xi32, #tpu.memory_space<vmem>>
    %dma_wait3A_145 = arith.constant 0 : i32
    %dma_wait3A_146 = arith.constant 0 : i32
    %dma_wait3A_147 = tpu.memref_slice %arg3[%dma_wait3A_145, %dma_wait3A_146] : memref<100000x128xf32, #tpu.memory_space<hbm>> -> memref<100000x128xf32, #tpu.memory_space<hbm>>
    %dma_wait3A_148 = tpu.memref_slice %arg7[%dma_wait3A_139] : memref<4x!tpu.dma_semaphore, #tpu.memory_space<semaphore_mem>> -> memref<1x!tpu.dma_semaphore, #tpu.memory_space<semaphore_mem>>
    %dma_wait3A_149 = tpu.memref_squeeze %dma_wait3A_148 : memref<1x!tpu.dma_semaphore, #tpu.memory_space<semaphore_mem>> -> memref<!tpu.dma_semaphore, #tpu.memory_space<semaphore_mem>>
    tpu.wait_indirect_dma semaphore(%dma_wait3A_149 : memref<!tpu.dma_semaphore, #tpu.memory_space<semaphore_mem>>) src(%dma_wait3A_147 : memref<100000x128xf32, #tpu.memory_space<hbm>>) dst(%dma_wait3A_142 : memref<8x128xf32, #tpu.memory_space<vmem>>)
    %scan3A_150 = arith.constant 0 : i32
    %scan3A_151 = arith.constant 2 : i32
    %scan3A_152 = arith.addi %scan3A_150, %scan3A_151 : i32
    %scan3A_153 = arith.constant 1 : i32
    scf.for %scan3A_222 = %scan3A_150 to %scan3A_152 step %scan3A_153  : i32 {
      %mul3A_223 = arith.constant 4 : i32
      %mul3A_224 = arith.muli %scan3A_222, %mul3A_223 : i32
      %add3A_225 = arith.constant 120 : i32
      %add3A_226 = arith.addi %add3A_225, %mul3A_224 : i32
      %add3A_227 = arith.constant 0 : i32
      %add3A_228 = arith.addi %add3A_226, %add3A_227 : i32
      %get3A = arith.index_cast %add3A_228 : i32 to index
      %get3A_229 = arith.constant 0 : index
      %get3A_230 = tpu.vector_load %arg6[%get3A, %get3A_229] {strides = array<i32>} : memref<128x128xf32, #tpu.memory_space<vmem>>, vector<16xf32>,
      %get3A_231 = arith.index_cast %add3A_228 : i32 to index
      %get3A_232 = arith.constant 16 : index
      %get3A_233 = tpu.vector_load %arg6[%get3A_231, %get3A_232] {strides = array<i32>} : memref<128x128xf32, #tpu.memory_space<vmem>>, vector<16xf32>,
      %get3A_234 = arith.index_cast %add3A_228 : i32 to index
      %get3A_235 = arith.constant 32 : index
      %get3A_236 = tpu.vector_load %arg6[%get3A_234, %get3A_235] {strides = array<i32>} : memref<128x128xf32, #tpu.memory_space<vmem>>, vector<16xf32>,
      %get3A_237 = arith.index_cast %add3A_228 : i32 to index
      %get3A_238 = arith.constant 48 : index
      %get3A_239 = tpu.vector_load %arg6[%get3A_237, %get3A_238] {strides = array<i32>} : memref<128x128xf32, #tpu.memory_space<vmem>>, vector<16xf32>,
      %get3A_240 = arith.index_cast %add3A_228 : i32 to index
      %get3A_241 = arith.constant 64 : index
      %get3A_242 = tpu.vector_load %arg6[%get3A_240, %get3A_241] {strides = array<i32>} : memref<128x128xf32, #tpu.memory_space<vmem>>, vector<16xf32>,
      %get3A_243 = arith.index_cast %add3A_228 : i32 to index
      %get3A_244 = arith.constant 80 : index
      %get3A_245 = tpu.vector_load %arg6[%get3A_243, %get3A_244] {strides = array<i32>} : memref<128x128xf32, #tpu.memory_space<vmem>>, vector<16xf32>,
      %get3A_246 = arith.index_cast %add3A_228 : i32 to index
      %get3A_247 = arith.constant 96 : index
      %get3A_248 = tpu.vector_load %arg6[%get3A_246, %get3A_247] {strides = array<i32>} : memref<128x128xf32, #tpu.memory_space<vmem>>, vector<16xf32>,
      %get3A_249 = arith.index_cast %add3A_228 : i32 to index
      %get3A_250 = arith.constant 112 : index
      %get3A_251 = tpu.vector_load %arg6[%get3A_249, %get3A_250] {strides = array<i32>} : memref<128x128xf32, #tpu.memory_space<vmem>>, vector<16xf32>,
      %mul3A_252 = arith.mulf %get3A_230, %get3A_230 : vector<16xf32>
      %mul3A_253 = arith.mulf %get3A_233, %get3A_233 : vector<16xf32>
      %add3A_254 = arith.addf %mul3A_252, %mul3A_253 : vector<16xf32>
      %mul3A_255 = arith.mulf %get3A_236, %get3A_236 : vector<16xf32>
      %add3A_256 = arith.addf %add3A_254, %mul3A_255 : vector<16xf32>
      %mul3A_257 = arith.mulf %get3A_239, %get3A_239 : vector<16xf32>
      %add3A_258 = arith.addf %add3A_256, %mul3A_257 : vector<16xf32>
      %mul3A_259 = arith.mulf %get3A_242, %get3A_242 : vector<16xf32>
      %add3A_260 = arith.addf %add3A_258, %mul3A_259 : vector<16xf32>
      %mul3A_261 = arith.mulf %get3A_245, %get3A_245 : vector<16xf32>
      %add3A_262 = arith.addf %add3A_260, %mul3A_261 : vector<16xf32>
      %mul3A_263 = arith.mulf %get3A_248, %get3A_248 : vector<16xf32>
      %add3A_264 = arith.addf %add3A_262, %mul3A_263 : vector<16xf32>
      %mul3A_265 = arith.mulf %get3A_251, %get3A_251 : vector<16xf32>
      %add3A_266 = arith.addf %add3A_264, %mul3A_265 : vector<16xf32>
      %iota3A = tpu.iota {dimensions = array<i32: 0>} : vector<16xi32>
      %xor3A = arith.constant 8 : i32
      %xor3A_267 = vector.broadcast %xor3A : i32 to vector<16xi32>
      %xor3A_268 = arith.xori %iota3A, %xor3A_267 : vector<16xi32>
      %broadcast_in_dim3A = vector.shape_cast %xor3A_268 : vector<16xi32> to vector<16x1xi32>
      %gather3A = vector.shape_cast %broadcast_in_dim3A : vector<16x1xi32> to vector<16xi32>
      %gather3A_269 = tpu.dynamic_gather %add3A_266[%gather3A] in [0] : vector<16xf32>, vector<16xi32> -> vector<16xf32>
      %add3A_270 = arith.addf %add3A_266, %gather3A_269 : vector<16xf32>
      %xor3A_271 = arith.constant 4 : i32
      %xor3A_272 = vector.broadcast %xor3A_271 : i32 to vector<16xi32>
      %xor3A_273 = arith.xori %iota3A, %xor3A_272 : vector<16xi32>
      %broadcast_in_dim3A_274 = vector.shape_cast %xor3A_273 : vector<16xi32> to vector<16x1xi32>
      %gather3A_275 = vector.shape_cast %broadcast_in_dim3A_274 : vector<16x1xi32> to vector<16xi32>
      %gather3A_276 = tpu.dynamic_gather %add3A_270[%gather3A_275] in [0] : vector<16xf32>, vector<16xi32> -> vector<16xf32>
      %add3A_277 = arith.addf %add3A_270, %gather3A_276 : vector<16xf32>
      %xor3A_278 = arith.constant 2 : i32
      %xor3A_279 = vector.broadcast %xor3A_278 : i32 to vector<16xi32>
      %xor3A_280 = arith.xori %iota3A, %xor3A_279 : vector<16xi32>
      %broadcast_in_dim3A_281 = vector.shape_cast %xor3A_280 : vector<16xi32> to vector<16x1xi32>
      %gather3A_282 = vector.shape_cast %broadcast_in_dim3A_281 : vector<16x1xi32> to vector<16xi32>
      %gather3A_283 = tpu.dynamic_gather %add3A_277[%gather3A_282] in [0] : vector<16xf32>, vector<16xi32> -> vector<16xf32>
      %add3A_284 = arith.addf %add3A_277, %gather3A_283 : vector<16xf32>
      %xor3A_285 = arith.constant 1 : i32
      %xor3A_286 = vector.broadcast %xor3A_285 : i32 to vector<16xi32>
      %xor3A_287 = arith.xori %iota3A, %xor3A_286 : vector<16xi32>
      %broadcast_in_dim3A_288 = vector.shape_cast %xor3A_287 : vector<16xi32> to vector<16x1xi32>
      %gather3A_289 = vector.shape_cast %broadcast_in_dim3A_288 : vector<16x1xi32> to vector<16xi32>
      %gather3A_290 = tpu.dynamic_gather %add3A_284[%gather3A_289] in [0] : vector<16xf32>, vector<16xi32> -> vector<16xf32>
      %add3A_291 = arith.addf %add3A_284, %gather3A_290 : vector<16xf32>
      %bitcast3A = vector.bitcast %add3A_291 : vector<16xf32> to vector<16xi32>
      %shift_right_arithmetic3A = arith.constant 1 : i32
      %shift_right_arithmetic3A_292 = vector.broadcast %shift_right_arithmetic3A : i32 to vector<16xi32>
      %shift_right_arithmetic3A_293 = arith.shrsi %bitcast3A, %shift_right_arithmetic3A_292 : vector<16xi32>
      %sub3A = arith.constant 1597463007 : i32
      %sub3A_294 = vector.broadcast %sub3A : i32 to vector<16xi32>
      %sub3A_295 = arith.subi %sub3A_294, %shift_right_arithmetic3A_293 : vector<16xi32>
      %bitcast3A_296 = vector.bitcast %sub3A_295 : vector<16xi32> to vector<16xf32>
      %mul3A_297 = arith.constant 5.000000e-01 : f32
      %mul3A_298 = vector.broadcast %mul3A_297 : f32 to vector<16xf32>
      %mul3A_299 = arith.mulf %add3A_291, %mul3A_298 : vector<16xf32>
      %mul3A_300 = arith.mulf %mul3A_299, %bitcast3A_296 : vector<16xf32>
      %mul3A_301 = arith.mulf %mul3A_300, %bitcast3A_296 : vector<16xf32>
      %sub3A_302 = arith.constant 1.500000e+00 : f32
      %sub3A_303 = vector.broadcast %sub3A_302 : f32 to vector<16xf32>
      %sub3A_304 = arith.subf %sub3A_303, %mul3A_301 : vector<16xf32>
      %mul3A_305 = arith.mulf %bitcast3A_296, %sub3A_304 : vector<16xf32>
      %mul3A_306 = arith.mulf %get3A_230, %mul3A_305 : vector<16xf32>
      %swap3A = arith.index_cast %add3A_228 : i32 to index
      %swap3A_307 = arith.constant 0 : index
      %swap3A_308 = tpu.vector_load %arg6[%swap3A, %swap3A_307] {strides = array<i32>} : memref<128x128xf32, #tpu.memory_space<vmem>>, vector<16xf32>,
      tpu.vector_store %arg6[%swap3A, %swap3A_307], %mul3A_306 {strides = array<i32>} : memref<128x128xf32, #tpu.memory_space<vmem>>, vector<16xf32>,
      %mul3A_309 = arith.mulf %get3A_233, %mul3A_305 : vector<16xf32>
      %swap3A_310 = arith.index_cast %add3A_228 : i32 to index
      %swap3A_311 = arith.constant 16 : index
      %swap3A_312 = tpu.vector_load %arg6[%swap3A_310, %swap3A_311] {strides = array<i32>} : memref<128x128xf32, #tpu.memory_space<vmem>>, vector<16xf32>,
      tpu.vector_store %arg6[%swap3A_310, %swap3A_311], %mul3A_309 {strides = array<i32>} : memref<128x128xf32, #tpu.memory_space<vmem>>, vector<16xf32>,
      %mul3A_313 = arith.mulf %get3A_236, %mul3A_305 : vector<16xf32>
      %swap3A_314 = arith.index_cast %add3A_228 : i32 to index
      %swap3A_315 = arith.constant 32 : index
      %swap3A_316 = tpu.vector_load %arg6[%swap3A_314, %swap3A_315] {strides = array<i32>} : memref<128x128xf32, #tpu.memory_space<vmem>>, vector<16xf32>,
      tpu.vector_store %arg6[%swap3A_314, %swap3A_315], %mul3A_313 {strides = array<i32>} : memref<128x128xf32, #tpu.memory_space<vmem>>, vector<16xf32>,
      %mul3A_317 = arith.mulf %get3A_239, %mul3A_305 : vector<16xf32>
      %swap3A_318 = arith.index_cast %add3A_228 : i32 to index
      %swap3A_319 = arith.constant 48 : index
      %swap3A_320 = tpu.vector_load %arg6[%swap3A_318, %swap3A_319] {strides = array<i32>} : memref<128x128xf32, #tpu.memory_space<vmem>>, vector<16xf32>,
      tpu.vector_store %arg6[%swap3A_318, %swap3A_319], %mul3A_317 {strides = array<i32>} : memref<128x128xf32, #tpu.memory_space<vmem>>, vector<16xf32>,
      %mul3A_321 = arith.mulf %get3A_242, %mul3A_305 : vector<16xf32>
      %swap3A_322 = arith.index_cast %add3A_228 : i32 to index
      %swap3A_323 = arith.constant 64 : index
      %swap3A_324 = tpu.vector_load %arg6[%swap3A_322, %swap3A_323] {strides = array<i32>} : memref<128x128xf32, #tpu.memory_space<vmem>>, vector<16xf32>,
      tpu.vector_store %arg6[%swap3A_322, %swap3A_323], %mul3A_321 {strides = array<i32>} : memref<128x128xf32, #tpu.memory_space<vmem>>, vector<16xf32>,
      %mul3A_325 = arith.mulf %get3A_245, %mul3A_305 : vector<16xf32>
      %swap3A_326 = arith.index_cast %add3A_228 : i32 to index
      %swap3A_327 = arith.constant 80 : index
      %swap3A_328 = tpu.vector_load %arg6[%swap3A_326, %swap3A_327] {strides = array<i32>} : memref<128x128xf32, #tpu.memory_space<vmem>>, vector<16xf32>,
      tpu.vector_store %arg6[%swap3A_326, %swap3A_327], %mul3A_325 {strides = array<i32>} : memref<128x128xf32, #tpu.memory_space<vmem>>, vector<16xf32>,
      %mul3A_329 = arith.mulf %get3A_248, %mul3A_305 : vector<16xf32>
      %swap3A_330 = arith.index_cast %add3A_228 : i32 to index
      %swap3A_331 = arith.constant 96 : index
      %swap3A_332 = tpu.vector_load %arg6[%swap3A_330, %swap3A_331] {strides = array<i32>} : memref<128x128xf32, #tpu.memory_space<vmem>>, vector<16xf32>,
      tpu.vector_store %arg6[%swap3A_330, %swap3A_331], %mul3A_329 {strides = array<i32>} : memref<128x128xf32, #tpu.memory_space<vmem>>, vector<16xf32>,
      %mul3A_333 = arith.mulf %get3A_251, %mul3A_305 : vector<16xf32>
      %swap3A_334 = arith.index_cast %add3A_228 : i32 to index
      %swap3A_335 = arith.constant 112 : index
      %swap3A_336 = tpu.vector_load %arg6[%swap3A_334, %swap3A_335] {strides = array<i32>} : memref<128x128xf32, #tpu.memory_space<vmem>>, vector<16xf32>,
      tpu.vector_store %arg6[%swap3A_334, %swap3A_335], %mul3A_333 {strides = array<i32>} : memref<128x128xf32, #tpu.memory_space<vmem>>, vector<16xf32>,
      %mul3A_337 = arith.constant 4 : i32
      %mul3A_338 = arith.muli %scan3A_222, %mul3A_337 : i32
      %add3A_339 = arith.constant 120 : i32
      %add3A_340 = arith.addi %add3A_339, %mul3A_338 : i32
      %add3A_341 = arith.constant 1 : i32
      %add3A_342 = arith.addi %add3A_340, %add3A_341 : i32
      %get3A_343 = arith.index_cast %add3A_342 : i32 to index
      %get3A_344 = arith.constant 0 : index
      %get3A_345 = tpu.vector_load %arg6[%get3A_343, %get3A_344] {strides = array<i32>} : memref<128x128xf32, #tpu.memory_space<vmem>>, vector<16xf32>,
      %get3A_346 = arith.index_cast %add3A_342 : i32 to index
      %get3A_347 = arith.constant 16 : index
      %get3A_348 = tpu.vector_load %arg6[%get3A_346, %get3A_347] {strides = array<i32>} : memref<128x128xf32, #tpu.memory_space<vmem>>, vector<16xf32>,
      %get3A_349 = arith.index_cast %add3A_342 : i32 to index
      %get3A_350 = arith.constant 32 : index
      %get3A_351 = tpu.vector_load %arg6[%get3A_349, %get3A_350] {strides = array<i32>} : memref<128x128xf32, #tpu.memory_space<vmem>>, vector<16xf32>,
      %get3A_352 = arith.index_cast %add3A_342 : i32 to index
      %get3A_353 = arith.constant 48 : index
      %get3A_354 = tpu.vector_load %arg6[%get3A_352, %get3A_353] {strides = array<i32>} : memref<128x128xf32, #tpu.memory_space<vmem>>, vector<16xf32>,
      %get3A_355 = arith.index_cast %add3A_342 : i32 to index
      %get3A_356 = arith.constant 64 : index
      %get3A_357 = tpu.vector_load %arg6[%get3A_355, %get3A_356] {strides = array<i32>} : memref<128x128xf32, #tpu.memory_space<vmem>>, vector<16xf32>,
      %get3A_358 = arith.index_cast %add3A_342 : i32 to index
      %get3A_359 = arith.constant 80 : index
      %get3A_360 = tpu.vector_load %arg6[%get3A_358, %get3A_359] {strides = array<i32>} : memref<128x128xf32, #tpu.memory_space<vmem>>, vector<16xf32>,
      %get3A_361 = arith.index_cast %add3A_342 : i32 to index
      %get3A_362 = arith.constant 96 : index
      %get3A_363 = tpu.vector_load %arg6[%get3A_361, %get3A_362] {strides = array<i32>} : memref<128x128xf32, #tpu.memory_space<vmem>>, vector<16xf32>,
      %get3A_364 = arith.index_cast %add3A_342 : i32 to index
      %get3A_365 = arith.constant 112 : index
      %get3A_366 = tpu.vector_load %arg6[%get3A_364, %get3A_365] {strides = array<i32>} : memref<128x128xf32, #tpu.memory_space<vmem>>, vector<16xf32>,
      %mul3A_367 = arith.mulf %get3A_345, %get3A_345 : vector<16xf32>
      %mul3A_368 = arith.mulf %get3A_348, %get3A_348 : vector<16xf32>
      %add3A_369 = arith.addf %mul3A_367, %mul3A_368 : vector<16xf32>
      %mul3A_370 = arith.mulf %get3A_351, %get3A_351 : vector<16xf32>
      %add3A_371 = arith.addf %add3A_369, %mul3A_370 : vector<16xf32>
      %mul3A_372 = arith.mulf %get3A_354, %get3A_354 : vector<16xf32>
      %add3A_373 = arith.addf %add3A_371, %mul3A_372 : vector<16xf32>
      %mul3A_374 = arith.mulf %get3A_357, %get3A_357 : vector<16xf32>
      %add3A_375 = arith.addf %add3A_373, %mul3A_374 : vector<16xf32>
      %mul3A_376 = arith.mulf %get3A_360, %get3A_360 : vector<16xf32>
      %add3A_377 = arith.addf %add3A_375, %mul3A_376 : vector<16xf32>
      %mul3A_378 = arith.mulf %get3A_363, %get3A_363 : vector<16xf32>
      %add3A_379 = arith.addf %add3A_377, %mul3A_378 : vector<16xf32>
      %mul3A_380 = arith.mulf %get3A_366, %get3A_366 : vector<16xf32>
      %add3A_381 = arith.addf %add3A_379, %mul3A_380 : vector<16xf32>
      %iota3A_382 = tpu.iota {dimensions = array<i32: 0>} : vector<16xi32>
      %xor3A_383 = arith.constant 8 : i32
      %xor3A_384 = vector.broadcast %xor3A_383 : i32 to vector<16xi32>
      %xor3A_385 = arith.xori %iota3A_382, %xor3A_384 : vector<16xi32>
      %broadcast_in_dim3A_386 = vector.shape_cast %xor3A_385 : vector<16xi32> to vector<16x1xi32>
      %gather3A_387 = vector.shape_cast %broadcast_in_dim3A_386 : vector<16x1xi32> to vector<16xi32>
      %gather3A_388 = tpu.dynamic_gather %add3A_381[%gather3A_387] in [0] : vector<16xf32>, vector<16xi32> -> vector<16xf32>
      %add3A_389 = arith.addf %add3A_381, %gather3A_388 : vector<16xf32>
      %xor3A_390 = arith.constant 4 : i32
      %xor3A_391 = vector.broadcast %xor3A_390 : i32 to vector<16xi32>
      %xor3A_392 = arith.xori %iota3A_382, %xor3A_391 : vector<16xi32>
      %broadcast_in_dim3A_393 = vector.shape_cast %xor3A_392 : vector<16xi32> to vector<16x1xi32>
      %gather3A_394 = vector.shape_cast %broadcast_in_dim3A_393 : vector<16x1xi32> to vector<16xi32>
      %gather3A_395 = tpu.dynamic_gather %add3A_389[%gather3A_394] in [0] : vector<16xf32>, vector<16xi32> -> vector<16xf32>
      %add3A_396 = arith.addf %add3A_389, %gather3A_395 : vector<16xf32>
      %xor3A_397 = arith.constant 2 : i32
      %xor3A_398 = vector.broadcast %xor3A_397 : i32 to vector<16xi32>
      %xor3A_399 = arith.xori %iota3A_382, %xor3A_398 : vector<16xi32>
      %broadcast_in_dim3A_400 = vector.shape_cast %xor3A_399 : vector<16xi32> to vector<16x1xi32>
      %gather3A_401 = vector.shape_cast %broadcast_in_dim3A_400 : vector<16x1xi32> to vector<16xi32>
      %gather3A_402 = tpu.dynamic_gather %add3A_396[%gather3A_401] in [0] : vector<16xf32>, vector<16xi32> -> vector<16xf32>
      %add3A_403 = arith.addf %add3A_396, %gather3A_402 : vector<16xf32>
      %xor3A_404 = arith.constant 1 : i32
      %xor3A_405 = vector.broadcast %xor3A_404 : i32 to vector<16xi32>
      %xor3A_406 = arith.xori %iota3A_382, %xor3A_405 : vector<16xi32>
      %broadcast_in_dim3A_407 = vector.shape_cast %xor3A_406 : vector<16xi32> to vector<16x1xi32>
      %gather3A_408 = vector.shape_cast %broadcast_in_dim3A_407 : vector<16x1xi32> to vector<16xi32>
      %gather3A_409 = tpu.dynamic_gather %add3A_403[%gather3A_408] in [0] : vector<16xf32>, vector<16xi32> -> vector<16xf32>
      %add3A_410 = arith.addf %add3A_403, %gather3A_409 : vector<16xf32>
      %bitcast3A_411 = vector.bitcast %add3A_410 : vector<16xf32> to vector<16xi32>
      %shift_right_arithmetic3A_412 = arith.constant 1 : i32
      %shift_right_arithmetic3A_413 = vector.broadcast %shift_right_arithmetic3A_412 : i32 to vector<16xi32>
      %shift_right_arithmetic3A_414 = arith.shrsi %bitcast3A_411, %shift_right_arithmetic3A_413 : vector<16xi32>
      %sub3A_415 = arith.constant 1597463007 : i32
      %sub3A_416 = vector.broadcast %sub3A_415 : i32 to vector<16xi32>
      %sub3A_417 = arith.subi %sub3A_416, %shift_right_arithmetic3A_414 : vector<16xi32>
      %bitcast3A_418 = vector.bitcast %sub3A_417 : vector<16xi32> to vector<16xf32>
      %mul3A_419 = arith.constant 5.000000e-01 : f32
      %mul3A_420 = vector.broadcast %mul3A_419 : f32 to vector<16xf32>
      %mul3A_421 = arith.mulf %add3A_410, %mul3A_420 : vector<16xf32>
      %mul3A_422 = arith.mulf %mul3A_421, %bitcast3A_418 : vector<16xf32>
      %mul3A_423 = arith.mulf %mul3A_422, %bitcast3A_418 : vector<16xf32>
      %sub3A_424 = arith.constant 1.500000e+00 : f32
      %sub3A_425 = vector.broadcast %sub3A_424 : f32 to vector<16xf32>
      %sub3A_426 = arith.subf %sub3A_425, %mul3A_423 : vector<16xf32>
      %mul3A_427 = arith.mulf %bitcast3A_418, %sub3A_426 : vector<16xf32>
      %mul3A_428 = arith.mulf %get3A_345, %mul3A_427 : vector<16xf32>
      %swap3A_429 = arith.index_cast %add3A_342 : i32 to index
      %swap3A_430 = arith.constant 0 : index
      %swap3A_431 = tpu.vector_load %arg6[%swap3A_429, %swap3A_430] {strides = array<i32>} : memref<128x128xf32, #tpu.memory_space<vmem>>, vector<16xf32>,
      tpu.vector_store %arg6[%swap3A_429, %swap3A_430], %mul3A_428 {strides = array<i32>} : memref<128x128xf32, #tpu.memory_space<vmem>>, vector<16xf32>,
      %mul3A_432 = arith.mulf %get3A_348, %mul3A_427 : vector<16xf32>
      %swap3A_433 = arith.index_cast %add3A_342 : i32 to index
      %swap3A_434 = arith.constant 16 : index
      %swap3A_435 = tpu.vector_load %arg6[%swap3A_433, %swap3A_434] {strides = array<i32>} : memref<128x128xf32, #tpu.memory_space<vmem>>, vector<16xf32>,
      tpu.vector_store %arg6[%swap3A_433, %swap3A_434], %mul3A_432 {strides = array<i32>} : memref<128x128xf32, #tpu.memory_space<vmem>>, vector<16xf32>,
      %mul3A_436 = arith.mulf %get3A_351, %mul3A_427 : vector<16xf32>
      %swap3A_437 = arith.index_cast %add3A_342 : i32 to index
      %swap3A_438 = arith.constant 32 : index
      %swap3A_439 = tpu.vector_load %arg6[%swap3A_437, %swap3A_438] {strides = array<i32>} : memref<128x128xf32, #tpu.memory_space<vmem>>, vector<16xf32>,
      tpu.vector_store %arg6[%swap3A_437, %swap3A_438], %mul3A_436 {strides = array<i32>} : memref<128x128xf32, #tpu.memory_space<vmem>>, vector<16xf32>,
      %mul3A_440 = arith.mulf %get3A_354, %mul3A_427 : vector<16xf32>
      %swap3A_441 = arith.index_cast %add3A_342 : i32 to index
      %swap3A_442 = arith.constant 48 : index
      %swap3A_443 = tpu.vector_load %arg6[%swap3A_441, %swap3A_442] {strides = array<i32>} : memref<128x128xf32, #tpu.memory_space<vmem>>, vector<16xf32>,
      tpu.vector_store %arg6[%swap3A_441, %swap3A_442], %mul3A_440 {strides = array<i32>} : memref<128x128xf32, #tpu.memory_space<vmem>>, vector<16xf32>,
      %mul3A_444 = arith.mulf %get3A_357, %mul3A_427 : vector<16xf32>
      %swap3A_445 = arith.index_cast %add3A_342 : i32 to index
      %swap3A_446 = arith.constant 64 : index
      %swap3A_447 = tpu.vector_load %arg6[%swap3A_445, %swap3A_446] {strides = array<i32>} : memref<128x128xf32, #tpu.memory_space<vmem>>, vector<16xf32>,
      tpu.vector_store %arg6[%swap3A_445, %swap3A_446], %mul3A_444 {strides = array<i32>} : memref<128x128xf32, #tpu.memory_space<vmem>>, vector<16xf32>,
      %mul3A_448 = arith.mulf %get3A_360, %mul3A_427 : vector<16xf32>
      %swap3A_449 = arith.index_cast %add3A_342 : i32 to index
      %swap3A_450 = arith.constant 80 : index
      %swap3A_451 = tpu.vector_load %arg6[%swap3A_449, %swap3A_450] {strides = array<i32>} : memref<128x128xf32, #tpu.memory_space<vmem>>, vector<16xf32>,
      tpu.vector_store %arg6[%swap3A_449, %swap3A_450], %mul3A_448 {strides = array<i32>} : memref<128x128xf32, #tpu.memory_space<vmem>>, vector<16xf32>,
      %mul3A_452 = arith.mulf %get3A_363, %mul3A_427 : vector<16xf32>
      %swap3A_453 = arith.index_cast %add3A_342 : i32 to index
      %swap3A_454 = arith.constant 96 : index
      %swap3A_455 = tpu.vector_load %arg6[%swap3A_453, %swap3A_454] {strides = array<i32>} : memref<128x128xf32, #tpu.memory_space<vmem>>, vector<16xf32>,
      tpu.vector_store %arg6[%swap3A_453, %swap3A_454], %mul3A_452 {strides = array<i32>} : memref<128x128xf32, #tpu.memory_space<vmem>>, vector<16xf32>,
      %mul3A_456 = arith.mulf %get3A_366, %mul3A_427 : vector<16xf32>
      %swap3A_457 = arith.index_cast %add3A_342 : i32 to index
      %swap3A_458 = arith.constant 112 : index
      %swap3A_459 = tpu.vector_load %arg6[%swap3A_457, %swap3A_458] {strides = array<i32>} : memref<128x128xf32, #tpu.memory_space<vmem>>, vector<16xf32>,
      tpu.vector_store %arg6[%swap3A_457, %swap3A_458], %mul3A_456 {strides = array<i32>} : memref<128x128xf32, #tpu.memory_space<vmem>>, vector<16xf32>,
      %mul3A_460 = arith.constant 4 : i32
      %mul3A_461 = arith.muli %scan3A_222, %mul3A_460 : i32
      %add3A_462 = arith.constant 120 : i32
      %add3A_463 = arith.addi %add3A_462, %mul3A_461 : i32
      %add3A_464 = arith.constant 2 : i32
      %add3A_465 = arith.addi %add3A_463, %add3A_464 : i32
      %get3A_466 = arith.index_cast %add3A_465 : i32 to index
      %get3A_467 = arith.constant 0 : index
      %get3A_468 = tpu.vector_load %arg6[%get3A_466, %get3A_467] {strides = array<i32>} : memref<128x128xf32, #tpu.memory_space<vmem>>, vector<16xf32>,
      %get3A_469 = arith.index_cast %add3A_465 : i32 to index
      %get3A_470 = arith.constant 16 : index
      %get3A_471 = tpu.vector_load %arg6[%get3A_469, %get3A_470] {strides = array<i32>} : memref<128x128xf32, #tpu.memory_space<vmem>>, vector<16xf32>,
      %get3A_472 = arith.index_cast %add3A_465 : i32 to index
      %get3A_473 = arith.constant 32 : index
      %get3A_474 = tpu.vector_load %arg6[%get3A_472, %get3A_473] {strides = array<i32>} : memref<128x128xf32, #tpu.memory_space<vmem>>, vector<16xf32>,
      %get3A_475 = arith.index_cast %add3A_465 : i32 to index
      %get3A_476 = arith.constant 48 : index
      %get3A_477 = tpu.vector_load %arg6[%get3A_475, %get3A_476] {strides = array<i32>} : memref<128x128xf32, #tpu.memory_space<vmem>>, vector<16xf32>,
      %get3A_478 = arith.index_cast %add3A_465 : i32 to index
      %get3A_479 = arith.constant 64 : index
      %get3A_480 = tpu.vector_load %arg6[%get3A_478, %get3A_479] {strides = array<i32>} : memref<128x128xf32, #tpu.memory_space<vmem>>, vector<16xf32>,
      %get3A_481 = arith.index_cast %add3A_465 : i32 to index
      %get3A_482 = arith.constant 80 : index
      %get3A_483 = tpu.vector_load %arg6[%get3A_481, %get3A_482] {strides = array<i32>} : memref<128x128xf32, #tpu.memory_space<vmem>>, vector<16xf32>,
      %get3A_484 = arith.index_cast %add3A_465 : i32 to index
      %get3A_485 = arith.constant 96 : index
      %get3A_486 = tpu.vector_load %arg6[%get3A_484, %get3A_485] {strides = array<i32>} : memref<128x128xf32, #tpu.memory_space<vmem>>, vector<16xf32>,
      %get3A_487 = arith.index_cast %add3A_465 : i32 to index
      %get3A_488 = arith.constant 112 : index
      %get3A_489 = tpu.vector_load %arg6[%get3A_487, %get3A_488] {strides = array<i32>} : memref<128x128xf32, #tpu.memory_space<vmem>>, vector<16xf32>,
      %mul3A_490 = arith.mulf %get3A_468, %get3A_468 : vector<16xf32>
      %mul3A_491 = arith.mulf %get3A_471, %get3A_471 : vector<16xf32>
      %add3A_492 = arith.addf %mul3A_490, %mul3A_491 : vector<16xf32>
      %mul3A_493 = arith.mulf %get3A_474, %get3A_474 : vector<16xf32>
      %add3A_494 = arith.addf %add3A_492, %mul3A_493 : vector<16xf32>
      %mul3A_495 = arith.mulf %get3A_477, %get3A_477 : vector<16xf32>
      %add3A_496 = arith.addf %add3A_494, %mul3A_495 : vector<16xf32>
      %mul3A_497 = arith.mulf %get3A_480, %get3A_480 : vector<16xf32>
      %add3A_498 = arith.addf %add3A_496, %mul3A_497 : vector<16xf32>
      %mul3A_499 = arith.mulf %get3A_483, %get3A_483 : vector<16xf32>
      %add3A_500 = arith.addf %add3A_498, %mul3A_499 : vector<16xf32>
      %mul3A_501 = arith.mulf %get3A_486, %get3A_486 : vector<16xf32>
      %add3A_502 = arith.addf %add3A_500, %mul3A_501 : vector<16xf32>
      %mul3A_503 = arith.mulf %get3A_489, %get3A_489 : vector<16xf32>
      %add3A_504 = arith.addf %add3A_502, %mul3A_503 : vector<16xf32>
      %iota3A_505 = tpu.iota {dimensions = array<i32: 0>} : vector<16xi32>
      %xor3A_506 = arith.constant 8 : i32
      %xor3A_507 = vector.broadcast %xor3A_506 : i32 to vector<16xi32>
      %xor3A_508 = arith.xori %iota3A_505, %xor3A_507 : vector<16xi32>
      %broadcast_in_dim3A_509 = vector.shape_cast %xor3A_508 : vector<16xi32> to vector<16x1xi32>
      %gather3A_510 = vector.shape_cast %broadcast_in_dim3A_509 : vector<16x1xi32> to vector<16xi32>
      %gather3A_511 = tpu.dynamic_gather %add3A_504[%gather3A_510] in [0] : vector<16xf32>, vector<16xi32> -> vector<16xf32>
      %add3A_512 = arith.addf %add3A_504, %gather3A_511 : vector<16xf32>
      %xor3A_513 = arith.constant 4 : i32
      %xor3A_514 = vector.broadcast %xor3A_513 : i32 to vector<16xi32>
      %xor3A_515 = arith.xori %iota3A_505, %xor3A_514 : vector<16xi32>
      %broadcast_in_dim3A_516 = vector.shape_cast %xor3A_515 : vector<16xi32> to vector<16x1xi32>
      %gather3A_517 = vector.shape_cast %broadcast_in_dim3A_516 : vector<16x1xi32> to vector<16xi32>
      %gather3A_518 = tpu.dynamic_gather %add3A_512[%gather3A_517] in [0] : vector<16xf32>, vector<16xi32> -> vector<16xf32>
      %add3A_519 = arith.addf %add3A_512, %gather3A_518 : vector<16xf32>
      %xor3A_520 = arith.constant 2 : i32
      %xor3A_521 = vector.broadcast %xor3A_520 : i32 to vector<16xi32>
      %xor3A_522 = arith.xori %iota3A_505, %xor3A_521 : vector<16xi32>
      %broadcast_in_dim3A_523 = vector.shape_cast %xor3A_522 : vector<16xi32> to vector<16x1xi32>
      %gather3A_524 = vector.shape_cast %broadcast_in_dim3A_523 : vector<16x1xi32> to vector<16xi32>
      %gather3A_525 = tpu.dynamic_gather %add3A_519[%gather3A_524] in [0] : vector<16xf32>, vector<16xi32> -> vector<16xf32>
      %add3A_526 = arith.addf %add3A_519, %gather3A_525 : vector<16xf32>
      %xor3A_527 = arith.constant 1 : i32
      %xor3A_528 = vector.broadcast %xor3A_527 : i32 to vector<16xi32>
      %xor3A_529 = arith.xori %iota3A_505, %xor3A_528 : vector<16xi32>
      %broadcast_in_dim3A_530 = vector.shape_cast %xor3A_529 : vector<16xi32> to vector<16x1xi32>
      %gather3A_531 = vector.shape_cast %broadcast_in_dim3A_530 : vector<16x1xi32> to vector<16xi32>
      %gather3A_532 = tpu.dynamic_gather %add3A_526[%gather3A_531] in [0] : vector<16xf32>, vector<16xi32> -> vector<16xf32>
      %add3A_533 = arith.addf %add3A_526, %gather3A_532 : vector<16xf32>
      %bitcast3A_534 = vector.bitcast %add3A_533 : vector<16xf32> to vector<16xi32>
      %shift_right_arithmetic3A_535 = arith.constant 1 : i32
      %shift_right_arithmetic3A_536 = vector.broadcast %shift_right_arithmetic3A_535 : i32 to vector<16xi32>
      %shift_right_arithmetic3A_537 = arith.shrsi %bitcast3A_534, %shift_right_arithmetic3A_536 : vector<16xi32>
      %sub3A_538 = arith.constant 1597463007 : i32
      %sub3A_539 = vector.broadcast %sub3A_538 : i32 to vector<16xi32>
      %sub3A_540 = arith.subi %sub3A_539, %shift_right_arithmetic3A_537 : vector<16xi32>
      %bitcast3A_541 = vector.bitcast %sub3A_540 : vector<16xi32> to vector<16xf32>
      %mul3A_542 = arith.constant 5.000000e-01 : f32
      %mul3A_543 = vector.broadcast %mul3A_542 : f32 to vector<16xf32>
      %mul3A_544 = arith.mulf %add3A_533, %mul3A_543 : vector<16xf32>
      %mul3A_545 = arith.mulf %mul3A_544, %bitcast3A_541 : vector<16xf32>
      %mul3A_546 = arith.mulf %mul3A_545, %bitcast3A_541 : vector<16xf32>
      %sub3A_547 = arith.constant 1.500000e+00 : f32
      %sub3A_548 = vector.broadcast %sub3A_547 : f32 to vector<16xf32>
      %sub3A_549 = arith.subf %sub3A_548, %mul3A_546 : vector<16xf32>
      %mul3A_550 = arith.mulf %bitcast3A_541, %sub3A_549 : vector<16xf32>
      %mul3A_551 = arith.mulf %get3A_468, %mul3A_550 : vector<16xf32>
      %swap3A_552 = arith.index_cast %add3A_465 : i32 to index
      %swap3A_553 = arith.constant 0 : index
      %swap3A_554 = tpu.vector_load %arg6[%swap3A_552, %swap3A_553] {strides = array<i32>} : memref<128x128xf32, #tpu.memory_space<vmem>>, vector<16xf32>,
      tpu.vector_store %arg6[%swap3A_552, %swap3A_553], %mul3A_551 {strides = array<i32>} : memref<128x128xf32, #tpu.memory_space<vmem>>, vector<16xf32>,
      %mul3A_555 = arith.mulf %get3A_471, %mul3A_550 : vector<16xf32>
      %swap3A_556 = arith.index_cast %add3A_465 : i32 to index
      %swap3A_557 = arith.constant 16 : index
      %swap3A_558 = tpu.vector_load %arg6[%swap3A_556, %swap3A_557] {strides = array<i32>} : memref<128x128xf32, #tpu.memory_space<vmem>>, vector<16xf32>,
      tpu.vector_store %arg6[%swap3A_556, %swap3A_557], %mul3A_555 {strides = array<i32>} : memref<128x128xf32, #tpu.memory_space<vmem>>, vector<16xf32>,
      %mul3A_559 = arith.mulf %get3A_474, %mul3A_550 : vector<16xf32>
      %swap3A_560 = arith.index_cast %add3A_465 : i32 to index
      %swap3A_561 = arith.constant 32 : index
      %swap3A_562 = tpu.vector_load %arg6[%swap3A_560, %swap3A_561] {strides = array<i32>} : memref<128x128xf32, #tpu.memory_space<vmem>>, vector<16xf32>,
      tpu.vector_store %arg6[%swap3A_560, %swap3A_561], %mul3A_559 {strides = array<i32>} : memref<128x128xf32, #tpu.memory_space<vmem>>, vector<16xf32>,
      %mul3A_563 = arith.mulf %get3A_477, %mul3A_550 : vector<16xf32>
      %swap3A_564 = arith.index_cast %add3A_465 : i32 to index
      %swap3A_565 = arith.constant 48 : index
      %swap3A_566 = tpu.vector_load %arg6[%swap3A_564, %swap3A_565] {strides = array<i32>} : memref<128x128xf32, #tpu.memory_space<vmem>>, vector<16xf32>,
      tpu.vector_store %arg6[%swap3A_564, %swap3A_565], %mul3A_563 {strides = array<i32>} : memref<128x128xf32, #tpu.memory_space<vmem>>, vector<16xf32>,
      %mul3A_567 = arith.mulf %get3A_480, %mul3A_550 : vector<16xf32>
      %swap3A_568 = arith.index_cast %add3A_465 : i32 to index
      %swap3A_569 = arith.constant 64 : index
      %swap3A_570 = tpu.vector_load %arg6[%swap3A_568, %swap3A_569] {strides = array<i32>} : memref<128x128xf32, #tpu.memory_space<vmem>>, vector<16xf32>,
      tpu.vector_store %arg6[%swap3A_568, %swap3A_569], %mul3A_567 {strides = array<i32>} : memref<128x128xf32, #tpu.memory_space<vmem>>, vector<16xf32>,
      %mul3A_571 = arith.mulf %get3A_483, %mul3A_550 : vector<16xf32>
      %swap3A_572 = arith.index_cast %add3A_465 : i32 to index
      %swap3A_573 = arith.constant 80 : index
      %swap3A_574 = tpu.vector_load %arg6[%swap3A_572, %swap3A_573] {strides = array<i32>} : memref<128x128xf32, #tpu.memory_space<vmem>>, vector<16xf32>,
      tpu.vector_store %arg6[%swap3A_572, %swap3A_573], %mul3A_571 {strides = array<i32>} : memref<128x128xf32, #tpu.memory_space<vmem>>, vector<16xf32>,
      %mul3A_575 = arith.mulf %get3A_486, %mul3A_550 : vector<16xf32>
      %swap3A_576 = arith.index_cast %add3A_465 : i32 to index
      %swap3A_577 = arith.constant 96 : index
      %swap3A_578 = tpu.vector_load %arg6[%swap3A_576, %swap3A_577] {strides = array<i32>} : memref<128x128xf32, #tpu.memory_space<vmem>>, vector<16xf32>,
      tpu.vector_store %arg6[%swap3A_576, %swap3A_577], %mul3A_575 {strides = array<i32>} : memref<128x128xf32, #tpu.memory_space<vmem>>, vector<16xf32>,
      %mul3A_579 = arith.mulf %get3A_489, %mul3A_550 : vector<16xf32>
      %swap3A_580 = arith.index_cast %add3A_465 : i32 to index
      %swap3A_581 = arith.constant 112 : index
      %swap3A_582 = tpu.vector_load %arg6[%swap3A_580, %swap3A_581] {strides = array<i32>} : memref<128x128xf32, #tpu.memory_space<vmem>>, vector<16xf32>,
      tpu.vector_store %arg6[%swap3A_580, %swap3A_581], %mul3A_579 {strides = array<i32>} : memref<128x128xf32, #tpu.memory_space<vmem>>, vector<16xf32>,
      %mul3A_583 = arith.constant 4 : i32
      %mul3A_584 = arith.muli %scan3A_222, %mul3A_583 : i32
      %add3A_585 = arith.constant 120 : i32
      %add3A_586 = arith.addi %add3A_585, %mul3A_584 : i32
      %add3A_587 = arith.constant 3 : i32
      %add3A_588 = arith.addi %add3A_586, %add3A_587 : i32
      %get3A_589 = arith.index_cast %add3A_588 : i32 to index
      %get3A_590 = arith.constant 0 : index
      %get3A_591 = tpu.vector_load %arg6[%get3A_589, %get3A_590] {strides = array<i32>} : memref<128x128xf32, #tpu.memory_space<vmem>>, vector<16xf32>,
      %get3A_592 = arith.index_cast %add3A_588 : i32 to index
      %get3A_593 = arith.constant 16 : index
      %get3A_594 = tpu.vector_load %arg6[%get3A_592, %get3A_593] {strides = array<i32>} : memref<128x128xf32, #tpu.memory_space<vmem>>, vector<16xf32>,
      %get3A_595 = arith.index_cast %add3A_588 : i32 to index
      %get3A_596 = arith.constant 32 : index
      %get3A_597 = tpu.vector_load %arg6[%get3A_595, %get3A_596] {strides = array<i32>} : memref<128x128xf32, #tpu.memory_space<vmem>>, vector<16xf32>,
      %get3A_598 = arith.index_cast %add3A_588 : i32 to index
      %get3A_599 = arith.constant 48 : index
      %get3A_600 = tpu.vector_load %arg6[%get3A_598, %get3A_599] {strides = array<i32>} : memref<128x128xf32, #tpu.memory_space<vmem>>, vector<16xf32>,
      %get3A_601 = arith.index_cast %add3A_588 : i32 to index
      %get3A_602 = arith.constant 64 : index
      %get3A_603 = tpu.vector_load %arg6[%get3A_601, %get3A_602] {strides = array<i32>} : memref<128x128xf32, #tpu.memory_space<vmem>>, vector<16xf32>,
      %get3A_604 = arith.index_cast %add3A_588 : i32 to index
      %get3A_605 = arith.constant 80 : index
      %get3A_606 = tpu.vector_load %arg6[%get3A_604, %get3A_605] {strides = array<i32>} : memref<128x128xf32, #tpu.memory_space<vmem>>, vector<16xf32>,
      %get3A_607 = arith.index_cast %add3A_588 : i32 to index
      %get3A_608 = arith.constant 96 : index
      %get3A_609 = tpu.vector_load %arg6[%get3A_607, %get3A_608] {strides = array<i32>} : memref<128x128xf32, #tpu.memory_space<vmem>>, vector<16xf32>,
      %get3A_610 = arith.index_cast %add3A_588 : i32 to index
      %get3A_611 = arith.constant 112 : index
      %get3A_612 = tpu.vector_load %arg6[%get3A_610, %get3A_611] {strides = array<i32>} : memref<128x128xf32, #tpu.memory_space<vmem>>, vector<16xf32>,
      %mul3A_613 = arith.mulf %get3A_591, %get3A_591 : vector<16xf32>
      %mul3A_614 = arith.mulf %get3A_594, %get3A_594 : vector<16xf32>
      %add3A_615 = arith.addf %mul3A_613, %mul3A_614 : vector<16xf32>
      %mul3A_616 = arith.mulf %get3A_597, %get3A_597 : vector<16xf32>
      %add3A_617 = arith.addf %add3A_615, %mul3A_616 : vector<16xf32>
      %mul3A_618 = arith.mulf %get3A_600, %get3A_600 : vector<16xf32>
      %add3A_619 = arith.addf %add3A_617, %mul3A_618 : vector<16xf32>
      %mul3A_620 = arith.mulf %get3A_603, %get3A_603 : vector<16xf32>
      %add3A_621 = arith.addf %add3A_619, %mul3A_620 : vector<16xf32>
      %mul3A_622 = arith.mulf %get3A_606, %get3A_606 : vector<16xf32>
      %add3A_623 = arith.addf %add3A_621, %mul3A_622 : vector<16xf32>
      %mul3A_624 = arith.mulf %get3A_609, %get3A_609 : vector<16xf32>
      %add3A_625 = arith.addf %add3A_623, %mul3A_624 : vector<16xf32>
      %mul3A_626 = arith.mulf %get3A_612, %get3A_612 : vector<16xf32>
      %add3A_627 = arith.addf %add3A_625, %mul3A_626 : vector<16xf32>
      %iota3A_628 = tpu.iota {dimensions = array<i32: 0>} : vector<16xi32>
      %xor3A_629 = arith.constant 8 : i32
      %xor3A_630 = vector.broadcast %xor3A_629 : i32 to vector<16xi32>
      %xor3A_631 = arith.xori %iota3A_628, %xor3A_630 : vector<16xi32>
      %broadcast_in_dim3A_632 = vector.shape_cast %xor3A_631 : vector<16xi32> to vector<16x1xi32>
      %gather3A_633 = vector.shape_cast %broadcast_in_dim3A_632 : vector<16x1xi32> to vector<16xi32>
      %gather3A_634 = tpu.dynamic_gather %add3A_627[%gather3A_633] in [0] : vector<16xf32>, vector<16xi32> -> vector<16xf32>
      %add3A_635 = arith.addf %add3A_627, %gather3A_634 : vector<16xf32>
      %xor3A_636 = arith.constant 4 : i32
      %xor3A_637 = vector.broadcast %xor3A_636 : i32 to vector<16xi32>
      %xor3A_638 = arith.xori %iota3A_628, %xor3A_637 : vector<16xi32>
      %broadcast_in_dim3A_639 = vector.shape_cast %xor3A_638 : vector<16xi32> to vector<16x1xi32>
      %gather3A_640 = vector.shape_cast %broadcast_in_dim3A_639 : vector<16x1xi32> to vector<16xi32>
      %gather3A_641 = tpu.dynamic_gather %add3A_635[%gather3A_640] in [0] : vector<16xf32>, vector<16xi32> -> vector<16xf32>
      %add3A_642 = arith.addf %add3A_635, %gather3A_641 : vector<16xf32>
      %xor3A_643 = arith.constant 2 : i32
      %xor3A_644 = vector.broadcast %xor3A_643 : i32 to vector<16xi32>
      %xor3A_645 = arith.xori %iota3A_628, %xor3A_644 : vector<16xi32>
      %broadcast_in_dim3A_646 = vector.shape_cast %xor3A_645 : vector<16xi32> to vector<16x1xi32>
      %gather3A_647 = vector.shape_cast %broadcast_in_dim3A_646 : vector<16x1xi32> to vector<16xi32>
      %gather3A_648 = tpu.dynamic_gather %add3A_642[%gather3A_647] in [0] : vector<16xf32>, vector<16xi32> -> vector<16xf32>
      %add3A_649 = arith.addf %add3A_642, %gather3A_648 : vector<16xf32>
      %xor3A_650 = arith.constant 1 : i32
      %xor3A_651 = vector.broadcast %xor3A_650 : i32 to vector<16xi32>
      %xor3A_652 = arith.xori %iota3A_628, %xor3A_651 : vector<16xi32>
      %broadcast_in_dim3A_653 = vector.shape_cast %xor3A_652 : vector<16xi32> to vector<16x1xi32>
      %gather3A_654 = vector.shape_cast %broadcast_in_dim3A_653 : vector<16x1xi32> to vector<16xi32>
      %gather3A_655 = tpu.dynamic_gather %add3A_649[%gather3A_654] in [0] : vector<16xf32>, vector<16xi32> -> vector<16xf32>
      %add3A_656 = arith.addf %add3A_649, %gather3A_655 : vector<16xf32>
      %bitcast3A_657 = vector.bitcast %add3A_656 : vector<16xf32> to vector<16xi32>
      %shift_right_arithmetic3A_658 = arith.constant 1 : i32
      %shift_right_arithmetic3A_659 = vector.broadcast %shift_right_arithmetic3A_658 : i32 to vector<16xi32>
      %shift_right_arithmetic3A_660 = arith.shrsi %bitcast3A_657, %shift_right_arithmetic3A_659 : vector<16xi32>
      %sub3A_661 = arith.constant 1597463007 : i32
      %sub3A_662 = vector.broadcast %sub3A_661 : i32 to vector<16xi32>
      %sub3A_663 = arith.subi %sub3A_662, %shift_right_arithmetic3A_660 : vector<16xi32>
      %bitcast3A_664 = vector.bitcast %sub3A_663 : vector<16xi32> to vector<16xf32>
      %mul3A_665 = arith.constant 5.000000e-01 : f32
      %mul3A_666 = vector.broadcast %mul3A_665 : f32 to vector<16xf32>
      %mul3A_667 = arith.mulf %add3A_656, %mul3A_666 : vector<16xf32>
      %mul3A_668 = arith.mulf %mul3A_667, %bitcast3A_664 : vector<16xf32>
      %mul3A_669 = arith.mulf %mul3A_668, %bitcast3A_664 : vector<16xf32>
      %sub3A_670 = arith.constant 1.500000e+00 : f32
      %sub3A_671 = vector.broadcast %sub3A_670 : f32 to vector<16xf32>
      %sub3A_672 = arith.subf %sub3A_671, %mul3A_669 : vector<16xf32>
      %mul3A_673 = arith.mulf %bitcast3A_664, %sub3A_672 : vector<16xf32>
      %mul3A_674 = arith.mulf %get3A_591, %mul3A_673 : vector<16xf32>
      %swap3A_675 = arith.index_cast %add3A_588 : i32 to index
      %swap3A_676 = arith.constant 0 : index
      %swap3A_677 = tpu.vector_load %arg6[%swap3A_675, %swap3A_676] {strides = array<i32>} : memref<128x128xf32, #tpu.memory_space<vmem>>, vector<16xf32>,
      tpu.vector_store %arg6[%swap3A_675, %swap3A_676], %mul3A_674 {strides = array<i32>} : memref<128x128xf32, #tpu.memory_space<vmem>>, vector<16xf32>,
      %mul3A_678 = arith.mulf %get3A_594, %mul3A_673 : vector<16xf32>
      %swap3A_679 = arith.index_cast %add3A_588 : i32 to index
      %swap3A_680 = arith.constant 16 : index
      %swap3A_681 = tpu.vector_load %arg6[%swap3A_679, %swap3A_680] {strides = array<i32>} : memref<128x128xf32, #tpu.memory_space<vmem>>, vector<16xf32>,
      tpu.vector_store %arg6[%swap3A_679, %swap3A_680], %mul3A_678 {strides = array<i32>} : memref<128x128xf32, #tpu.memory_space<vmem>>, vector<16xf32>,
      %mul3A_682 = arith.mulf %get3A_597, %mul3A_673 : vector<16xf32>
      %swap3A_683 = arith.index_cast %add3A_588 : i32 to index
      %swap3A_684 = arith.constant 32 : index
      %swap3A_685 = tpu.vector_load %arg6[%swap3A_683, %swap3A_684] {strides = array<i32>} : memref<128x128xf32, #tpu.memory_space<vmem>>, vector<16xf32>,
      tpu.vector_store %arg6[%swap3A_683, %swap3A_684], %mul3A_682 {strides = array<i32>} : memref<128x128xf32, #tpu.memory_space<vmem>>, vector<16xf32>,
      %mul3A_686 = arith.mulf %get3A_600, %mul3A_673 : vector<16xf32>
      %swap3A_687 = arith.index_cast %add3A_588 : i32 to index
      %swap3A_688 = arith.constant 48 : index
      %swap3A_689 = tpu.vector_load %arg6[%swap3A_687, %swap3A_688] {strides = array<i32>} : memref<128x128xf32, #tpu.memory_space<vmem>>, vector<16xf32>,
      tpu.vector_store %arg6[%swap3A_687, %swap3A_688], %mul3A_686 {strides = array<i32>} : memref<128x128xf32, #tpu.memory_space<vmem>>, vector<16xf32>,
      %mul3A_690 = arith.mulf %get3A_603, %mul3A_673 : vector<16xf32>
      %swap3A_691 = arith.index_cast %add3A_588 : i32 to index
      %swap3A_692 = arith.constant 64 : index
      %swap3A_693 = tpu.vector_load %arg6[%swap3A_691, %swap3A_692] {strides = array<i32>} : memref<128x128xf32, #tpu.memory_space<vmem>>, vector<16xf32>,
      tpu.vector_store %arg6[%swap3A_691, %swap3A_692], %mul3A_690 {strides = array<i32>} : memref<128x128xf32, #tpu.memory_space<vmem>>, vector<16xf32>,
      %mul3A_694 = arith.mulf %get3A_606, %mul3A_673 : vector<16xf32>
      %swap3A_695 = arith.index_cast %add3A_588 : i32 to index
      %swap3A_696 = arith.constant 80 : index
      %swap3A_697 = tpu.vector_load %arg6[%swap3A_695, %swap3A_696] {strides = array<i32>} : memref<128x128xf32, #tpu.memory_space<vmem>>, vector<16xf32>,
      tpu.vector_store %arg6[%swap3A_695, %swap3A_696], %mul3A_694 {strides = array<i32>} : memref<128x128xf32, #tpu.memory_space<vmem>>, vector<16xf32>,
      %mul3A_698 = arith.mulf %get3A_609, %mul3A_673 : vector<16xf32>
      %swap3A_699 = arith.index_cast %add3A_588 : i32 to index
      %swap3A_700 = arith.constant 96 : index
      %swap3A_701 = tpu.vector_load %arg6[%swap3A_699, %swap3A_700] {strides = array<i32>} : memref<128x128xf32, #tpu.memory_space<vmem>>, vector<16xf32>,
      tpu.vector_store %arg6[%swap3A_699, %swap3A_700], %mul3A_698 {strides = array<i32>} : memref<128x128xf32, #tpu.memory_space<vmem>>, vector<16xf32>,
      %mul3A_702 = arith.mulf %get3A_612, %mul3A_673 : vector<16xf32>
      %swap3A_703 = arith.index_cast %add3A_588 : i32 to index
      %swap3A_704 = arith.constant 112 : index
      %swap3A_705 = tpu.vector_load %arg6[%swap3A_703, %swap3A_704] {strides = array<i32>} : memref<128x128xf32, #tpu.memory_space<vmem>>, vector<16xf32>,
      tpu.vector_store %arg6[%swap3A_703, %swap3A_704], %mul3A_702 {strides = array<i32>} : memref<128x128xf32, #tpu.memory_space<vmem>>, vector<16xf32>,
    }
    %scan3A_154 = arith.constant 2 : i32
    %add3A_155 = arith.constant 120 : i32
    %add3A_156 = arith.addi %mul3A_2, %add3A_155 : i32
    %dma_start3A_157 = arith.constant 3 : i32
    %dma_start3A_158 = arith.constant 120 : i32
    %dma_start3A_159 = arith.constant 0 : i32
    %dma_start3A_160 = tpu.memref_slice %arg6[%dma_start3A_158, %dma_start3A_159] : memref<128x128xf32, #tpu.memory_space<vmem>> -> memref<8x128xf32, #tpu.memory_space<vmem>>
    %dma_start3A_161 = arith.constant 0 : i32
    %dma_start3A_162 = tpu.memref_slice %arg4[%add3A_156, %dma_start3A_161] : memref<4096x128xf32, #tpu.memory_space<hbm>> -> memref<8x128xf32, #tpu.memory_space<hbm>>
    %dma_start3A_163 = tpu.memref_slice %arg8[%dma_start3A_157] : memref<4x!tpu.dma_semaphore, #tpu.memory_space<semaphore_mem>> -> memref<1x!tpu.dma_semaphore, #tpu.memory_space<semaphore_mem>>
    %dma_start3A_164 = tpu.memref_squeeze %dma_start3A_163 : memref<1x!tpu.dma_semaphore, #tpu.memory_space<semaphore_mem>> -> memref<!tpu.dma_semaphore, #tpu.memory_space<semaphore_mem>>
    %dma_start3A_165 = arith.constant 0 : i32
    %dma_start3A_166 = tpu.memref_slice %arg4[%add3A_156, %dma_start3A_165] : memref<4096x128xf32, #tpu.memory_space<hbm>> -> memref<8x128xf32, #tpu.memory_space<hbm>>
    %dma_start3A_167 = arith.constant 120 : i32
    %dma_start3A_168 = arith.constant 0 : i32
    %dma_start3A_169 = tpu.memref_slice %arg6[%dma_start3A_167, %dma_start3A_168] : memref<128x128xf32, #tpu.memory_space<vmem>> -> memref<8x128xf32, #tpu.memory_space<vmem>>
    tpu.enqueue_dma source(%dma_start3A_169 : memref<8x128xf32, #tpu.memory_space<vmem>>) target(%dma_start3A_166 : memref<8x128xf32, #tpu.memory_space<hbm>>) target_semaphore(%dma_start3A_164 : memref<!tpu.dma_semaphore, #tpu.memory_space<semaphore_mem>>)
    %dma_wait3A_170 = arith.constant 0 : i32
    %dma_wait3A_171 = arith.constant 0 : i32
    %dma_wait3A_172 = arith.constant 0 : i32
    %dma_wait3A_173 = tpu.memref_slice %arg6[%dma_wait3A_171, %dma_wait3A_172] : memref<128x128xf32, #tpu.memory_space<vmem>> -> memref<32x128xf32, #tpu.memory_space<vmem>>
    %dma_wait3A_174 = arith.constant 0 : i32
    %dma_wait3A_175 = tpu.memref_slice %arg4[%add3A_63, %dma_wait3A_174] : memref<4096x128xf32, #tpu.memory_space<hbm>> -> memref<32x128xf32, #tpu.memory_space<hbm>>
    %dma_wait3A_176 = tpu.memref_slice %arg8[%dma_wait3A_170] : memref<4x!tpu.dma_semaphore, #tpu.memory_space<semaphore_mem>> -> memref<1x!tpu.dma_semaphore, #tpu.memory_space<semaphore_mem>>
    %dma_wait3A_177 = tpu.memref_squeeze %dma_wait3A_176 : memref<1x!tpu.dma_semaphore, #tpu.memory_space<semaphore_mem>> -> memref<!tpu.dma_semaphore, #tpu.memory_space<semaphore_mem>>
    %dma_wait3A_178 = arith.constant 0 : i32
    %dma_wait3A_179 = tpu.memref_slice %arg4[%add3A_63, %dma_wait3A_178] : memref<4096x128xf32, #tpu.memory_space<hbm>> -> memref<32x128xf32, #tpu.memory_space<hbm>>
    %dma_wait3A_180 = arith.constant 0 : i32
    %dma_wait3A_181 = arith.constant 0 : i32
    %dma_wait3A_182 = tpu.memref_slice %arg6[%dma_wait3A_180, %dma_wait3A_181] : memref<128x128xf32, #tpu.memory_space<vmem>> -> memref<32x128xf32, #tpu.memory_space<vmem>>
    tpu.wait_dma2 semaphore(%dma_wait3A_177 : memref<!tpu.dma_semaphore, #tpu.memory_space<semaphore_mem>>) src(%dma_wait3A_182 : memref<32x128xf32, #tpu.memory_space<vmem>>) dst(%dma_wait3A_179 : memref<32x128xf32, #tpu.memory_space<hbm>>)
    %dma_wait3A_183 = arith.constant 1 : i32
    %dma_wait3A_184 = arith.constant 32 : i32
    %dma_wait3A_185 = arith.constant 0 : i32
    %dma_wait3A_186 = tpu.memref_slice %arg6[%dma_wait3A_184, %dma_wait3A_185] : memref<128x128xf32, #tpu.memory_space<vmem>> -> memref<48x128xf32, #tpu.memory_space<vmem>>
    %dma_wait3A_187 = arith.constant 0 : i32
    %dma_wait3A_188 = tpu.memref_slice %arg4[%add3A_94, %dma_wait3A_187] : memref<4096x128xf32, #tpu.memory_space<hbm>> -> memref<48x128xf32, #tpu.memory_space<hbm>>
    %dma_wait3A_189 = tpu.memref_slice %arg8[%dma_wait3A_183] : memref<4x!tpu.dma_semaphore, #tpu.memory_space<semaphore_mem>> -> memref<1x!tpu.dma_semaphore, #tpu.memory_space<semaphore_mem>>
    %dma_wait3A_190 = tpu.memref_squeeze %dma_wait3A_189 : memref<1x!tpu.dma_semaphore, #tpu.memory_space<semaphore_mem>> -> memref<!tpu.dma_semaphore, #tpu.memory_space<semaphore_mem>>
    %dma_wait3A_191 = arith.constant 0 : i32
    %dma_wait3A_192 = tpu.memref_slice %arg4[%add3A_94, %dma_wait3A_191] : memref<4096x128xf32, #tpu.memory_space<hbm>> -> memref<48x128xf32, #tpu.memory_space<hbm>>
    %dma_wait3A_193 = arith.constant 32 : i32
    %dma_wait3A_194 = arith.constant 0 : i32
    %dma_wait3A_195 = tpu.memref_slice %arg6[%dma_wait3A_193, %dma_wait3A_194] : memref<128x128xf32, #tpu.memory_space<vmem>> -> memref<48x128xf32, #tpu.memory_space<vmem>>
    tpu.wait_dma2 semaphore(%dma_wait3A_190 : memref<!tpu.dma_semaphore, #tpu.memory_space<semaphore_mem>>) src(%dma_wait3A_195 : memref<48x128xf32, #tpu.memory_space<vmem>>) dst(%dma_wait3A_192 : memref<48x128xf32, #tpu.memory_space<hbm>>)
    %dma_wait3A_196 = arith.constant 2 : i32
    %dma_wait3A_197 = arith.constant 80 : i32
    %dma_wait3A_198 = arith.constant 0 : i32
    %dma_wait3A_199 = tpu.memref_slice %arg6[%dma_wait3A_197, %dma_wait3A_198] : memref<128x128xf32, #tpu.memory_space<vmem>> -> memref<40x128xf32, #tpu.memory_space<vmem>>
    %dma_wait3A_200 = arith.constant 0 : i32
    %dma_wait3A_201 = tpu.memref_slice %arg4[%add3A_125, %dma_wait3A_200] : memref<4096x128xf32, #tpu.memory_space<hbm>> -> memref<40x128xf32, #tpu.memory_space<hbm>>
    %dma_wait3A_202 = tpu.memref_slice %arg8[%dma_wait3A_196] : memref<4x!tpu.dma_semaphore, #tpu.memory_space<semaphore_mem>> -> memref<1x!tpu.dma_semaphore, #tpu.memory_space<semaphore_mem>>
    %dma_wait3A_203 = tpu.memref_squeeze %dma_wait3A_202 : memref<1x!tpu.dma_semaphore, #tpu.memory_space<semaphore_mem>> -> memref<!tpu.dma_semaphore, #tpu.memory_space<semaphore_mem>>
    %dma_wait3A_204 = arith.constant 0 : i32
    %dma_wait3A_205 = tpu.memref_slice %arg4[%add3A_125, %dma_wait3A_204] : memref<4096x128xf32, #tpu.memory_space<hbm>> -> memref<40x128xf32, #tpu.memory_space<hbm>>
    %dma_wait3A_206 = arith.constant 80 : i32
    %dma_wait3A_207 = arith.constant 0 : i32
    %dma_wait3A_208 = tpu.memref_slice %arg6[%dma_wait3A_206, %dma_wait3A_207] : memref<128x128xf32, #tpu.memory_space<vmem>> -> memref<40x128xf32, #tpu.memory_space<vmem>>
    tpu.wait_dma2 semaphore(%dma_wait3A_203 : memref<!tpu.dma_semaphore, #tpu.memory_space<semaphore_mem>>) src(%dma_wait3A_208 : memref<40x128xf32, #tpu.memory_space<vmem>>) dst(%dma_wait3A_205 : memref<40x128xf32, #tpu.memory_space<hbm>>)
    %dma_wait3A_209 = arith.constant 3 : i32
    %dma_wait3A_210 = arith.constant 120 : i32
    %dma_wait3A_211 = arith.constant 0 : i32
    %dma_wait3A_212 = tpu.memref_slice %arg6[%dma_wait3A_210, %dma_wait3A_211] : memref<128x128xf32, #tpu.memory_space<vmem>> -> memref<8x128xf32, #tpu.memory_space<vmem>>
    %dma_wait3A_213 = arith.constant 0 : i32
    %dma_wait3A_214 = tpu.memref_slice %arg4[%add3A_156, %dma_wait3A_213] : memref<4096x128xf32, #tpu.memory_space<hbm>> -> memref<8x128xf32, #tpu.memory_space<hbm>>
    %dma_wait3A_215 = tpu.memref_slice %arg8[%dma_wait3A_209] : memref<4x!tpu.dma_semaphore, #tpu.memory_space<semaphore_mem>> -> memref<1x!tpu.dma_semaphore, #tpu.memory_space<semaphore_mem>>
    %dma_wait3A_216 = tpu.memref_squeeze %dma_wait3A_215 : memref<1x!tpu.dma_semaphore, #tpu.memory_space<semaphore_mem>> -> memref<!tpu.dma_semaphore, #tpu.memory_space<semaphore_mem>>
    %dma_wait3A_217 = arith.constant 0 : i32
    %dma_wait3A_218 = tpu.memref_slice %arg4[%add3A_156, %dma_wait3A_217] : memref<4096x128xf32, #tpu.memory_space<hbm>> -> memref<8x128xf32, #tpu.memory_space<hbm>>
    %dma_wait3A_219 = arith.constant 120 : i32
    %dma_wait3A_220 = arith.constant 0 : i32
    %dma_wait3A_221 = tpu.memref_slice %arg6[%dma_wait3A_219, %dma_wait3A_220] : memref<128x128xf32, #tpu.memory_space<vmem>> -> memref<8x128xf32, #tpu.memory_space<vmem>>
    tpu.wait_dma2 semaphore(%dma_wait3A_216 : memref<!tpu.dma_semaphore, #tpu.memory_space<semaphore_mem>>) src(%dma_wait3A_221 : memref<8x128xf32, #tpu.memory_space<vmem>>) dst(%dma_wait3A_218 : memref<8x128xf32, #tpu.memory_space<hbm>>)
    return
  }
}

</mosaic_0001>

<sc_bundles>
// kernel: kernel.3.cloned.1.call-start
scs
__scs_entry_jumppad:
0x0: {  	(pc) =	sbr.rel $0x88, $3  }
0x1: {  	(tag) =	ssettag $0x0;
	lr =	simm.s32 $0x1  }
0x2: {  	[smem:$0x3F9F] =	sst lr;
	_ =	strace $0xD0000000  }
0x3: {  	_ = 	snop  }
0x4: {  	_ = 	snop  }
0x5: {  	_ = 	snop  }
0x6: {  	_ = 	snop  }
0x7: {  	_ = 	snop  }
__scs_overlays_trampoline_lowered:
0x8: {  	[smem:$0x3FAE] =	sst s0  }
0x9: {  	[smem:$0x3FAF] =	sst s1  }
0xa: {  	[smem:$0x3FB0] =	sst s2  }
0xb: {  	[smem:$0x3FB1] =	sst s3  }
0xc: {  	[smem:$0x3FB2] =	sst s4  }
0xd: {  	[smem:$0x3FB3] =	sst s5  }
0xe: {  	[smem:$0x3FB4] =	sst s6  }
0xf: {  	[smem:$0x3FB5] =	sst s7  }
0x10: {  	[smem:$0x3FB6] =	sst s8  }
0x11: {  	[smem:$0x3FB7] =	sst s9;
	s0 =	simm.s32 @!p0 $0x0  }
0x12: {  	s1 =	sld [smem:$0x3F9D];
	s0 =	simm.s32 @p0 $0x1  }
0x13: {  	[smem:$0x3FB8] =	sst s0;
	s0 =	simm.s32 @!p1 $0x0  }
0x14: {  	s2 =	sld [smem:$0x3F9C];
	s0 =	simm.s32 @p1 $0x1  }
0x15: {  	[smem:$0x3FB9] =	sst s0;
	s0 =	simm.s32 @!p2 $0x0  }
0x16: {  	s3 =	sld [smem:$0x3FDB];
	s0 =	simm.s32 @p2 $0x1  }
0x17: {  	s4 =	simm.s32 $0x1BF5;
	[smem:$0x3FBB] =	sst s0  }
0x18: {  	s0 =	sld [smem:$0x3F9E];
	_ =	swait.ge [sflag:s4], $0x0  }
0x19: {  	s7 =	sld [smem:$0x3F9F]  }
0x1a: {  	s8 =	sadd.s32 $0xFFFFE003, lr  }
0x1b: {  	s9 =	sadd.s32 $0xFFFFFEF7, lr;
	s5 =	simm.s32 $0xFFFFFFFF;
	p2 =	slt.u32 s8, $0xFFFFF086  }
0x1c: {  	p1 =	slt.u32 s9, $0xF7A;
	s5 =	simm.s32 @!p2 $0x0  }
0x1d: {  	s5 =	simm.s32 @p1 $0x1;
	p0 =	seq.s32 s7, s2  }
0x1e: {  	s7 =	smul.u32 @!p0 $0xF7A, s2;
	p2 =	seq.s32 @!p0 s5, $0x0  }
0x1f: {  	s9 =	smul.u32 $0xF7A, s1;
	s8 =	simm.s32 @!p0 $0x1BF5;
	p2 =	por !p2, p0  }
0x20: {  	[sflag:s8] =	ssyncset.s32 @!p0 $0xFFFFF086;
	s6 =	sadd.s32 @!p0 s3, s7;
	s7 =	simm.s32 @!p0 $0x108  }
0x21: {  	s3 =	sadd.s32 s3, s9;
	s6 =	sadd.s32 @!p0 $0x88, s6;
	s7 =	simm.s32 @p2 $0x1082  }
0x22: {  	[simem:s7], [sflag:s8] =	dma.local @!p0 [hbm:s6], $0xF7A  }
0x23: {  	s9 =	sor.u32 $0xD0000000, s2;
	s6 =	simm.s32 $0x108;
	_ =	swait.ge @!p0 [sflag:s8], $0x0  }
0x24: {  	s3 =	sadd.s32 $0x88, s3;
	s6 =	simm.s32 @!p1 $0x1082;
	[sflag:s4] =	ssyncset.s32 $0xFFFFF086  }
0x25: {  	[simem:s6], [sflag:s4] =	dma.local [hbm:s3], $0xF7A  }
0x26: {  	[smem:$0x3F9F] =	sst s1;
	(tag) =	ssettag s2;
	_ =	strace s9  }
0x27: {  	s1 =	sld [smem:$0x3FAF]  }
0x28: {  	s2 =	sld [smem:$0x3FB0]  }
0x29: {  	s4 =	sld [smem:$0x3FB2]  }
0x2a: {  	p0 =	seq.s32 s5, $0x0;
	s5 =	sld [smem:$0x3FB3]  }
0x2b: {  	s6 =	sld [smem:$0x3FB4]  }
0x2c: {  	s7 =	sld [smem:$0x3FB5]  }
0x2d: {  	s3 =	simm.s32 $0x108;
	s8 =	sld [smem:$0x3FB6]  }
0x2e: {  	s3 =	simm.s32 @!p0 $0x1082;
	s9 =	sld [smem:$0x3FB7]  }
0x2f: {  	lr =	sadd.s32 s0, s3;
	s0 =	sld [smem:$0x3FAE]  }
0x30: {  	s3 =	sld [smem:$0x3FB1]  }
0x31: {  	[smem:$0x3FBA] =	sst s10  }
0x32: {  	s10 =	sld [smem:$0x3FB8];
	_ =	sdelay $0x3  }
0x33: {  	p0 =	seq.s32 s10, $0x1;
	s10 =	sld [smem:$0x3FBA];
	_ =	sdelay $0x3  }
0x34: {  	[smem:$0x3FBA] =	sst s10  }
0x35: {  	s10 =	sld [smem:$0x3FB9];
	_ =	sdelay $0x3  }
0x36: {  	p1 =	seq.s32 s10, $0x1;
	s10 =	sld [smem:$0x3FBA];
	_ =	sdelay $0x3  }
0x37: {  	[smem:$0x3FBA] =	sst s10  }
0x38: {  	s10 =	sld [smem:$0x3FBB]  }
0x39: {  	_ = 	snop;
	(pc) =	sbr.ind lr, $3  }
0x3a: {  	_ = 	snop  }
0x3b: {  	_ = 	snop  }
0x3c: {  	p2 =	seq.s32 s10, $0x1;
	s10 =	sld [smem:$0x3FBA]  }
0x3d: {  	_ =	shalt  }
0x3e: {  	_ =	shalt  }
0x3f: {  	_ =	shalt  }
0x40: {  	_ =	shalt  }
0x41: {  	_ =	shalt  }
0x42: {  	_ =	shalt  }
0x43: {  	_ =	shalt  }
0x44: {  	_ =	shalt  }
0x45: {  	_ =	shalt  }
0x46: {  	_ =	shalt  }
0x47: {  	_ =	shalt  }
0x48: {  	_ =	shalt  }
0x49: {  	_ =	shalt  }
0x4a: {  	_ =	shalt  }
0x4b: {  	_ =	shalt  }
0x4c: {  	_ =	shalt  }
0x4d: {  	_ =	shalt  }
0x4e: {  	_ =	shalt  }
0x4f: {  	_ =	shalt  }
0x50: {  	_ =	shalt  }
0x51: {  	_ =	shalt  }
0x52: {  	_ =	shalt  }
0x53: {  	_ =	shalt  }
0x54: {  	_ =	shalt  }
0x55: {  	_ =	shalt  }
0x56: {  	_ =	shalt  }
0x57: {  	_ =	shalt  }
0x58: {  	_ =	shalt  }
0x59: {  	_ =	shalt  }
0x5a: {  	_ =	shalt  }
0x5b: {  	_ =	shalt  }
0x5c: {  	_ =	shalt  }
0x5d: {  	_ =	shalt  }
0x5e: {  	_ =	shalt  }
0x5f: {  	_ =	shalt  }
0x60: {  	_ =	shalt  }
0x61: {  	_ =	shalt  }
0x62: {  	_ =	shalt  }
0x63: {  	_ =	shalt  }
0x64: {  	_ =	shalt  }
0x65: {  	_ =	shalt  }
0x66: {  	_ =	shalt  }
0x67: {  	_ =	shalt  }
0x68: {  	_ =	shalt  }
0x69: {  	_ =	shalt  }
0x6a: {  	_ =	shalt  }
0x6b: {  	_ =	shalt  }
0x6c: {  	_ =	shalt  }
0x6d: {  	_ =	shalt  }
0x6e: {  	_ =	shalt  }
0x6f: {  	_ =	shalt  }
0x70: {  	_ =	shalt  }
0x71: {  	_ =	shalt  }
0x72: {  	_ =	shalt  }
0x73: {  	_ =	shalt  }
0x74: {  	_ =	shalt  }
0x75: {  	_ =	shalt  }
0x76: {  	_ =	shalt  }
0x77: {  	_ =	shalt  }
0x78: {  	_ =	shalt  }
0x79: {  	_ =	shalt  }
0x7a: {  	_ =	shalt  }
0x7b: {  	_ =	shalt  }
0x7c: {  	_ =	shalt  }
0x7d: {  	_ =	shalt  }
0x7e: {  	_ =	shalt  }
0x7f: {  	_ =	shalt  }
0x80: {  	_ =	shalt  }
0x81: {  	_ =	shalt  }
0x82: {  	_ =	shalt  }
0x83: {  	_ =	shalt  }
0x84: {  	_ =	shalt  }
0x85: {  	_ =	shalt  }
0x86: {  	_ =	shalt  }
0x87: {  	_ =	shalt  }
.Lfunc_end0:
.L_simem_size_0:
called_computation_lowered:
.L_overlay_start_0:
0x88: {  	s2 =	sld [smem:$0x3FD9]  }
0x89: {  	s3 =	sld [smem:$0x3FFE];
	_ =	sdelay $0x1  }
0x8a: {  	s1 =	srdreg.scid  }
0x8b: {  	s0 =	sand.u32 $0x1, s1  }
0x8c: {  	s18 =	sshll.u32 s0, $0xA;
	s2 =	sadd.s32 s3, s2  }
0x8d: {  	s2 =	sadd.s32 s2, s18  }
0x8e: {  	[smem:$0x3FC6] =	sst s2  }
0x8f: {  	_ = 	snop  }
0x90: {  	s2 =	sld [smem:$0x3FC9]  }
0x91: {  	s19 =	sld [smem:$0x3FC8]  }
0x92: {  	s4 =	sld [smem:$0x3FD0];
	(tm) =	ssettm $0x1  }
0x93: {  	s5 =	sld [smem:$0x3FFB];
	_ =	sdelay $0x3  }
0x94: {  	_ =	strace s5  }
0x95: {  	s5 =	sld [smem:$0x3FFC];
	_ =	sdelay $0x3  }
0x96: {  	_ =	strace s5  }
0x97: {  	s5 =	sld [smem:$0x3FFD];
	_ =	sdelay $0x3  }
0x98: {  	_ =	strace s5  }
0x99: {  	_ =	strace $0x8FFFFFFF  }
0x9a: {  	s20 =	sld [smem:$0x3FDB];
	_ =	sdelay $0x1  }
0x9b: {  	s6 =	simm.s32 $_scs_section_size  }
0x9c: {  	s7 =	simm.s32 $_size__tile_overlayer_lowered;
	s8 =	simm.s32 $_tile_overlayer_lowered  }
0x9d: {  	s23 =	simm.s32 $0x1BFF;
	s22 =	sshll.u32 s8, $0x1;
	s5 =	sadd.s32 s6, s20  }
0x9e: {  	s9 =	simm.s32 $0x0;
	s21 =	sshll.u32 s7, $0x1;
	s7 =	sadd.s32 s22, s5  }
0x9f: {  	[timem:s9], [sflag:s23] =	dma.local [hbm:s7], s21  }
0xa0: {  	_ =	swait.ge [sflag:s23], s21  }
0xa1: {  	s6 =	ssub.s32 $0x0, s21;
	[sflag:s23] =	ssyncset.done $0x0  }
0xa2: {  	[sflag:s23] =	ssyncadd.s32 s6;
	_ =	sdelay $0x1  }
0xa3: {  	s24 =	simm.s32 $0x1B8B  }
0xa4: {  	_ =	swait.ge [sflag:s24], $0x1  }
0xa5: {  	[sflag:s24] =	ssyncset.done $0x0  }
0xa6: {  	s25 =	simm.s32 $0x1B8E;
	[sflag:s24] =	ssyncadd.s32 $0xFFFFFFFF  }
0xa7: {  	s26 =	simm.s32 $execute0_lowered;
	[smem:$0x3FD2] =	sst s25  }
0xa8: {  	s6 =	sshll.u32 s26, $0x1;
	_ =	strace $0x80000046;
	[dreg:$0x1] =	wrdreg $0xFFFFFFFF  }
0xa9: {  	s28 =	simm.s32 $_size_execute0_lowered;
	s5 =	sadd.s32 s5, s6;
	[dreg:$0x0] =	wrdreg $0x0  }
0xaa: {  	s6 =	sshll.u32 s28, $0x1;
	[dreg:$0x2] =	wrdreg s5  }
0xab: {  	[dreg:$0x3] =	wrdreg s6  }
0xac: {  	[dreg:$0x4] =	wrdreg $0xC0  }
0xad: {  	_ =	task [dreg:s9], $0x5FFFF  }
0xae: {  	[dreg:$0x1] =	wrdreg $0xFFFFFFFF  }
0xaf: {  	[dreg:$0x0] =	wrdreg $0x60  }
0xb0: {  	[dreg:$0x2] =	wrdreg s2  }
0xb1: {  	[dreg:$0x3] =	wrdreg s19  }
0xb2: {  	[dreg:$0x4] =	wrdreg s4  }
0xb3: {  	[dreg:$0x5] =	wrdreg $0x9  }
0xb4: {  	_ =	task.clear_ibuf [dreg:s9], $0x6FFFF;
	_ =	strace $0x90000046  }
0xb5: {  	s29 =	simm.s32 $0x9;
	_ =	strace $0x80000048  }
0xb6: {  	_ =	swait.ge [sflag:s29], $0x1  }
0xb7: {  	[sflag:s29] =	ssyncadd.s32 $0xFFFFFFFF  }
0xb8: {  	_ =	strace $0x90000048  }
0xb9: {  	_ =	sfence  }
0xba: {  	s30 =	sld [smem:$0x0];
	_ =	sdelay $0x2  }
0xbb: {  	s31 =	sshll.u32 s1, $0xD;
	s1 =	sshrl.u32 s1, $0x2  }
0xbc: {  	s3 =	sand.u32 $0x4000, s31;
	s1 =	sadd.s32 s1, s30  }
0xbd: {  	s0 =	sor.u32 s3, s0;
	s1 =	sshll.u32 s1, $0x11  }
0xbe: {  	s0 =	sor.u32 s1, s0  }
0xbf: {  	s0 =	sadd.s32 $0x8F2B, s0  }
0xc0: {  	[sflag:s0] =	ssyncadd.remote.s32 $0x1  }
0xc1: {  	_ =	sfence.sel $0xFFFF  }
0xc2: {  	[dreg:$0x0] =	wrdreg $0xFFFFFFFF;
	(pc) =	sbr.abs _section_cstart, $3  }
0xc3: {  	[dreg:$0x1] =	wrdreg $0xFFFFFFFF  }
0xc4: {  	_ =	task.clear_ibuf [dreg:s9], $0x2FFFF;
	_ =	strace $0x9FFFFFFF  }
0xc5: {  	(tm) =	ssettm $0x7FFFFFFF  }
tec
execute0_lowered:
.L_overlay_start_1:
0x0: {  	(tag) =	ssettag $0x1  }
0x1: {  	s0 =	rddreg [dreg:$0x0]  }
0x2: {  	s1 =	rddreg [dreg:$0x1]  }
0x3: {  	s2 =	rddreg [dreg:$0x2];
	s4 =	srdreg.scid  }
0x4: {  	s3 =	simm.s32 $0x0;
	s6 =	stileid.u32;
	s11 =	simm.s32 $0x9  }
0x5: {  	v0 =	vimm.s32 $0xFEDCBA98;
	v1 =	vimm.s32 $0x76543210;
	v2 =	vimm.s32 $0xBA98FEDC;
	s12 =	simm.s32 $0x20;
	s13 =	simm.s32 $0x80;
	s14 =	simm.s32 $0x30  }
0x6: {  	v3 =	vimm.s32 $0x32107654;
	s15 =	simm.s32 $0x1080;
	s16 =	simm.s32 $0x28;
	s17 =	simm.s32 $0x50  }
0x7: {  	v4 =	vimm.s32 $0xDCFE98BA;
	v5 =	vimm.s32 $0x54761032;
	s18 =	simm.s32 $0x2880;
	s19 =	simm.s32 $0x8;
	s20 =	simm.s32 $0x78  }
0x8: {  	v6 =	vimm.s32 $0xEFCDAB89;
	v7 =	vimm.s32 $0x67452301;
	s21 =	simm.s32 $0x3C80;
	s22 =	simm.s32 $0x1;
	s23 =	simm.s32 $0x2  }
0x9: {  	s24 =	simm.s32 $0x3;
	s25 =	simm.s32 $0x4;
	s28 =	simm.s32 $0x6;
	v0 =	vunpack.c.l.s4.s8 v0;
	v1 =	vunpack.c.l.s4.s8 v1;
	v2 =	vunpack.c.l.s4.s8 v2  }
0xa: {  	s29 =	simm.s32 $0x7;
	s30 =	simm.s32 $0x0;
	s4 =	sand.u32 $0x1, s4;
	v3 =	vunpack.c.l.s4.s8 v3;
	v4 =	vunpack.c.l.s4.s8 v4;
	v5 =	vunpack.c.l.s4.s8 v5  }
0xb: {  	s6 =	sshll.u32 s6, $0x8;
	v6 =	vunpack.c.l.s4.s8 v6;
	v7 =	vunpack.c.l.s4.s8 v7;
	s5 =	ssub.s32 $0x2, s4;
	s4 =	sshll.u32 s4, $0x7;
	v0 =	vunpack.c.0.s8.s32 v0  }
0xc: {  	[smem:$0x7FF] =	sst s3;
	s7 =	sshrl.u32 s5, $0x1;
	s4 =	sor.u32 s4, s6;
	v2 =	vunpack.c.0.s8.s32 v2;
	v3 =	vunpack.c.0.s8.s32 v3;
	v4 =	vunpack.c.0.s8.s32 v4  }
0xd: {  	_ =	strace $0x80000047;
	v5 =	vunpack.c.0.s8.s32 v5;
	v6 =	vunpack.c.0.s8.s32 v6;
	v7 =	vunpack.c.0.s8.s32 v7;
	s10 =	ssub.s32 s5, s7;
	s26 =	sshll.u32 s4, $0x4  }
0xe: {  	v1 =	vunpack.c.0.s8.s32 v1;
	s6 =	sshrl.u32 s4, $0x3;
	s31 =	sor.u32 $0x20, s4;
	s4 =	sadd.s32 s2, s26;
	v2 =	vcombine.low v3, v2  }
0xf: {  	s8 =	sshrl.u32 s31, $0x3;
	s9 =	sshll.u32 s31, $0x4;
	s6 =	sadd.s32 s0, s6;
	v3 =	vcombine.low v5, v4;
	v4 =	vcombine.low v7, v6;
	v0 =	vand.u32 $0xF, v0  }
0x10: {  	s10 =	smax.u32 s10, $0x1;
	s26 =	simm.s32 $0x5;
	s5 =	sadd.s32 $0x500, s4;
	v0 =	vcombine.low v0, v1  }
0x11: {  	s7 =	sadd.s32 s0, s8;
	s8 =	sadd.s32 s2, s9;
	s9 =	sadd.s32 $0x780, s4;
	v1 =	vand.u32 $0xF, v2;
	v2 =	vand.u32 $0xF, v3;
	v3 =	vand.u32 $0xF, v4  }
.LBB2_1:
0x12: {  	[tilespmem:s3], [sflag:$0x9] =	stream.linear.gather [hbm4b:s6+s3], $0x20, $0x38;
	[tilespmem:$0x4080] =	vst v63  }
0x13: {  	_ =	swait.ge [sflag:s11], $0x20  }
0x14: {  	[sflag:s11] =	ssyncset.done $0x0  }
0x15: {  	[sflag:s11] =	ssyncadd.s32 $0xFFFFFFE0  }
0x16: {  	[tilespmem:s13], [sflag:$0x1] =	stream.indirect.gather [hbm4b:s1+s12], $0x80, s3, s12, $0xb8;
	[tilespmem:$0x4080] =	vst v63  }
0x17: {  	_ = 	snop  }
0x18: {  	[tilespmem:s12], [sflag:$0x9] =	stream.linear.gather [hbm4b:s7+s3], $0x60, $0x38;
	[tilespmem:$0x4080] =	vst v63  }
0x19: {  	_ =	swait.ge [sflag:s11], $0x60  }
0x1a: {  	[sflag:s11] =	ssyncset.done $0x0  }
0x1b: {  	[sflag:s11] =	ssyncadd.s32 $0xFFFFFFA0  }
0x1c: {  	[tilespmem:s15], [sflag:$0x2] =	stream.indirect.gather [hbm4b:s1+s14], $0x80, s12, s14, $0xb8;
	[tilespmem:$0x4080] =	vst v63  }
0x1d: {  	_ = 	snop  }
0x1e: {  	[tilespmem:s18], [sflag:$0x3] =	stream.indirect.gather [hbm4b:s1+s16], $0x80, s17, s16, $0xb8;
	[tilespmem:$0x4080] =	vst v63  }
0x1f: {  	_ = 	snop  }
0x20: {  	[tilespmem:s21], [sflag:$0x4] =	stream.indirect.gather [hbm4b:s1+s19], $0x80, s20, s19, $0xb8;
	[tilespmem:$0x4080] =	vst v63  }
0x21: {  	_ =	swait.ge [sflag:s22], $0x1000  }
0x22: {  	[sflag:s22] =	ssyncset.done $0x0  }
0x23: {  	s31 =	simm.s32 $0x0;
	[sflag:s22] =	ssyncadd.s32 $0xFFFFF000  }
0x24: {  	v20 =	vld [tilespmem:s31+$0x240]  }
0x25: {  	v19 =	vld [tilespmem:s31+$0x250]  }
0x26: {  	v23 =	vld [tilespmem:s31+$0x230]  }
0x27: {  	v25 =	vld [tilespmem:s31+$0x210]  }
0x28: {  	v26 =	vld [tilespmem:s31+$0x200]  }
0x29: {  	v22 =	vld [tilespmem:s31+$0x220]  }
0x2a: {  	v11 =	vld [tilespmem:s31+$0x1B0]  }
0x2b: {  	v7 =	vld [tilespmem:s31+$0x190]  }
0x2c: {  	v4 =	vld [tilespmem:s31+$0x80]  }
0x2d: {  	v8 =	vld [tilespmem:s31+$0x90]  }
0x2e: {  	v5 =	vld [tilespmem:s31+$0xA0];
	v6 =	vmul.f32 v25, v25;
	v10 =	vmul.f32 v26, v26  }
0x2f: {  	v9 =	vld [tilespmem:s31+$0x180]  }
0x30: {  	v18 =	vld [tilespmem:s31+$0x1A0];
	v12 =	vmul.f32 v22, v22;
	v10 =	vadd.f32 v6, v10  }
0x31: {  	v13 =	vmul.f32 v23, v23;
	v6 =	vld [tilespmem:s31+$0xB0]  }
0x32: {  	v33 =	vld [tilespmem:s31+$0x260];
	v14 =	vmul.f32 v4, v4;
	v15 =	vmul.f32 v8, v8;
	v12 =	vadd.f32 v12, v10  }
0x33: {  	v16 =	vmul.f32 v20, v20;
	v17 =	vmul.f32 v7, v7;
	v10 =	vld [tilespmem:s31+$0xC0]  }
0x34: {  	v34 =	vld [tilespmem:s31+$0x270];
	v21 =	vmul.f32 v5, v5;
	v14 =	vadd.f32 v15, v14;
	v13 =	vadd.f32 v13, v12  }
0x35: {  	v24 =	vmul.f32 v9, v9;
	v15 =	vmul.f32 v19, v19;
	v12 =	vld [tilespmem:s31+$0xD0]  }
0x36: {  	v14 =	vadd.f32 v21, v14;
	v29 =	vmul.f32 v6, v6;
	v13 =	vadd.f32 v16, v13;
	v16 =	vld [tilespmem:s31+$0x1C0]  }
0x37: {  	v28 =	vld [tilespmem:s31+$0xE0];
	v27 =	vmul.f32 v18, v18;
	v30 =	vmul.f32 v33, v33;
	v17 =	vadd.f32 v17, v24  }
0x38: {  	v32 =	vld [tilespmem:s31+$0x1D0];
	v24 =	vmul.f32 v10, v10;
	v14 =	vadd.f32 v29, v14;
	v13 =	vadd.f32 v15, v13  }
0x39: {  	v21 =	vld [tilespmem:s31+$0xF0];
	v17 =	vadd.f32 v27, v17;
	v27 =	vmul.f32 v34, v34;
	v15 =	vmul.f32 v11, v11  }
0x3a: {  	v29 =	vld [tilespmem:s31+$0x1E0];
	v14 =	vadd.f32 v24, v14;
	v13 =	vadd.f32 v30, v13;
	v30 =	vmul.f32 v12, v12  }
0x3b: {  	v15 =	vadd.f32 v15, v17;
	v24 =	vmul.f32 v16, v16  }
0x3c: {  	v31 =	vld [tilespmem:s31+$0x1F0];
	v17 =	vmul.f32 v28, v28;
	v13 =	vadd.f32 v27, v13;
	v14 =	vadd.f32 v30, v14  }
0x3d: {  	v27 =	vmul.f32 v32, v32;
	v15 =	vadd.f32 v24, v15  }
0x3e: {  	v30 =	vmul.f32 v21, v21;
	v24 =	vperm.xlane v13, v0;
	v14 =	vadd.f32 v17, v14  }
0x3f: {  	v35 =	vmul.f32 v29, v29;
	v17 =	vld [tilespmem:s31+$0x110];
	v27 =	vadd.f32 v27, v15  }
0x40: {  	v15 =	vld [tilespmem:s31+$0x100];
	v24 =	vadd.f32 v13, v24;
	v30 =	vadd.f32 v30, v14  }
0x41: {  	v13 =	vadd.f32 v35, v27;
	v27 =	vmul.f32 v31, v31  }
0x42: {  	v14 =	vld [tilespmem:s31+$0x120];
	v54 =	vperm.xlane v24, v1;
	v36 =	vperm.xlane v30, v0  }
0x43: {  	v37 =	vadd.f32 v27, v13  }
0x44: {  	v13 =	vld [tilespmem:s31+$0x130];
	v55 =	vmul.f32 v17, v17;
	v35 =	vadd.f32 v24, v54;
	v30 =	vadd.f32 v30, v36  }
0x45: {  	v27 =	vmul.f32 v15, v15;
	v38 =	vperm.xlane v37, v0  }
0x46: {  	v24 =	vld [tilespmem:s31+$0x140];
	v39 =	vperm.xlane v35, v2;
	v40 =	vperm.xlane v30, v1  }
0x47: {  	v41 =	vmul.f32 v14, v14;
	v36 =	vadd.f32 v55, v27;
	v37 =	vadd.f32 v37, v38  }
0x48: {  	v27 =	vld [tilespmem:s31+$0x150];
	v35 =	vadd.f32 v35, v39;
	v30 =	vadd.f32 v30, v40  }
0x49: {  	v36 =	vadd.f32 v41, v36;
	v56 =	vmul.f32 v13, v13;
	v57 =	vperm.xlane v37, v1  }
0x4a: {  	v58 =	vperm.xlane v35, v3;
	v59 =	vperm.xlane v30, v2  }
0x4b: {  	v42 =	vmul.f32 v24, v24;
	v38 =	vadd.f32 v56, v36;
	v39 =	vadd.f32 v37, v57  }
0x4c: {  	v35 =	vadd.f32 v35, v58;
	v36 =	vadd.f32 v30, v59;
	v30 =	vld [tilespmem:s31+$0x160]  }
0x4d: {  	v61 =	vmul.f32 v27, v27;
	v60 =	vadd.f32 v42, v38  }
0x4e: {  	v62 =	vperm.xlane v39, v2;
	v63 =	vshra.s32 v35, $0x1;
	v43 =	vmul.f32 $5.000000000e-01, v35;
	v35 =	vld [tilespmem:s31+$0x170]  }
0x4f: {  	v37 =	vperm.xlane v36, v3;
	v38 =	vsub.s32 $0x5F3759DF, v63  }
0x50: {  	s0 =	simm.s32 $0x800;
	v40 =	vadd.f32 v61, v60;
	v39 =	vadd.f32 v39, v62;
	v41 =	vmul.f32 v38, v43  }
.LBB2_2:
0x51: {  	p0 =	sne.s32 s0, $0x3800;
	v42 =	vmul.f32 v30, v30;
	s2 =	smov.u32 s0;
	s0 =	sadd.s32 $0x800, s0  }
0x52: {  	v43 =	vperm.xlane v39, v3;
	v41 =	vmul.f32 v38, v41  }
0x53: {  	v40 =	vadd.f32 v42, v40;
	v42 =	vmul.f32 v35, v35  }
0x54: {  	v39 =	vadd.f32 v39, v43;
	v41 =	vsub.f32 $1.500000000e+00, v41  }
0x55: {  	v40 =	vadd.f32 v42, v40  }
0x56: {  	v42 =	vshra.s32 v39, $0x1;
	v39 =	vmul.f32 $5.000000000e-01, v39;
	v38 =	vmul.f32 v38, v41  }
0x57: {  	v41 =	vperm.xlane v40, v0;
	v42 =	vsub.s32 $0x5F3759DF, v42  }
0x58: {  	v39 =	vmul.f32 v42, v39;
	v20 =	vmul.f32 v38, v20  }
0x59: {  	v23 =	vmul.f32 v38, v23;
	v19 =	vmul.f32 v38, v19;
	v40 =	vadd.f32 v40, v41  }
0x5a: {  	v36 =	vadd.f32 v36, v37;
	v25 =	vmul.f32 v38, v25;
	v22 =	vmul.f32 v38, v22;
	[tilespmem:s31+$0x240] =	vst v20  }
0x5b: {  	v26 =	vmul.f32 v38, v26;
	v20 =	vmul.f32 v42, v39;
	[tilespmem:s31+$0x250] =	vst v19  }
0x5c: {  	v19 =	vshra.s32 v36, $0x1;
	v36 =	vmul.f32 $5.000000000e-01, v36;
	[tilespmem:s31+$0x230] =	vst v23;
	v23 =	vmul.f32 v38, v33  }
0x5d: {  	v33 =	vsub.s32 $0x5F3759DF, v19;
	v19 =	vperm.xlane v40, v1;
	v20 =	vsub.f32 $1.500000000e+00, v20;
	[tilespmem:s31+$0x220] =	vst v22  }
0x5e: {  	v22 =	vmul.f32 v33, v36;
	[tilespmem:s31+$0x210] =	vst v25;
	v25 =	vmul.f32 v38, v34  }
0x5f: {  	v34 =	vadd.f32 v40, v19;
	v36 =	vmul.f32 v42, v20;
	[tilespmem:s31+$0x200] =	vst v26  }
0x60: {  	s2 =	sshra.s32 s2, $0x2;
	v22 =	vmul.f32 v33, v22;
	[tilespmem:s31+$0x260] =	vst v23  }
0x61: {  	v11 =	vmul.f32 v36, v11;
	v16 =	vmul.f32 v36, v16;
	v20 =	vld [tilespmem:s2+$0x240];
	[tilespmem:s31+$0x270] =	vst v25  }
0x62: {  	v26 =	vperm.xlane v34, v2;
	v7 =	vmul.f32 v36, v7;
	v25 =	vsub.f32 $1.500000000e+00, v22;
	v19 =	vld [tilespmem:s2+$0x250]  }
0x63: {  	v18 =	vmul.f32 v36, v18;
	v32 =	vmul.f32 v36, v32;
	v23 =	vld [tilespmem:s2+$0x230];
	[tilespmem:s31+$0x1B0] =	vst v11  }
0x64: {  	v29 =	vmul.f32 v36, v29;
	v33 =	vmul.f32 v33, v25;
	v22 =	vld [tilespmem:s2+$0x220];
	[tilespmem:s31+$0x190] =	vst v7  }
0x65: {  	v31 =	vmul.f32 v36, v31;
	v11 =	vld [tilespmem:s2+$0x1B0];
	[tilespmem:s31+$0x1A0] =	vst v18  }
0x66: {  	v9 =	vmul.f32 v36, v9;
	v5 =	vmul.f32 v33, v5;
	v18 =	vadd.f32 v34, v26;
	v7 =	vld [tilespmem:s2+$0x190];
	[tilespmem:s31+$0x1C0] =	vst v16  }
0x67: {  	v8 =	vmul.f32 v33, v8;
	v28 =	vmul.f32 v33, v28;
	v16 =	vld [tilespmem:s2+$0x1C0];
	[tilespmem:s31+$0x1D0] =	vst v32  }
0x68: {  	v12 =	vmul.f32 v33, v12;
	v32 =	vperm.xlane v18, v3;
	v25 =	vld [tilespmem:s2+$0x210];
	[tilespmem:s31+$0xA0] =	vst v5  }
0x69: {  	v4 =	vmul.f32 v33, v4;
	v6 =	vmul.f32 v33, v6;
	v5 =	vld [tilespmem:s2+$0xA0];
	[tilespmem:s31+$0x180] =	vst v9  }
0x6a: {  	v10 =	vmul.f32 v33, v10;
	v21 =	vmul.f32 v33, v21;
	v18 =	vadd.f32 v18, v32;
	v26 =	vld [tilespmem:s2+$0x200];
	[tilespmem:s31+$0xD0] =	vst v12  }
0x6b: {  	v9 =	vld [tilespmem:s2+$0x180];
	[tilespmem:s31+$0x80] =	vst v4  }
0x6c: {  	v4 =	vshra.s32 v18, $0x1;
	v12 =	vld [tilespmem:s2+$0xD0];
	[tilespmem:s31+$0xE0] =	vst v28;
	v28 =	vmul.f32 $5.000000000e-01, v18  }
0x6d: {  	v36 =	vsub.s32 $0x5F3759DF, v4;
	v18 =	vld [tilespmem:s2+$0x1A0];
	v32 =	vmul.f32 v25, v25;
	[tilespmem:s31+$0x90] =	vst v8  }
0x6e: {  	v38 =	vmul.f32 v11, v11;
	v37 =	vmul.f32 v7, v7;
	v4 =	vld [tilespmem:s2+$0x80];
	[tilespmem:s31+$0xB0] =	vst v6  }
0x6f: {  	v28 =	vmul.f32 v36, v28;
	v8 =	vld [tilespmem:s2+$0x90];
	v33 =	vmul.f32 v26, v26;
	[tilespmem:s31+$0xC0] =	vst v10  }
0x70: {  	v40 =	vmul.f32 v19, v19;
	v39 =	vmul.f32 v16, v16;
	v6 =	vld [tilespmem:s2+$0xB0];
	[tilespmem:s31+$0xF0] =	vst v21  }
0x71: {  	v41 =	vmul.f32 v20, v20;
	v10 =	vld [tilespmem:s2+$0xC0];
	v21 =	vadd.f32 v32, v33;
	v32 =	vmul.f32 v22, v22;
	[tilespmem:s31+$0x1E0] =	vst v29  }
0x72: {  	v28 =	vmul.f32 v36, v28;
	v29 =	vmul.f32 v5, v5;
	v33 =	vld [tilespmem:s2+$0x260];
	[tilespmem:s31+$0x1F0] =	vst v31  }
0x73: {  	v31 =	vmul.f32 v4, v4;
	v21 =	vadd.f32 v32, v21;
	v32 =	vmul.f32 v23, v23  }
0x74: {  	v43 =	vmul.f32 v18, v18;
	v28 =	vsub.f32 $1.500000000e+00, v28;
	v42 =	vmul.f32 v8, v8  }
0x75: {  	v45 =	vmul.f32 v12, v12;
	v44 =	vmul.f32 v6, v6;
	v34 =	vld [tilespmem:s2+$0x270];
	v32 =	vadd.f32 v32, v21  }
0x76: {  	v36 =	vmul.f32 v36, v28;
	v21 =	vld [tilespmem:s2+$0xF0];
	v31 =	vadd.f32 v42, v31;
	v42 =	vmul.f32 v9, v9  }
0x77: {  	v46 =	vmul.f32 v10, v10;
	v41 =	vadd.f32 v41, v32;
	v47 =	vmul.f32 v33, v33  }
0x78: {  	v17 =	vmul.f32 v36, v17;
	v29 =	vadd.f32 v29, v31;
	v32 =	vld [tilespmem:s2+$0x1D0];
	v31 =	vadd.f32 v37, v42  }
0x79: {  	v15 =	vmul.f32 v36, v15;
	v35 =	vmul.f32 v36, v35;
	v28 =	vld [tilespmem:s2+$0xE0];
	v37 =	vadd.f32 v40, v41  }
0x7a: {  	v40 =	vadd.f32 v44, v29;
	v31 =	vadd.f32 v43, v31;
	[tilespmem:s31+$0x110] =	vst v17;
	v17 =	vmul.f32 v36, v30  }
0x7b: {  	v27 =	vmul.f32 v36, v27;
	v29 =	vld [tilespmem:s2+$0x1E0];
	v30 =	vadd.f32 v47, v37;
	v37 =	vmul.f32 v34, v34;
	[tilespmem:s31+$0x170] =	vst v35  }
0x7c: {  	v24 =	vmul.f32 v36, v24;
	v35 =	vadd.f32 v46, v40;
	v38 =	vadd.f32 v38, v31;
	[tilespmem:s31+$0x160] =	vst v17  }
0x7d: {  	v14 =	vmul.f32 v36, v14;
	v31 =	vld [tilespmem:s2+$0x1F0];
	v40 =	vmul.f32 v32, v32;
	v30 =	vadd.f32 v37, v30;
	[tilespmem:s31+$0x150] =	vst v27  }
0x7e: {  	v17 =	vadd.f32 v45, v35;
	v27 =	vmul.f32 v28, v28;
	v35 =	vadd.f32 v39, v38;
	[tilespmem:s31+$0x140] =	vst v24  }
0x7f: {  	v24 =	vmul.f32 v21, v21;
	v37 =	vperm.xlane v30, v0  }
0x80: {  	v27 =	vadd.f32 v27, v17;
	v17 =	vld [tilespmem:s2+$0x110];
	v35 =	vadd.f32 v40, v35;
	v38 =	vmul.f32 v29, v29;
	[tilespmem:s31+$0x100] =	vst v15  }
0x81: {  	v13 =	vmul.f32 v36, v13;
	v15 =	vld [tilespmem:s2+$0x100];
	v30 =	vadd.f32 v30, v37;
	[tilespmem:s31+$0x120] =	vst v14  }
0x82: {  	v24 =	vadd.f32 v24, v27;
	v27 =	vadd.f32 v38, v35;
	v35 =	vmul.f32 v31, v31  }
0x83: {  	v14 =	vld [tilespmem:s2+$0x120];
	v36 =	vperm.xlane v30, v1;
	[tilespmem:s31+$0x130] =	vst v13;
	s31 =	smov.u32 s2  }
0x84: {  	v37 =	vperm.xlane v24, v0;
	v35 =	vadd.f32 v35, v27  }
0x85: {  	v13 =	vld [tilespmem:s31+$0x130];
	v30 =	vadd.f32 v30, v36  }
0x86: {  	v36 =	vadd.f32 v24, v37;
	v27 =	vmul.f32 v15, v15;
	v37 =	vmul.f32 v17, v17  }
0x87: {  	v38 =	vperm.xlane v35, v0;
	v24 =	vld [tilespmem:s31+$0x140];
	v39 =	vperm.xlane v30, v2  }
0x88: {  	v40 =	vperm.xlane v36, v1;
	v37 =	vadd.f32 v37, v27;
	v41 =	vmul.f32 v14, v14  }
0x89: {  	v35 =	vadd.f32 v35, v38;
	v27 =	vld [tilespmem:s31+$0x150];
	v38 =	vadd.f32 v30, v39  }
0x8a: {  	v36 =	vadd.f32 v36, v40;
	v37 =	vadd.f32 v41, v37;
	v39 =	vmul.f32 v13, v13  }
0x8b: {  	v40 =	vperm.xlane v35, v1;
	v30 =	vld [tilespmem:s31+$0x160];
	v41 =	vperm.xlane v38, v3  }
0x8c: {  	v42 =	vperm.xlane v36, v2;
	v37 =	vadd.f32 v39, v37;
	v39 =	vmul.f32 v24, v24  }
.Ltmp0:
0x8d: {  	v43 =	vadd.f32 v35, v40;
	v38 =	vadd.f32 v38, v41;
	(pc) =	sbr.rel @p0 .LBB2_2-.Ltmp0, $4  }
0x8e: {  	v36 =	vadd.f32 v36, v42;
	v39 =	vadd.f32 v39, v37;
	v40 =	vmul.f32 v27, v27  }
0x8f: {  	v41 =	vperm.xlane v43, v2;
	v35 =	vld [tilespmem:s31+$0x170];
	v42 =	vshra.s32 v38, $0x1;
	v44 =	vmul.f32 $5.000000000e-01, v38  }
0x90: {  	v37 =	vperm.xlane v36, v3;
	v40 =	vadd.f32 v40, v39;
	v38 =	vsub.s32 $0x5F3759DF, v42  }
0x91: {  	v39 =	vadd.f32 v43, v41;
	v41 =	vmul.f32 v38, v44  }
0x92: {  	v42 =	vmul.f32 v30, v30  }
0x93: {  	v43 =	vperm.xlane v39, v3;
	v41 =	vmul.f32 v38, v41  }
0x94: {  	v40 =	vadd.f32 v42, v40;
	v60 =	vmul.f32 v35, v35  }
0x95: {  	v39 =	vadd.f32 v39, v43;
	v41 =	vsub.f32 $1.500000000e+00, v41  }
0x96: {  	v40 =	vadd.f32 v60, v40  }
0x97: {  	v61 =	vshra.s32 v39, $0x1;
	v39 =	vmul.f32 $5.000000000e-01, v39;
	v62 =	vmul.f32 v38, v41  }
0x98: {  	v63 =	vperm.xlane v40, v0;
	v42 =	vsub.s32 $0x5F3759DF, v61  }
0x99: {  	v39 =	vmul.f32 v42, v39;
	v20 =	vmul.f32 v62, v20  }
0x9a: {  	v23 =	vmul.f32 v62, v23;
	v19 =	vmul.f32 v62, v19;
	v40 =	vadd.f32 v40, v63  }
0x9b: {  	v36 =	vadd.f32 v36, v37;
	v25 =	vmul.f32 v62, v25;
	v22 =	vmul.f32 v62, v22  }
0x9c: {  	[tilespmem:s31+$0x240] =	vst v20;
	v20 =	vmul.f32 v42, v39;
	v44 =	vperm.xlane v40, v1  }
0x9d: {  	v26 =	vmul.f32 v62, v26;
	[tilespmem:s31+$0x250] =	vst v19;
	v19 =	vshra.s32 v36, $0x1;
	v36 =	vmul.f32 $5.000000000e-01, v36  }
0x9e: {  	[tilespmem:s31+$0x230] =	vst v23;
	v19 =	vsub.s32 $0x5F3759DF, v19;
	v20 =	vsub.f32 $1.500000000e+00, v20;
	v23 =	vadd.f32 v40, v44  }
0x9f: {  	v33 =	vmul.f32 v62, v33;
	[tilespmem:s31+$0x220] =	vst v22;
	v22 =	vmul.f32 v19, v36  }
0xa0: {  	[tilespmem:s31+$0x210] =	vst v25;
	v20 =	vmul.f32 v42, v20;
	v25 =	vperm.xlane v23, v2  }
0xa1: {  	v34 =	vmul.f32 v62, v34;
	[tilespmem:s31+$0x200] =	vst v26  }
0xa2: {  	[tilespmem:s31+$0x260] =	vst v33;
	v22 =	vmul.f32 v19, v22;
	v11 =	vmul.f32 v20, v11;
	v23 =	vadd.f32 v23, v25  }
0xa3: {  	[tilespmem:s31+$0x270] =	vst v34;
	v7 =	vmul.f32 v20, v7  }
0xa4: {  	v22 =	vsub.f32 $1.500000000e+00, v22;
	v18 =	vmul.f32 v20, v18;
	[tilespmem:s31+$0x1B0] =	vst v11;
	v11 =	vperm.xlane v23, v3  }
0xa5: {  	v16 =	vmul.f32 v20, v16;
	[tilespmem:s31+$0x190] =	vst v7  }
0xa6: {  	v19 =	vmul.f32 v19, v22;
	v7 =	vmul.f32 v20, v32;
	[tilespmem:s31+$0x1A0] =	vst v18;
	v11 =	vadd.f32 v23, v11  }
0xa7: {  	v9 =	vmul.f32 v20, v9;
	[tilespmem:s31+$0x1C0] =	vst v16  }
0xa8: {  	v5 =	vmul.f32 v19, v5;
	[tilespmem:s31+$0x1D0] =	vst v7;
	v7 =	vshra.s32 v11, $0x1;
	v11 =	vmul.f32 $5.000000000e-01, v11  }
0xa9: {  	[tilespmem:s31+$0x180] =	vst v9;
	v4 =	vmul.f32 v19, v4;
	v7 =	vsub.s32 $0x5F3759DF, v7  }
0xaa: {  	v6 =	vmul.f32 v19, v6;
	[tilespmem:s31+$0xA0] =	vst v5;
	v9 =	vmul.f32 v7, v11  }
0xab: {  	v5 =	vmul.f32 v19, v12;
	[tilespmem:s31+$0x80] =	vst v4  }
0xac: {  	[tilespmem:s31+$0xB0] =	vst v6;
	v6 =	vmul.f32 v20, v29;
	v4 =	vmul.f32 v7, v9  }
0xad: {  	[tilespmem:s31+$0xD0] =	vst v5;
	v5 =	vmul.f32 v19, v8  }
0xae: {  	v8 =	vmul.f32 v19, v10;
	[tilespmem:s31+$0x1E0] =	vst v6;
	v4 =	vsub.f32 $1.500000000e+00, v4  }
0xaf: {  	v11 =	vmul.f32 v19, v28;
	[tilespmem:s31+$0x90] =	vst v5  }
0xb0: {  	v5 =	vmul.f32 v19, v21;
	[tilespmem:s31+$0xC0] =	vst v8;
	v4 =	vmul.f32 v7, v4  }
0xb1: {  	[tilespmem:s31+$0xE0] =	vst v11;
	v7 =	vmul.f32 v20, v31  }
0xb2: {  	[tilespmem:s31+$0xF0] =	vst v5;
	v5 =	vmul.f32 v4, v17  }
0xb3: {  	[tilespmem:s31+$0x1F0] =	vst v7;
	v6 =	vmul.f32 v4, v35  }
0xb4: {  	v7 =	vmul.f32 v4, v27;
	[tilespmem:s31+$0x110] =	vst v5  }
0xb5: {  	v5 =	vmul.f32 v4, v30;
	[tilespmem:s31+$0x170] =	vst v6  }
0xb6: {  	v6 =	vmul.f32 v4, v24;
	[tilespmem:s31+$0x150] =	vst v7  }
0xb7: {  	v7 =	vmul.f32 v4, v14;
	[tilespmem:s31+$0x160] =	vst v5  }
0xb8: {  	v5 =	vmul.f32 v4, v15;
	[tilespmem:s31+$0x140] =	vst v6  }
0xb9: {  	v4 =	vmul.f32 v4, v13;
	[tilespmem:s31+$0x120] =	vst v7  }
0xba: {  	[tilespmem:s31+$0x100] =	vst v5  }
0xbb: {  	s0 =	simm.s32 $0x0;
	[tilespmem:s31+$0x130] =	vst v4  }
0xbc: {  	[hbm4b:s4+s0] =	stream.linear.scatter [tilespmem:s13], [sflag:$0x5], $0x1000, $0x38;
	[tilespmem:$0x4080] =	vst v63  }
0xbd: {  	_ =	swait.ge [sflag:s23], $0x1800  }
0xbe: {  	[sflag:s23] =	ssyncset.done $0x0  }
0xbf: {  	s31 =	simm.s32 $0x0;
	[sflag:s23] =	ssyncadd.s32 $0xFFFFE800  }
0xc0: {  	v20 =	vld [tilespmem:s31+$0x1240]  }
0xc1: {  	v19 =	vld [tilespmem:s31+$0x1250]  }
0xc2: {  	v23 =	vld [tilespmem:s31+$0x1230]  }
0xc3: {  	v25 =	vld [tilespmem:s31+$0x1210]  }
0xc4: {  	v26 =	vld [tilespmem:s31+$0x1200]  }
0xc5: {  	v22 =	vld [tilespmem:s31+$0x1220]  }
0xc6: {  	v11 =	vld [tilespmem:s31+$0x11B0]  }
0xc7: {  	v7 =	vld [tilespmem:s31+$0x1190]  }
0xc8: {  	v4 =	vld [tilespmem:s31+$0x1080]  }
0xc9: {  	v8 =	vld [tilespmem:s31+$0x1090]  }
0xca: {  	v5 =	vld [tilespmem:s31+$0x10A0];
	v6 =	vmul.f32 v25, v25;
	v10 =	vmul.f32 v26, v26  }
0xcb: {  	v9 =	vld [tilespmem:s31+$0x1180]  }
0xcc: {  	v18 =	vld [tilespmem:s31+$0x11A0];
	v12 =	vmul.f32 v22, v22;
	v10 =	vadd.f32 v6, v10  }
0xcd: {  	v13 =	vmul.f32 v23, v23;
	v6 =	vld [tilespmem:s31+$0x10B0]  }
0xce: {  	v33 =	vld [tilespmem:s31+$0x1260];
	v14 =	vmul.f32 v4, v4;
	v15 =	vmul.f32 v8, v8;
	v12 =	vadd.f32 v12, v10  }
0xcf: {  	v16 =	vmul.f32 v20, v20;
	v17 =	vmul.f32 v7, v7;
	v10 =	vld [tilespmem:s31+$0x10C0]  }
0xd0: {  	v34 =	vld [tilespmem:s31+$0x1270];
	v21 =	vmul.f32 v5, v5;
	v14 =	vadd.f32 v15, v14;
	v13 =	vadd.f32 v13, v12  }
0xd1: {  	v24 =	vmul.f32 v9, v9;
	v15 =	vmul.f32 v19, v19;
	v12 =	vld [tilespmem:s31+$0x10D0]  }
0xd2: {  	v14 =	vadd.f32 v21, v14;
	v29 =	vmul.f32 v6, v6;
	v13 =	vadd.f32 v16, v13;
	v16 =	vld [tilespmem:s31+$0x11C0]  }
0xd3: {  	v28 =	vld [tilespmem:s31+$0x10E0];
	v27 =	vmul.f32 v18, v18;
	v30 =	vmul.f32 v33, v33;
	v17 =	vadd.f32 v17, v24  }
0xd4: {  	v32 =	vld [tilespmem:s31+$0x11D0];
	v24 =	vmul.f32 v10, v10;
	v14 =	vadd.f32 v29, v14;
	v13 =	vadd.f32 v15, v13  }
0xd5: {  	v21 =	vld [tilespmem:s31+$0x10F0];
	v17 =	vadd.f32 v27, v17;
	v27 =	vmul.f32 v34, v34;
	v15 =	vmul.f32 v11, v11  }
0xd6: {  	v29 =	vld [tilespmem:s31+$0x11E0];
	v14 =	vadd.f32 v24, v14;
	v13 =	vadd.f32 v30, v13;
	v30 =	vmul.f32 v12, v12  }
0xd7: {  	v15 =	vadd.f32 v15, v17;
	v24 =	vmul.f32 v16, v16  }
0xd8: {  	v31 =	vld [tilespmem:s31+$0x11F0];
	v17 =	vmul.f32 v28, v28;
	v13 =	vadd.f32 v27, v13;
	v14 =	vadd.f32 v30, v14  }
0xd9: {  	v27 =	vmul.f32 v32, v32;
	v15 =	vadd.f32 v24, v15  }
0xda: {  	v30 =	vmul.f32 v21, v21;
	v24 =	vperm.xlane v13, v0;
	v14 =	vadd.f32 v17, v14  }
0xdb: {  	v45 =	vmul.f32 v29, v29;
	v17 =	vld [tilespmem:s31+$0x1110];
	v27 =	vadd.f32 v27, v15  }
0xdc: {  	v15 =	vld [tilespmem:s31+$0x1100];
	v24 =	vadd.f32 v13, v24;
	v30 =	vadd.f32 v30, v14  }
0xdd: {  	v13 =	vadd.f32 v45, v27;
	v27 =	vmul.f32 v31, v31  }
0xde: {  	v14 =	vld [tilespmem:s31+$0x1120];
	v46 =	vperm.xlane v24, v1;
	v47 =	vperm.xlane v30, v0  }
0xdf: {  	v48 =	vadd.f32 v27, v13  }
0xe0: {  	v13 =	vld [tilespmem:s31+$0x1130];
	v49 =	vmul.f32 v17, v17;
	v35 =	vadd.f32 v24, v46;
	v30 =	vadd.f32 v30, v47  }
0xe1: {  	v27 =	vmul.f32 v15, v15;
	v50 =	vperm.xlane v48, v0  }
0xe2: {  	v24 =	vld [tilespmem:s31+$0x1140];
	v51 =	vperm.xlane v35, v2;
	v52 =	vperm.xlane v30, v1  }
0xe3: {  	v53 =	vmul.f32 v14, v14;
	v36 =	vadd.f32 v49, v27;
	v37 =	vadd.f32 v48, v50  }
0xe4: {  	v27 =	vld [tilespmem:s31+$0x1150];
	v35 =	vadd.f32 v35, v51;
	v30 =	vadd.f32 v30, v52  }
0xe5: {  	v36 =	vadd.f32 v53, v36;
	v54 =	vmul.f32 v13, v13;
	v55 =	vperm.xlane v37, v1  }
0xe6: {  	v56 =	vperm.xlane v35, v3;
	v57 =	vperm.xlane v30, v2  }
0xe7: {  	v58 =	vmul.f32 v24, v24;
	v38 =	vadd.f32 v54, v36;
	v39 =	vadd.f32 v37, v55  }
0xe8: {  	v35 =	vadd.f32 v35, v56;
	v36 =	vadd.f32 v30, v57;
	v30 =	vld [tilespmem:s31+$0x1160]  }
0xe9: {  	v60 =	vmul.f32 v27, v27;
	v59 =	vadd.f32 v58, v38  }
0xea: {  	v61 =	vperm.xlane v39, v2;
	v62 =	vshra.s32 v35, $0x1;
	v63 =	vmul.f32 $5.000000000e-01, v35;
	v35 =	vld [tilespmem:s31+$0x1170]  }
0xeb: {  	v37 =	vperm.xlane v36, v3;
	v38 =	vsub.s32 $0x5F3759DF, v62  }
0xec: {  	s0 =	simm.s32 $0x800;
	v40 =	vadd.f32 v60, v59;
	v39 =	vadd.f32 v39, v61;
	v41 =	vmul.f32 v38, v63  }
.LBB2_4:
0xed: {  	p0 =	sne.s32 s0, $0x5800;
	v42 =	vmul.f32 v30, v30;
	s2 =	smov.u32 s0;
	s0 =	sadd.s32 $0x800, s0  }
0xee: {  	v43 =	vperm.xlane v39, v3;
	v41 =	vmul.f32 v38, v41  }
0xef: {  	v40 =	vadd.f32 v42, v40;
	v42 =	vmul.f32 v35, v35  }
0xf0: {  	v39 =	vadd.f32 v39, v43;
	v41 =	vsub.f32 $1.500000000e+00, v41  }
0xf1: {  	v40 =	vadd.f32 v42, v40  }
0xf2: {  	v42 =	vshra.s32 v39, $0x1;
	v39 =	vmul.f32 $5.000000000e-01, v39;
	v38 =	vmul.f32 v38, v41  }
0xf3: {  	v41 =	vperm.xlane v40, v0;
	v42 =	vsub.s32 $0x5F3759DF, v42  }
0xf4: {  	v39 =	vmul.f32 v42, v39;
	v20 =	vmul.f32 v38, v20  }
0xf5: {  	v23 =	vmul.f32 v38, v23;
	v19 =	vmul.f32 v38, v19;
	v40 =	vadd.f32 v40, v41  }
0xf6: {  	v36 =	vadd.f32 v36, v37;
	v25 =	vmul.f32 v38, v25;
	v22 =	vmul.f32 v38, v22;
	[tilespmem:s31+$0x1240] =	vst v20  }
0xf7: {  	v26 =	vmul.f32 v38, v26;
	v20 =	vmul.f32 v42, v39;
	[tilespmem:s31+$0x1250] =	vst v19  }
0xf8: {  	v19 =	vshra.s32 v36, $0x1;
	v36 =	vmul.f32 $5.000000000e-01, v36;
	[tilespmem:s31+$0x1230] =	vst v23;
	v23 =	vmul.f32 v38, v33  }
0xf9: {  	v33 =	vsub.s32 $0x5F3759DF, v19;
	v19 =	vperm.xlane v40, v1;
	v20 =	vsub.f32 $1.500000000e+00, v20;
	[tilespmem:s31+$0x1220] =	vst v22  }
0xfa: {  	v22 =	vmul.f32 v33, v36;
	[tilespmem:s31+$0x1210] =	vst v25;
	v25 =	vmul.f32 v38, v34  }
0xfb: {  	v34 =	vadd.f32 v40, v19;
	v36 =	vmul.f32 v42, v20;
	[tilespmem:s31+$0x1200] =	vst v26  }
0xfc: {  	s2 =	sshra.s32 s2, $0x2;
	v22 =	vmul.f32 v33, v22;
	[tilespmem:s31+$0x1260] =	vst v23  }
0xfd: {  	v11 =	vmul.f32 v36, v11;
	v16 =	vmul.f32 v36, v16;
	v20 =	vld [tilespmem:s2+$0x1240];
	[tilespmem:s31+$0x1270] =	vst v25  }
0xfe: {  	v26 =	vperm.xlane v34, v2;
	v7 =	vmul.f32 v36, v7;
	v25 =	vsub.f32 $1.500000000e+00, v22;
	v19 =	vld [tilespmem:s2+$0x1250]  }
0xff: {  	v18 =	vmul.f32 v36, v18;
	v32 =	vmul.f32 v36, v32;
	v23 =	vld [tilespmem:s2+$0x1230];
	[tilespmem:s31+$0x11B0] =	vst v11  }
0x100: {  	v29 =	vmul.f32 v36, v29;
	v33 =	vmul.f32 v33, v25;
	v22 =	vld [tilespmem:s2+$0x1220];
	[tilespmem:s31+$0x1190] =	vst v7  }
0x101: {  	v31 =	vmul.f32 v36, v31;
	v11 =	vld [tilespmem:s2+$0x11B0];
	[tilespmem:s31+$0x11A0] =	vst v18  }
0x102: {  	v9 =	vmul.f32 v36, v9;
	v5 =	vmul.f32 v33, v5;
	v18 =	vadd.f32 v34, v26;
	v7 =	vld [tilespmem:s2+$0x1190];
	[tilespmem:s31+$0x11C0] =	vst v16  }
0x103: {  	v8 =	vmul.f32 v33, v8;
	v28 =	vmul.f32 v33, v28;
	v16 =	vld [tilespmem:s2+$0x11C0];
	[tilespmem:s31+$0x11D0] =	vst v32  }
0x104: {  	v12 =	vmul.f32 v33, v12;
	v32 =	vperm.xlane v18, v3;
	v25 =	vld [tilespmem:s2+$0x1210];
	[tilespmem:s31+$0x10A0] =	vst v5  }
0x105: {  	v4 =	vmul.f32 v33, v4;
	v6 =	vmul.f32 v33, v6;
	v5 =	vld [tilespmem:s2+$0x10A0];
	[tilespmem:s31+$0x1180] =	vst v9  }
0x106: {  	v10 =	vmul.f32 v33, v10;
	v21 =	vmul.f32 v33, v21;
	v18 =	vadd.f32 v18, v32;
	v26 =	vld [tilespmem:s2+$0x1200];
	[tilespmem:s31+$0x10D0] =	vst v12  }
0x107: {  	v9 =	vld [tilespmem:s2+$0x1180];
	[tilespmem:s31+$0x1080] =	vst v4  }
0x108: {  	v4 =	vshra.s32 v18, $0x1;
	v12 =	vld [tilespmem:s2+$0x10D0];
	[tilespmem:s31+$0x10E0] =	vst v28;
	v28 =	vmul.f32 $5.000000000e-01, v18  }
0x109: {  	v36 =	vsub.s32 $0x5F3759DF, v4;
	v18 =	vld [tilespmem:s2+$0x11A0];
	v32 =	vmul.f32 v25, v25;
	[tilespmem:s31+$0x1090] =	vst v8  }
0x10a: {  	v38 =	vmul.f32 v11, v11;
	v37 =	vmul.f32 v7, v7;
	v4 =	vld [tilespmem:s2+$0x1080];
	[tilespmem:s31+$0x10B0] =	vst v6  }
0x10b: {  	v28 =	vmul.f32 v36, v28;
	v8 =	vld [tilespmem:s2+$0x1090];
	v33 =	vmul.f32 v26, v26;
	[tilespmem:s31+$0x10C0] =	vst v10  }
0x10c: {  	v40 =	vmul.f32 v19, v19;
	v39 =	vmul.f32 v16, v16;
	v6 =	vld [tilespmem:s2+$0x10B0];
	[tilespmem:s31+$0x10F0] =	vst v21  }
0x10d: {  	v41 =	vmul.f32 v20, v20;
	v10 =	vld [tilespmem:s2+$0x10C0];
	v21 =	vadd.f32 v32, v33;
	v32 =	vmul.f32 v22, v22;
	[tilespmem:s31+$0x11E0] =	vst v29  }
0x10e: {  	v28 =	vmul.f32 v36, v28;
	v29 =	vmul.f32 v5, v5;
	v33 =	vld [tilespmem:s2+$0x1260];
	[tilespmem:s31+$0x11F0] =	vst v31  }
0x10f: {  	v31 =	vmul.f32 v4, v4;
	v21 =	vadd.f32 v32, v21;
	v32 =	vmul.f32 v23, v23  }
0x110: {  	v43 =	vmul.f32 v18, v18;
	v28 =	vsub.f32 $1.500000000e+00, v28;
	v42 =	vmul.f32 v8, v8  }
0x111: {  	v45 =	vmul.f32 v12, v12;
	v44 =	vmul.f32 v6, v6;
	v34 =	vld [tilespmem:s2+$0x1270];
	v32 =	vadd.f32 v32, v21  }
0x112: {  	v36 =	vmul.f32 v36, v28;
	v21 =	vld [tilespmem:s2+$0x10F0];
	v31 =	vadd.f32 v42, v31;
	v42 =	vmul.f32 v9, v9  }
0x113: {  	v46 =	vmul.f32 v10, v10;
	v41 =	vadd.f32 v41, v32;
	v47 =	vmul.f32 v33, v33  }
0x114: {  	v17 =	vmul.f32 v36, v17;
	v29 =	vadd.f32 v29, v31;
	v32 =	vld [tilespmem:s2+$0x11D0];
	v31 =	vadd.f32 v37, v42  }
0x115: {  	v15 =	vmul.f32 v36, v15;
	v35 =	vmul.f32 v36, v35;
	v28 =	vld [tilespmem:s2+$0x10E0];
	v37 =	vadd.f32 v40, v41  }
0x116: {  	v40 =	vadd.f32 v44, v29;
	v31 =	vadd.f32 v43, v31;
	[tilespmem:s31+$0x1110] =	vst v17;
	v17 =	vmul.f32 v36, v30  }
0x117: {  	v27 =	vmul.f32 v36, v27;
	v29 =	vld [tilespmem:s2+$0x11E0];
	v30 =	vadd.f32 v47, v37;
	v37 =	vmul.f32 v34, v34;
	[tilespmem:s31+$0x1170] =	vst v35  }
0x118: {  	v24 =	vmul.f32 v36, v24;
	v35 =	vadd.f32 v46, v40;
	v38 =	vadd.f32 v38, v31;
	[tilespmem:s31+$0x1160] =	vst v17  }
0x119: {  	v14 =	vmul.f32 v36, v14;
	v31 =	vld [tilespmem:s2+$0x11F0];
	v40 =	vmul.f32 v32, v32;
	v30 =	vadd.f32 v37, v30;
	[tilespmem:s31+$0x1150] =	vst v27  }
0x11a: {  	v17 =	vadd.f32 v45, v35;
	v27 =	vmul.f32 v28, v28;
	v35 =	vadd.f32 v39, v38;
	[tilespmem:s31+$0x1140] =	vst v24  }
0x11b: {  	v24 =	vmul.f32 v21, v21;
	v37 =	vperm.xlane v30, v0  }
0x11c: {  	v27 =	vadd.f32 v27, v17;
	v17 =	vld [tilespmem:s2+$0x1110];
	v35 =	vadd.f32 v40, v35;
	v38 =	vmul.f32 v29, v29;
	[tilespmem:s31+$0x1100] =	vst v15  }
0x11d: {  	v13 =	vmul.f32 v36, v13;
	v15 =	vld [tilespmem:s2+$0x1100];
	v30 =	vadd.f32 v30, v37;
	[tilespmem:s31+$0x1120] =	vst v14  }
0x11e: {  	v24 =	vadd.f32 v24, v27;
	v27 =	vadd.f32 v38, v35;
	v35 =	vmul.f32 v31, v31  }
0x11f: {  	v14 =	vld [tilespmem:s2+$0x1120];
	v36 =	vperm.xlane v30, v1;
	[tilespmem:s31+$0x1130] =	vst v13;
	s31 =	smov.u32 s2  }
0x120: {  	v37 =	vperm.xlane v24, v0;
	v35 =	vadd.f32 v35, v27  }
0x121: {  	v13 =	vld [tilespmem:s31+$0x1130];
	v30 =	vadd.f32 v30, v36  }
0x122: {  	v36 =	vadd.f32 v24, v37;
	v27 =	vmul.f32 v15, v15;
	v37 =	vmul.f32 v17, v17  }
0x123: {  	v38 =	vperm.xlane v35, v0;
	v24 =	vld [tilespmem:s31+$0x1140];
	v39 =	vperm.xlane v30, v2  }
0x124: {  	v40 =	vperm.xlane v36, v1;
	v37 =	vadd.f32 v37, v27;
	v41 =	vmul.f32 v14, v14  }
0x125: {  	v35 =	vadd.f32 v35, v38;
	v27 =	vld [tilespmem:s31+$0x1150];
	v38 =	vadd.f32 v30, v39  }
0x126: {  	v36 =	vadd.f32 v36, v40;
	v37 =	vadd.f32 v41, v37;
	v39 =	vmul.f32 v13, v13  }
0x127: {  	v40 =	vperm.xlane v35, v1;
	v30 =	vld [tilespmem:s31+$0x1160];
	v41 =	vperm.xlane v38, v3  }
0x128: {  	v42 =	vperm.xlane v36, v2;
	v37 =	vadd.f32 v39, v37;
	v39 =	vmul.f32 v24, v24  }
.Ltmp1:
0x129: {  	v43 =	vadd.f32 v35, v40;
	v38 =	vadd.f32 v38, v41;
	(pc) =	sbr.rel @p0 .LBB2_4-.Ltmp1, $4  }
0x12a: {  	v36 =	vadd.f32 v36, v42;
	v39 =	vadd.f32 v39, v37;
	v40 =	vmul.f32 v27, v27  }
0x12b: {  	v41 =	vperm.xlane v43, v2;
	v35 =	vld [tilespmem:s31+$0x1170];
	v42 =	vshra.s32 v38, $0x1;
	v44 =	vmul.f32 $5.000000000e-01, v38  }
0x12c: {  	v37 =	vperm.xlane v36, v3;
	v40 =	vadd.f32 v40, v39;
	v38 =	vsub.s32 $0x5F3759DF, v42  }
0x12d: {  	v39 =	vadd.f32 v43, v41;
	v41 =	vmul.f32 v38, v44  }
0x12e: {  	v42 =	vmul.f32 v30, v30  }
0x12f: {  	v43 =	vperm.xlane v39, v3;
	v41 =	vmul.f32 v38, v41  }
0x130: {  	v40 =	vadd.f32 v42, v40;
	v60 =	vmul.f32 v35, v35  }
0x131: {  	v39 =	vadd.f32 v39, v43;
	v41 =	vsub.f32 $1.500000000e+00, v41  }
0x132: {  	v40 =	vadd.f32 v60, v40  }
0x133: {  	v61 =	vshra.s32 v39, $0x1;
	v39 =	vmul.f32 $5.000000000e-01, v39;
	v62 =	vmul.f32 v38, v41  }
0x134: {  	v63 =	vperm.xlane v40, v0;
	v42 =	vsub.s32 $0x5F3759DF, v61  }
0x135: {  	v39 =	vmul.f32 v42, v39;
	v20 =	vmul.f32 v62, v20  }
0x136: {  	v23 =	vmul.f32 v62, v23;
	v19 =	vmul.f32 v62, v19;
	v40 =	vadd.f32 v40, v63  }
0x137: {  	v36 =	vadd.f32 v36, v37;
	v25 =	vmul.f32 v62, v25;
	v22 =	vmul.f32 v62, v22  }
0x138: {  	[tilespmem:s31+$0x1240] =	vst v20;
	v20 =	vmul.f32 v42, v39;
	v44 =	vperm.xlane v40, v1  }
0x139: {  	v26 =	vmul.f32 v62, v26;
	[tilespmem:s31+$0x1250] =	vst v19;
	v19 =	vshra.s32 v36, $0x1;
	v36 =	vmul.f32 $5.000000000e-01, v36  }
0x13a: {  	[tilespmem:s31+$0x1230] =	vst v23;
	v19 =	vsub.s32 $0x5F3759DF, v19;
	v20 =	vsub.f32 $1.500000000e+00, v20;
	v23 =	vadd.f32 v40, v44  }
0x13b: {  	v33 =	vmul.f32 v62, v33;
	[tilespmem:s31+$0x1220] =	vst v22;
	v22 =	vmul.f32 v19, v36  }
0x13c: {  	[tilespmem:s31+$0x1210] =	vst v25;
	v20 =	vmul.f32 v42, v20;
	v25 =	vperm.xlane v23, v2  }
0x13d: {  	v34 =	vmul.f32 v62, v34;
	[tilespmem:s31+$0x1200] =	vst v26  }
0x13e: {  	[tilespmem:s31+$0x1260] =	vst v33;
	v22 =	vmul.f32 v19, v22;
	v11 =	vmul.f32 v20, v11;
	v23 =	vadd.f32 v23, v25  }
0x13f: {  	[tilespmem:s31+$0x1270] =	vst v34;
	v7 =	vmul.f32 v20, v7  }
0x140: {  	v22 =	vsub.f32 $1.500000000e+00, v22;
	v18 =	vmul.f32 v20, v18;
	[tilespmem:s31+$0x11B0] =	vst v11;
	v11 =	vperm.xlane v23, v3  }
0x141: {  	v16 =	vmul.f32 v20, v16;
	[tilespmem:s31+$0x1190] =	vst v7  }
0x142: {  	v19 =	vmul.f32 v19, v22;
	v7 =	vmul.f32 v20, v32;
	[tilespmem:s31+$0x11A0] =	vst v18;
	v11 =	vadd.f32 v23, v11  }
0x143: {  	v9 =	vmul.f32 v20, v9;
	[tilespmem:s31+$0x11C0] =	vst v16  }
0x144: {  	v5 =	vmul.f32 v19, v5;
	[tilespmem:s31+$0x11D0] =	vst v7;
	v7 =	vshra.s32 v11, $0x1;
	v11 =	vmul.f32 $5.000000000e-01, v11  }
0x145: {  	[tilespmem:s31+$0x1180] =	vst v9;
	v4 =	vmul.f32 v19, v4;
	v7 =	vsub.s32 $0x5F3759DF, v7  }
0x146: {  	v6 =	vmul.f32 v19, v6;
	[tilespmem:s31+$0x10A0] =	vst v5;
	v9 =	vmul.f32 v7, v11  }
0x147: {  	v5 =	vmul.f32 v19, v12;
	[tilespmem:s31+$0x1080] =	vst v4  }
0x148: {  	[tilespmem:s31+$0x10B0] =	vst v6;
	v6 =	vmul.f32 v20, v29;
	v4 =	vmul.f32 v7, v9  }
0x149: {  	[tilespmem:s31+$0x10D0] =	vst v5;
	v5 =	vmul.f32 v19, v8  }
0x14a: {  	v8 =	vmul.f32 v19, v10;
	[tilespmem:s31+$0x11E0] =	vst v6;
	v4 =	vsub.f32 $1.500000000e+00, v4  }
0x14b: {  	v11 =	vmul.f32 v19, v28;
	[tilespmem:s31+$0x1090] =	vst v5  }
0x14c: {  	v5 =	vmul.f32 v19, v21;
	[tilespmem:s31+$0x10C0] =	vst v8;
	v4 =	vmul.f32 v7, v4  }
0x14d: {  	[tilespmem:s31+$0x10E0] =	vst v11;
	v7 =	vmul.f32 v20, v31  }
0x14e: {  	[tilespmem:s31+$0x10F0] =	vst v5;
	v5 =	vmul.f32 v4, v17  }
0x14f: {  	[tilespmem:s31+$0x11F0] =	vst v7;
	v6 =	vmul.f32 v4, v35  }
0x150: {  	v7 =	vmul.f32 v4, v27;
	[tilespmem:s31+$0x1110] =	vst v5  }
0x151: {  	v5 =	vmul.f32 v4, v30;
	[tilespmem:s31+$0x1170] =	vst v6  }
0x152: {  	v6 =	vmul.f32 v4, v24;
	[tilespmem:s31+$0x1150] =	vst v7  }
0x153: {  	v7 =	vmul.f32 v4, v14;
	[tilespmem:s31+$0x1160] =	vst v5  }
0x154: {  	v5 =	vmul.f32 v4, v15;
	[tilespmem:s31+$0x1140] =	vst v6  }
0x155: {  	v4 =	vmul.f32 v4, v13;
	[tilespmem:s31+$0x1120] =	vst v7  }
0x156: {  	[tilespmem:s31+$0x1100] =	vst v5  }
0x157: {  	s0 =	simm.s32 $0x0;
	[tilespmem:s31+$0x1130] =	vst v4  }
0x158: {  	[hbm4b:s8+s0] =	stream.linear.scatter [tilespmem:s15], [sflag:$0x6], $0x1800, $0x38;
	[tilespmem:$0x4080] =	vst v63  }
0x159: {  	_ =	swait.ge [sflag:s24], $0x1400  }
0x15a: {  	[sflag:s24] =	ssyncset.done $0x0  }
0x15b: {  	s31 =	simm.s32 $0x0;
	[sflag:s24] =	ssyncadd.s32 $0xFFFFEC00  }
0x15c: {  	v20 =	vld [tilespmem:s31+$0x2A40]  }
0x15d: {  	v19 =	vld [tilespmem:s31+$0x2A50]  }
0x15e: {  	v23 =	vld [tilespmem:s31+$0x2A30]  }
0x15f: {  	v25 =	vld [tilespmem:s31+$0x2A10]  }
0x160: {  	v26 =	vld [tilespmem:s31+$0x2A00]  }
0x161: {  	v22 =	vld [tilespmem:s31+$0x2A20]  }
0x162: {  	v11 =	vld [tilespmem:s31+$0x29B0]  }
0x163: {  	v7 =	vld [tilespmem:s31+$0x2990]  }
0x164: {  	v4 =	vld [tilespmem:s31+$0x2880]  }
0x165: {  	v8 =	vld [tilespmem:s31+$0x2890]  }
0x166: {  	v5 =	vld [tilespmem:s31+$0x28A0];
	v6 =	vmul.f32 v25, v25;
	v10 =	vmul.f32 v26, v26  }
0x167: {  	v9 =	vld [tilespmem:s31+$0x2980]  }
0x168: {  	v18 =	vld [tilespmem:s31+$0x29A0];
	v12 =	vmul.f32 v22, v22;
	v10 =	vadd.f32 v6, v10  }
0x169: {  	v13 =	vmul.f32 v23, v23;
	v6 =	vld [tilespmem:s31+$0x28B0]  }
0x16a: {  	v33 =	vld [tilespmem:s31+$0x2A60];
	v14 =	vmul.f32 v4, v4;
	v15 =	vmul.f32 v8, v8;
	v12 =	vadd.f32 v12, v10  }
0x16b: {  	v16 =	vmul.f32 v20, v20;
	v17 =	vmul.f32 v7, v7;
	v10 =	vld [tilespmem:s31+$0x28C0]  }
0x16c: {  	v34 =	vld [tilespmem:s31+$0x2A70];
	v21 =	vmul.f32 v5, v5;
	v14 =	vadd.f32 v15, v14;
	v13 =	vadd.f32 v13, v12  }
0x16d: {  	v24 =	vmul.f32 v9, v9;
	v15 =	vmul.f32 v19, v19;
	v12 =	vld [tilespmem:s31+$0x28D0]  }
0x16e: {  	v14 =	vadd.f32 v21, v14;
	v29 =	vmul.f32 v6, v6;
	v13 =	vadd.f32 v16, v13;
	v16 =	vld [tilespmem:s31+$0x29C0]  }
0x16f: {  	v28 =	vld [tilespmem:s31+$0x28E0];
	v27 =	vmul.f32 v18, v18;
	v30 =	vmul.f32 v33, v33;
	v17 =	vadd.f32 v17, v24  }
0x170: {  	v32 =	vld [tilespmem:s31+$0x29D0];
	v24 =	vmul.f32 v10, v10;
	v14 =	vadd.f32 v29, v14;
	v13 =	vadd.f32 v15, v13  }
0x171: {  	v21 =	vld [tilespmem:s31+$0x28F0];
	v17 =	vadd.f32 v27, v17;
	v27 =	vmul.f32 v34, v34;
	v15 =	vmul.f32 v11, v11  }
0x172: {  	v29 =	vld [tilespmem:s31+$0x29E0];
	v14 =	vadd.f32 v24, v14;
	v13 =	vadd.f32 v30, v13;
	v30 =	vmul.f32 v12, v12  }
0x173: {  	v15 =	vadd.f32 v15, v17;
	v24 =	vmul.f32 v16, v16  }
0x174: {  	v31 =	vld [tilespmem:s31+$0x29F0];
	v17 =	vmul.f32 v28, v28;
	v13 =	vadd.f32 v27, v13;
	v14 =	vadd.f32 v30, v14  }
0x175: {  	v27 =	vmul.f32 v32, v32;
	v15 =	vadd.f32 v24, v15  }
0x176: {  	v30 =	vmul.f32 v21, v21;
	v24 =	vperm.xlane v13, v0;
	v14 =	vadd.f32 v17, v14  }
0x177: {  	v45 =	vmul.f32 v29, v29;
	v17 =	vld [tilespmem:s31+$0x2910];
	v27 =	vadd.f32 v27, v15  }
0x178: {  	v15 =	vld [tilespmem:s31+$0x2900];
	v24 =	vadd.f32 v13, v24;
	v30 =	vadd.f32 v30, v14  }
0x179: {  	v13 =	vadd.f32 v45, v27;
	v27 =	vmul.f32 v31, v31  }
0x17a: {  	v14 =	vld [tilespmem:s31+$0x2920];
	v46 =	vperm.xlane v24, v1;
	v47 =	vperm.xlane v30, v0  }
0x17b: {  	v48 =	vadd.f32 v27, v13  }
0x17c: {  	v13 =	vld [tilespmem:s31+$0x2930];
	v49 =	vmul.f32 v17, v17;
	v35 =	vadd.f32 v24, v46;
	v30 =	vadd.f32 v30, v47  }
0x17d: {  	v27 =	vmul.f32 v15, v15;
	v50 =	vperm.xlane v48, v0  }
0x17e: {  	v24 =	vld [tilespmem:s31+$0x2940];
	v51 =	vperm.xlane v35, v2;
	v52 =	vperm.xlane v30, v1  }
0x17f: {  	v53 =	vmul.f32 v14, v14;
	v36 =	vadd.f32 v49, v27;
	v37 =	vadd.f32 v48, v50  }
0x180: {  	v27 =	vld [tilespmem:s31+$0x2950];
	v35 =	vadd.f32 v35, v51;
	v30 =	vadd.f32 v30, v52  }
0x181: {  	v36 =	vadd.f32 v53, v36;
	v54 =	vmul.f32 v13, v13;
	v55 =	vperm.xlane v37, v1  }
0x182: {  	v56 =	vperm.xlane v35, v3;
	v57 =	vperm.xlane v30, v2  }
0x183: {  	v58 =	vmul.f32 v24, v24;
	v38 =	vadd.f32 v54, v36;
	v39 =	vadd.f32 v37, v55  }
0x184: {  	v35 =	vadd.f32 v35, v56;
	v36 =	vadd.f32 v30, v57;
	v30 =	vld [tilespmem:s31+$0x2960]  }
0x185: {  	v60 =	vmul.f32 v27, v27;
	v59 =	vadd.f32 v58, v38  }
0x186: {  	v61 =	vperm.xlane v39, v2;
	v62 =	vshra.s32 v35, $0x1;
	v63 =	vmul.f32 $5.000000000e-01, v35;
	v35 =	vld [tilespmem:s31+$0x2970]  }
0x187: {  	v37 =	vperm.xlane v36, v3;
	v38 =	vsub.s32 $0x5F3759DF, v62  }
0x188: {  	s0 =	simm.s32 $0x800;
	v40 =	vadd.f32 v60, v59;
	v39 =	vadd.f32 v39, v61;
	v41 =	vmul.f32 v38, v63  }
.LBB2_6:
0x189: {  	p0 =	sne.s32 s0, $0x4800;
	v42 =	vmul.f32 v30, v30;
	s2 =	smov.u32 s0;
	s0 =	sadd.s32 $0x800, s0  }
0x18a: {  	v43 =	vperm.xlane v39, v3;
	v41 =	vmul.f32 v38, v41  }
0x18b: {  	v40 =	vadd.f32 v42, v40;
	v42 =	vmul.f32 v35, v35  }
0x18c: {  	v39 =	vadd.f32 v39, v43;
	v41 =	vsub.f32 $1.500000000e+00, v41  }
0x18d: {  	v40 =	vadd.f32 v42, v40  }
0x18e: {  	v42 =	vshra.s32 v39, $0x1;
	v39 =	vmul.f32 $5.000000000e-01, v39;
	v38 =	vmul.f32 v38, v41  }
0x18f: {  	v41 =	vperm.xlane v40, v0;
	v42 =	vsub.s32 $0x5F3759DF, v42  }
0x190: {  	v39 =	vmul.f32 v42, v39;
	v20 =	vmul.f32 v38, v20  }
0x191: {  	v23 =	vmul.f32 v38, v23;
	v19 =	vmul.f32 v38, v19;
	v40 =	vadd.f32 v40, v41  }
0x192: {  	v36 =	vadd.f32 v36, v37;
	v25 =	vmul.f32 v38, v25;
	v22 =	vmul.f32 v38, v22;
	[tilespmem:s31+$0x2A40] =	vst v20  }
0x193: {  	v26 =	vmul.f32 v38, v26;
	v20 =	vmul.f32 v42, v39;
	[tilespmem:s31+$0x2A50] =	vst v19  }
0x194: {  	v19 =	vshra.s32 v36, $0x1;
	v36 =	vmul.f32 $5.000000000e-01, v36;
	[tilespmem:s31+$0x2A30] =	vst v23;
	v23 =	vmul.f32 v38, v33  }
0x195: {  	v33 =	vsub.s32 $0x5F3759DF, v19;
	v19 =	vperm.xlane v40, v1;
	v20 =	vsub.f32 $1.500000000e+00, v20;
	[tilespmem:s31+$0x2A20] =	vst v22  }
0x196: {  	v22 =	vmul.f32 v33, v36;
	[tilespmem:s31+$0x2A10] =	vst v25;
	v25 =	vmul.f32 v38, v34  }
0x197: {  	v34 =	vadd.f32 v40, v19;
	v36 =	vmul.f32 v42, v20;
	[tilespmem:s31+$0x2A00] =	vst v26  }
0x198: {  	s2 =	sshra.s32 s2, $0x2;
	v22 =	vmul.f32 v33, v22;
	[tilespmem:s31+$0x2A60] =	vst v23  }
0x199: {  	v11 =	vmul.f32 v36, v11;
	v16 =	vmul.f32 v36, v16;
	v20 =	vld [tilespmem:s2+$0x2A40];
	[tilespmem:s31+$0x2A70] =	vst v25  }
0x19a: {  	v26 =	vperm.xlane v34, v2;
	v7 =	vmul.f32 v36, v7;
	v25 =	vsub.f32 $1.500000000e+00, v22;
	v19 =	vld [tilespmem:s2+$0x2A50]  }
0x19b: {  	v18 =	vmul.f32 v36, v18;
	v32 =	vmul.f32 v36, v32;
	v23 =	vld [tilespmem:s2+$0x2A30];
	[tilespmem:s31+$0x29B0] =	vst v11  }
0x19c: {  	v29 =	vmul.f32 v36, v29;
	v33 =	vmul.f32 v33, v25;
	v22 =	vld [tilespmem:s2+$0x2A20];
	[tilespmem:s31+$0x2990] =	vst v7  }
0x19d: {  	v31 =	vmul.f32 v36, v31;
	v11 =	vld [tilespmem:s2+$0x29B0];
	[tilespmem:s31+$0x29A0] =	vst v18  }
0x19e: {  	v9 =	vmul.f32 v36, v9;
	v5 =	vmul.f32 v33, v5;
	v18 =	vadd.f32 v34, v26;
	v7 =	vld [tilespmem:s2+$0x2990];
	[tilespmem:s31+$0x29C0] =	vst v16  }
0x19f: {  	v8 =	vmul.f32 v33, v8;
	v28 =	vmul.f32 v33, v28;
	v16 =	vld [tilespmem:s2+$0x29C0];
	[tilespmem:s31+$0x29D0] =	vst v32  }
0x1a0: {  	v12 =	vmul.f32 v33, v12;
	v32 =	vperm.xlane v18, v3;
	v25 =	vld [tilespmem:s2+$0x2A10];
	[tilespmem:s31+$0x28A0] =	vst v5  }
0x1a1: {  	v4 =	vmul.f32 v33, v4;
	v6 =	vmul.f32 v33, v6;
	v5 =	vld [tilespmem:s2+$0x28A0];
	[tilespmem:s31+$0x2980] =	vst v9  }
0x1a2: {  	v10 =	vmul.f32 v33, v10;
	v21 =	vmul.f32 v33, v21;
	v18 =	vadd.f32 v18, v32;
	v26 =	vld [tilespmem:s2+$0x2A00];
	[tilespmem:s31+$0x28D0] =	vst v12  }
0x1a3: {  	v9 =	vld [tilespmem:s2+$0x2980];
	[tilespmem:s31+$0x2880] =	vst v4  }
0x1a4: {  	v4 =	vshra.s32 v18, $0x1;
	v12 =	vld [tilespmem:s2+$0x28D0];
	[tilespmem:s31+$0x28E0] =	vst v28;
	v28 =	vmul.f32 $5.000000000e-01, v18  }
0x1a5: {  	v36 =	vsub.s32 $0x5F3759DF, v4;
	v18 =	vld [tilespmem:s2+$0x29A0];
	v32 =	vmul.f32 v25, v25;
	[tilespmem:s31+$0x2890] =	vst v8  }
0x1a6: {  	v38 =	vmul.f32 v11, v11;
	v37 =	vmul.f32 v7, v7;
	v4 =	vld [tilespmem:s2+$0x2880];
	[tilespmem:s31+$0x28B0] =	vst v6  }
0x1a7: {  	v28 =	vmul.f32 v36, v28;
	v8 =	vld [tilespmem:s2+$0x2890];
	v33 =	vmul.f32 v26, v26;
	[tilespmem:s31+$0x28C0] =	vst v10  }
0x1a8: {  	v40 =	vmul.f32 v19, v19;
	v39 =	vmul.f32 v16, v16;
	v6 =	vld [tilespmem:s2+$0x28B0];
	[tilespmem:s31+$0x28F0] =	vst v21  }
0x1a9: {  	v41 =	vmul.f32 v20, v20;
	v10 =	vld [tilespmem:s2+$0x28C0];
	v21 =	vadd.f32 v32, v33;
	v32 =	vmul.f32 v22, v22;
	[tilespmem:s31+$0x29E0] =	vst v29  }
0x1aa: {  	v28 =	vmul.f32 v36, v28;
	v29 =	vmul.f32 v5, v5;
	v33 =	vld [tilespmem:s2+$0x2A60];
	[tilespmem:s31+$0x29F0] =	vst v31  }
0x1ab: {  	v31 =	vmul.f32 v4, v4;
	v21 =	vadd.f32 v32, v21;
	v32 =	vmul.f32 v23, v23  }
0x1ac: {  	v43 =	vmul.f32 v18, v18;
	v28 =	vsub.f32 $1.500000000e+00, v28;
	v42 =	vmul.f32 v8, v8  }
0x1ad: {  	v45 =	vmul.f32 v12, v12;
	v44 =	vmul.f32 v6, v6;
	v34 =	vld [tilespmem:s2+$0x2A70];
	v32 =	vadd.f32 v32, v21  }
0x1ae: {  	v36 =	vmul.f32 v36, v28;
	v21 =	vld [tilespmem:s2+$0x28F0];
	v31 =	vadd.f32 v42, v31;
	v42 =	vmul.f32 v9, v9  }
0x1af: {  	v46 =	vmul.f32 v10, v10;
	v41 =	vadd.f32 v41, v32;
	v47 =	vmul.f32 v33, v33  }
0x1b0: {  	v17 =	vmul.f32 v36, v17;
	v29 =	vadd.f32 v29, v31;
	v32 =	vld [tilespmem:s2+$0x29D0];
	v31 =	vadd.f32 v37, v42  }
0x1b1: {  	v15 =	vmul.f32 v36, v15;
	v35 =	vmul.f32 v36, v35;
	v28 =	vld [tilespmem:s2+$0x28E0];
	v37 =	vadd.f32 v40, v41  }
0x1b2: {  	v40 =	vadd.f32 v44, v29;
	v31 =	vadd.f32 v43, v31;
	[tilespmem:s31+$0x2910] =	vst v17;
	v17 =	vmul.f32 v36, v30  }
0x1b3: {  	v27 =	vmul.f32 v36, v27;
	v29 =	vld [tilespmem:s2+$0x29E0];
	v30 =	vadd.f32 v47, v37;
	v37 =	vmul.f32 v34, v34;
	[tilespmem:s31+$0x2970] =	vst v35  }
0x1b4: {  	v24 =	vmul.f32 v36, v24;
	v35 =	vadd.f32 v46, v40;
	v38 =	vadd.f32 v38, v31;
	[tilespmem:s31+$0x2960] =	vst v17  }
0x1b5: {  	v14 =	vmul.f32 v36, v14;
	v31 =	vld [tilespmem:s2+$0x29F0];
	v40 =	vmul.f32 v32, v32;
	v30 =	vadd.f32 v37, v30;
	[tilespmem:s31+$0x2950] =	vst v27  }
0x1b6: {  	v17 =	vadd.f32 v45, v35;
	v27 =	vmul.f32 v28, v28;
	v35 =	vadd.f32 v39, v38;
	[tilespmem:s31+$0x2940] =	vst v24  }
0x1b7: {  	v24 =	vmul.f32 v21, v21;
	v37 =	vperm.xlane v30, v0  }
0x1b8: {  	v27 =	vadd.f32 v27, v17;
	v17 =	vld [tilespmem:s2+$0x2910];
	v35 =	vadd.f32 v40, v35;
	v38 =	vmul.f32 v29, v29;
	[tilespmem:s31+$0x2900] =	vst v15  }
0x1b9: {  	v13 =	vmul.f32 v36, v13;
	v15 =	vld [tilespmem:s2+$0x2900];
	v30 =	vadd.f32 v30, v37;
	[tilespmem:s31+$0x2920] =	vst v14  }
0x1ba: {  	v24 =	vadd.f32 v24, v27;
	v27 =	vadd.f32 v38, v35;
	v35 =	vmul.f32 v31, v31  }
0x1bb: {  	v14 =	vld [tilespmem:s2+$0x2920];
	v36 =	vperm.xlane v30, v1;
	[tilespmem:s31+$0x2930] =	vst v13;
	s31 =	smov.u32 s2  }
0x1bc: {  	v37 =	vperm.xlane v24, v0;
	v35 =	vadd.f32 v35, v27  }
0x1bd: {  	v13 =	vld [tilespmem:s31+$0x2930];
	v30 =	vadd.f32 v30, v36  }
0x1be: {  	v36 =	vadd.f32 v24, v37;
	v27 =	vmul.f32 v15, v15;
	v37 =	vmul.f32 v17, v17  }
0x1bf: {  	v38 =	vperm.xlane v35, v0;
	v24 =	vld [tilespmem:s31+$0x2940];
	v39 =	vperm.xlane v30, v2  }
0x1c0: {  	v40 =	vperm.xlane v36, v1;
	v37 =	vadd.f32 v37, v27;
	v41 =	vmul.f32 v14, v14  }
0x1c1: {  	v35 =	vadd.f32 v35, v38;
	v27 =	vld [tilespmem:s31+$0x2950];
	v38 =	vadd.f32 v30, v39  }
0x1c2: {  	v36 =	vadd.f32 v36, v40;
	v37 =	vadd.f32 v41, v37;
	v39 =	vmul.f32 v13, v13  }
0x1c3: {  	v40 =	vperm.xlane v35, v1;
	v30 =	vld [tilespmem:s31+$0x2960];
	v41 =	vperm.xlane v38, v3  }
0x1c4: {  	v42 =	vperm.xlane v36, v2;
	v37 =	vadd.f32 v39, v37;
	v39 =	vmul.f32 v24, v24  }
.Ltmp2:
0x1c5: {  	v43 =	vadd.f32 v35, v40;
	v38 =	vadd.f32 v38, v41;
	(pc) =	sbr.rel @p0 .LBB2_6-.Ltmp2, $4  }
0x1c6: {  	v36 =	vadd.f32 v36, v42;
	v39 =	vadd.f32 v39, v37;
	v40 =	vmul.f32 v27, v27  }
0x1c7: {  	v41 =	vperm.xlane v43, v2;
	v35 =	vld [tilespmem:s31+$0x2970];
	v42 =	vshra.s32 v38, $0x1;
	v44 =	vmul.f32 $5.000000000e-01, v38  }
0x1c8: {  	v37 =	vperm.xlane v36, v3;
	v40 =	vadd.f32 v40, v39;
	v38 =	vsub.s32 $0x5F3759DF, v42  }
0x1c9: {  	v39 =	vadd.f32 v43, v41;
	v41 =	vmul.f32 v38, v44  }
0x1ca: {  	v42 =	vmul.f32 v30, v30  }
0x1cb: {  	v43 =	vperm.xlane v39, v3  }
0x1cc: {  	v41 =	vmul.f32 v38, v41;
	v40 =	vadd.f32 v42, v40;
	v61 =	vmul.f32 v35, v35  }
0x1cd: {  	v39 =	vadd.f32 v39, v43  }
0x1ce: {  	v41 =	vsub.f32 $1.500000000e+00, v41;
	v40 =	vadd.f32 v61, v40  }
0x1cf: {  	v62 =	vshra.s32 v39, $0x1;
	v39 =	vmul.f32 $5.000000000e-01, v39  }
0x1d0: {  	v63 =	vmul.f32 v38, v41;
	v45 =	vperm.xlane v40, v0  }
0x1d1: {  	v42 =	vsub.s32 $0x5F3759DF, v62  }
0x1d2: {  	v39 =	vmul.f32 v42, v39;
	v20 =	vmul.f32 v63, v20;
	v40 =	vadd.f32 v40, v45  }
0x1d3: {  	v36 =	vadd.f32 v36, v37;
	v23 =	vmul.f32 v63, v23;
	v19 =	vmul.f32 v63, v19  }
0x1d4: {  	[tilespmem:s31+$0x2A40] =	vst v20;
	v46 =	vmul.f32 v42, v39;
	v47 =	vperm.xlane v40, v1  }
0x1d5: {  	v48 =	vshra.s32 v36, $0x1;
	v36 =	vmul.f32 $5.000000000e-01, v36;
	v22 =	vmul.f32 v63, v22;
	[tilespmem:s31+$0x2A50] =	vst v19  }
0x1d6: {  	v25 =	vmul.f32 v63, v25;
	[tilespmem:s31+$0x2A30] =	vst v23;
	v20 =	vsub.f32 $1.500000000e+00, v46;
	v49 =	vadd.f32 v40, v47  }
0x1d7: {  	v26 =	vmul.f32 v63, v26;
	v33 =	vmul.f32 v63, v33;
	[tilespmem:s31+$0x2A20] =	vst v22  }
0x1d8: {  	v19 =	vsub.s32 $0x5F3759DF, v48;
	[tilespmem:s31+$0x2A10] =	vst v25;
	v20 =	vmul.f32 v42, v20;
	v51 =	vperm.xlane v49, v2  }
0x1d9: {  	v34 =	vmul.f32 v63, v34;
	[tilespmem:s31+$0x2A00] =	vst v26;
	v50 =	vmul.f32 v19, v36  }
0x1da: {  	[tilespmem:s31+$0x2A60] =	vst v33;
	v11 =	vmul.f32 v20, v11;
	v23 =	vadd.f32 v49, v51  }
0x1db: {  	[tilespmem:s31+$0x2A70] =	vst v34;
	v22 =	vmul.f32 v19, v50;
	v7 =	vmul.f32 v20, v7  }
0x1dc: {  	v18 =	vmul.f32 v20, v18;
	[tilespmem:s31+$0x29B0] =	vst v11;
	v52 =	vperm.xlane v23, v3  }
0x1dd: {  	v22 =	vsub.f32 $1.500000000e+00, v22;
	v16 =	vmul.f32 v20, v16;
	[tilespmem:s31+$0x2990] =	vst v7  }
0x1de: {  	v53 =	vmul.f32 v20, v32;
	[tilespmem:s31+$0x29A0] =	vst v18;
	v11 =	vadd.f32 v23, v52  }
0x1df: {  	v9 =	vmul.f32 v20, v9;
	v19 =	vmul.f32 v19, v22;
	[tilespmem:s31+$0x29C0] =	vst v16  }
0x1e0: {  	v58 =	vmul.f32 v20, v29;
	[tilespmem:s31+$0x29D0] =	vst v53;
	v54 =	vshra.s32 v11, $0x1;
	v11 =	vmul.f32 $5.000000000e-01, v11  }
0x1e1: {  	[tilespmem:s31+$0x2980] =	vst v9;
	v5 =	vmul.f32 v19, v5;
	v7 =	vsub.s32 $0x5F3759DF, v54  }
0x1e2: {  	[tilespmem:s31+$0x29E0] =	vst v58;
	v4 =	vmul.f32 v19, v4;
	v55 =	vmul.f32 v7, v11  }
0x1e3: {  	v59 =	vmul.f32 v20, v31;
	[tilespmem:s31+$0x28A0] =	vst v5  }
0x1e4: {  	v5 =	vmul.f32 v19, v12;
	[tilespmem:s31+$0x2880] =	vst v4;
	v4 =	vmul.f32 v7, v55  }
0x1e5: {  	[tilespmem:s31+$0x29F0] =	vst v59;
	v56 =	vmul.f32 v19, v28  }
0x1e6: {  	[tilespmem:s31+$0x28D0] =	vst v5;
	v5 =	vmul.f32 v19, v8;
	v4 =	vsub.f32 $1.500000000e+00, v4  }
0x1e7: {  	v6 =	vmul.f32 v19, v6;
	[tilespmem:s31+$0x28E0] =	vst v56  }
0x1e8: {  	[tilespmem:s31+$0x2890] =	vst v5;
	v5 =	vmul.f32 v19, v21;
	v4 =	vmul.f32 v7, v4  }
0x1e9: {  	v57 =	vmul.f32 v19, v10;
	[tilespmem:s31+$0x28B0] =	vst v6  }
0x1ea: {  	[tilespmem:s31+$0x28F0] =	vst v5;
	v5 =	vmul.f32 v4, v17  }
0x1eb: {  	[tilespmem:s31+$0x28C0] =	vst v57;
	v60 =	vmul.f32 v4, v35  }
0x1ec: {  	v61 =	vmul.f32 v4, v27;
	[tilespmem:s31+$0x2910] =	vst v5  }
0x1ed: {  	v62 =	vmul.f32 v4, v24;
	[tilespmem:s31+$0x2970] =	vst v60  }
0x1ee: {  	v5 =	vmul.f32 v4, v30;
	[tilespmem:s31+$0x2950] =	vst v61  }
0x1ef: {  	v63 =	vmul.f32 v4, v14;
	[tilespmem:s31+$0x2940] =	vst v62  }
0x1f0: {  	[tilespmem:s31+$0x2960] =	vst v5;
	v5 =	vmul.f32 v4, v15  }
0x1f1: {  	[tilespmem:s31+$0x2920] =	vst v63;
	v4 =	vmul.f32 v4, v13  }
0x1f2: {  	[tilespmem:s31+$0x2900] =	vst v5  }
0x1f3: {  	s0 =	simm.s32 $0x0;
	[tilespmem:s31+$0x2930] =	vst v4  }
0x1f4: {  	[hbm4b:s5+s0] =	stream.linear.scatter [tilespmem:s18], [sflag:$0x7], $0x1400, $0x38;
	[tilespmem:$0x4080] =	vst v63  }
0x1f5: {  	_ =	swait.ge [sflag:s25], $0x400  }
0x1f6: {  	[sflag:s25] =	ssyncset.done $0x0  }
0x1f7: {  	p0 =	por $0x1, $0x1;
	[sflag:s25] =	ssyncadd.s32 $0xFFFFFC00  }
.LBB2_8:
0x1f8: {  	s0 =	sshra.s32 s0, $0x2  }
0x1f9: {  	v29 =	vld [tilespmem:s0+$0x3C80]  }
0x1fa: {  	v30 =	vld [tilespmem:s0+$0x3C90];
	_ =	sdelay $0x1  }
0x1fb: {  	v27 =	vld [tilespmem:s0+$0x3CA0];
	_ =	sdelay $0x1  }
0x1fc: {  	v23 =	vld [tilespmem:s0+$0x3CB0]  }
0x1fd: {  	v4 =	vmul.f32 v29, v29;
	v5 =	vmul.f32 v30, v30  }
0x1fe: {  	v20 =	vld [tilespmem:s0+$0x3CC0]  }
0x1ff: {  	v21 =	vld [tilespmem:s0+$0x3CD0];
	v4 =	vadd.f32 v5, v4;
	v5 =	vmul.f32 v27, v27  }
0x200: {  	v6 =	vld [tilespmem:s0+$0x3D00]  }
0x201: {  	v7 =	vld [tilespmem:s0+$0x3D10];
	v4 =	vadd.f32 v5, v4;
	v5 =	vmul.f32 v23, v23  }
0x202: {  	v28 =	vld [tilespmem:s0+$0x3CE0]  }
0x203: {  	v13 =	vld [tilespmem:s0+$0x3D20];
	v4 =	vadd.f32 v5, v4;
	v5 =	vmul.f32 v20, v20  }
0x204: {  	v24 =	vld [tilespmem:s0+$0x3CF0]  }
0x205: {  	v9 =	vld [tilespmem:s0+$0x3D30];
	v4 =	vadd.f32 v5, v4;
	v5 =	vmul.f32 v21, v21  }
0x206: {  	v8 =	vmul.f32 v6, v6;
	v11 =	vmul.f32 v7, v7  }
0x207: {  	v14 =	vld [tilespmem:s0+$0x3D40];
	v4 =	vadd.f32 v5, v4;
	v5 =	vmul.f32 v28, v28  }
0x208: {  	v10 =	vld [tilespmem:s0+$0x3D50];
	v40 =	vmul.f32 v13, v13;
	v8 =	vadd.f32 v11, v8  }
0x209: {  	v12 =	vadd.f32 v5, v4;
	v4 =	vld [tilespmem:s0+$0x3D80]  }
0x20a: {  	v15 =	vmul.f32 v24, v24;
	v41 =	vmul.f32 v9, v9;
	v8 =	vadd.f32 v40, v8;
	v5 =	vld [tilespmem:s0+$0x3D90]  }
0x20b: {  	v22 =	vld [tilespmem:s0+$0x3D60]  }
0x20c: {  	v42 =	vmul.f32 v14, v14;
	v11 =	vadd.f32 v41, v8;
	v8 =	vld [tilespmem:s0+$0x3DA0];
	v12 =	vadd.f32 v15, v12  }
0x20d: {  	v19 =	vld [tilespmem:s0+$0x3D70]  }
0x20e: {  	v17 =	vmul.f32 v10, v10;
	v15 =	vadd.f32 v42, v11;
	v11 =	vld [tilespmem:s0+$0x3DB0];
	v16 =	vperm.xlane v12, v0  }
0x20f: {  	v35 =	vld [tilespmem:s0+$0x3DF0];
	v18 =	vmul.f32 v4, v4;
	v25 =	vmul.f32 v5, v5  }
0x210: {  	v44 =	vmul.f32 v22, v22;
	v43 =	vadd.f32 v17, v15;
	v17 =	vld [tilespmem:s0+$0x3DC0]  }
0x211: {  	v45 =	vmul.f32 v8, v8;
	v15 =	vld [tilespmem:s0+$0x3DD0];
	v26 =	vadd.f32 v12, v16;
	v18 =	vadd.f32 v25, v18  }
0x212: {  	v33 =	vmul.f32 v19, v19;
	v32 =	vadd.f32 v44, v43;
	v12 =	vld [tilespmem:s0+$0x3E00]  }
0x213: {  	v16 =	vld [tilespmem:s0+$0x3E10];
	v34 =	vmul.f32 v11, v11;
	v31 =	vperm.xlane v26, v1;
	v18 =	vadd.f32 v45, v18  }
0x214: {  	v25 =	vld [tilespmem:s0+$0x3DE0];
	v32 =	vadd.f32 v33, v32  }
0x215: {  	v47 =	vmul.f32 v17, v17;
	v31 =	vadd.f32 v26, v31;
	v46 =	vadd.f32 v34, v18;
	v18 =	vld [tilespmem:s0+$0x3E20]  }
0x216: {  	v36 =	vperm.xlane v32, v0  }
0x217: {  	v37 =	vmul.f32 v15, v15;
	v26 =	vld [tilespmem:s0+$0x3E30];
	v48 =	vperm.xlane v31, v2;
	v33 =	vadd.f32 v47, v46  }
0x218: {  	v41 =	vld [tilespmem:s0+$0x3E50];
	v49 =	vmul.f32 v12, v12;
	v38 =	vmul.f32 v16, v16;
	v32 =	vadd.f32 v32, v36  }
0x219: {  	v52 =	vmul.f32 v35, v35;
	v31 =	vadd.f32 v31, v48;
	v33 =	vadd.f32 v37, v33;
	v37 =	vld [tilespmem:s0+$0x3E40]  }
0x21a: {  	v50 =	vmul.f32 v25, v25;
	v34 =	vadd.f32 v38, v49;
	v51 =	vmul.f32 v18, v18  }
0x21b: {  	v40 =	vperm.xlane v32, v1;
	v39 =	vperm.xlane v31, v3  }
0x21c: {  	v53 =	vmul.f32 v26, v26;
	v33 =	vadd.f32 v50, v33;
	v34 =	vadd.f32 v51, v34  }
0x21d: {  	v55 =	vmul.f32 v41, v41;
	v36 =	vld [tilespmem:s0+$0x3E60];
	v32 =	vadd.f32 v32, v40;
	v31 =	vadd.f32 v31, v39  }
0x21e: {  	v33 =	vadd.f32 v52, v33;
	v34 =	vadd.f32 v53, v34;
	v54 =	vmul.f32 v37, v37  }
0x21f: {  	v43 =	vld [tilespmem:s0+$0x3E70];
	v40 =	vperm.xlane v32, v2;
	v39 =	vshra.s32 v31, $0x1;
	v31 =	vmul.f32 $5.000000000e-01, v31  }
0x220: {  	v42 =	vperm.xlane v33, v0;
	v39 =	vsub.s32 $0x5F3759DF, v39;
	v34 =	vadd.f32 v54, v34  }
0x221: {  	v32 =	vadd.f32 v32, v40;
	v31 =	vmul.f32 v39, v31  }
0x222: {  	v56 =	vmul.f32 v36, v36;
	v33 =	vadd.f32 v33, v42;
	v34 =	vadd.f32 v55, v34  }
0x223: {  	v40 =	vperm.xlane v32, v3;
	v31 =	vmul.f32 v39, v31  }
0x224: {  	v57 =	vmul.f32 v43, v43;
	v42 =	vperm.xlane v33, v1;
	v34 =	vadd.f32 v56, v34  }
0x225: {  	v32 =	vadd.f32 v32, v40;
	v31 =	vsub.f32 $1.500000000e+00, v31  }
0x226: {  	v33 =	vadd.f32 v33, v42;
	v34 =	vadd.f32 v57, v34  }
0x227: {  	v58 =	vshra.s32 v32, $0x1;
	v32 =	vmul.f32 $5.000000000e-01, v32;
	v31 =	vmul.f32 v39, v31  }
0x228: {  	v38 =	vsub.s32 $0x5F3759DF, v58;
	v59 =	vperm.xlane v33, v2;
	v60 =	vperm.xlane v34, v0  }
0x229: {  	v32 =	vmul.f32 v38, v32;
	v29 =	vmul.f32 v31, v29  }
0x22a: {  	v30 =	vmul.f32 v31, v30;
	v33 =	vadd.f32 v33, v59;
	v34 =	vadd.f32 v34, v60  }
0x22b: {  	v32 =	vmul.f32 v38, v32;
	v27 =	vmul.f32 v31, v27  }
0x22c: {  	[tilespmem:s0+$0x3C80] =	vst v29;
	v61 =	vperm.xlane v33, v3;
	v62 =	vperm.xlane v34, v1  }
0x22d: {  	v23 =	vmul.f32 v31, v23;
	v20 =	vmul.f32 v31, v20;
	[tilespmem:s0+$0x3C90] =	vst v30;
	v32 =	vsub.f32 $1.500000000e+00, v32  }
0x22e: {  	v21 =	vmul.f32 v31, v21;
	[tilespmem:s0+$0x3CA0] =	vst v27;
	v63 =	vadd.f32 v33, v61;
	v34 =	vadd.f32 v34, v62  }
0x22f: {  	v39 =	vmul.f32 v31, v28;
	[tilespmem:s0+$0x3CB0] =	vst v23;
	v40 =	vmul.f32 v38, v32  }
0x230: {  	[tilespmem:s0+$0x3CC0] =	vst v20;
	v42 =	vshra.s32 v63, $0x1;
	v44 =	vmul.f32 $5.000000000e-01, v63;
	v45 =	vperm.xlane v34, v2  }
0x231: {  	v46 =	vmul.f32 v31, v24;
	[tilespmem:s0+$0x3CD0] =	vst v21;
	v20 =	vsub.s32 $0x5F3759DF, v42  }
0x232: {  	[tilespmem:s0+$0x3CE0] =	vst v39;
	v6 =	vmul.f32 v40, v6;
	v48 =	vmul.f32 v20, v44;
	v47 =	vadd.f32 v34, v45  }
0x233: {  	[tilespmem:s0+$0x3CF0] =	vst v46;
	v7 =	vmul.f32 v40, v7;
	v13 =	vmul.f32 v40, v13  }
0x234: {  	[tilespmem:s0+$0x3D00] =	vst v6;
	v49 =	vmul.f32 v20, v48;
	v50 =	vperm.xlane v47, v3  }
0x235: {  	v51 =	vmul.f32 v40, v9;
	[tilespmem:s0+$0x3D10] =	vst v7  }
0x236: {  	v53 =	vmul.f32 v40, v14;
	[tilespmem:s0+$0x3D20] =	vst v13;
	v6 =	vsub.f32 $1.500000000e+00, v49;
	v52 =	vadd.f32 v47, v50  }
0x237: {  	v54 =	vmul.f32 v40, v10;
	v55 =	vmul.f32 v40, v22;
	[tilespmem:s0+$0x3D30] =	vst v51  }
0x238: {  	[tilespmem:s0+$0x3D40] =	vst v53;
	v6 =	vmul.f32 v20, v6;
	v56 =	vshra.s32 v52, $0x1;
	v9 =	vmul.f32 $5.000000000e-01, v52  }
0x239: {  	v57 =	vmul.f32 v40, v19;
	[tilespmem:s0+$0x3D50] =	vst v54;
	v13 =	vsub.s32 $0x5F3759DF, v56  }
0x23a: {  	[tilespmem:s0+$0x3D60] =	vst v55;
	v4 =	vmul.f32 v6, v4;
	v9 =	vmul.f32 v13, v9  }
0x23b: {  	[tilespmem:s0+$0x3D70] =	vst v57;
	v5 =	vmul.f32 v6, v5  }
0x23c: {  	[tilespmem:s0+$0x3D80] =	vst v4;
	v4 =	vmul.f32 v6, v8;
	v58 =	vmul.f32 v13, v9  }
0x23d: {  	[tilespmem:s0+$0x3D90] =	vst v5;
	v5 =	vmul.f32 v6, v11  }
0x23e: {  	[tilespmem:s0+$0x3DA0] =	vst v4;
	v4 =	vmul.f32 v6, v17;
	v7 =	vsub.f32 $1.500000000e+00, v58  }
0x23f: {  	[tilespmem:s0+$0x3DB0] =	vst v5;
	v5 =	vmul.f32 v6, v15  }
0x240: {  	v59 =	vmul.f32 v6, v25;
	[tilespmem:s0+$0x3DC0] =	vst v4;
	v4 =	vmul.f32 v13, v7  }
0x241: {  	[tilespmem:s0+$0x3DD0] =	vst v5;
	v5 =	vmul.f32 v6, v35  }
0x242: {  	[tilespmem:s0+$0x3DE0] =	vst v59;
	v60 =	vmul.f32 v4, v12  }
0x243: {  	[tilespmem:s0+$0x3DF0] =	vst v5;
	v5 =	vmul.f32 v4, v16  }
0x244: {  	v61 =	vmul.f32 v4, v18;
	[tilespmem:s0+$0x3E00] =	vst v60  }
0x245: {  	v62 =	vmul.f32 v4, v37;
	[tilespmem:s0+$0x3E10] =	vst v5  }
0x246: {  	p1 =	por p0, p0;
	v5 =	vmul.f32 v4, v26;
	[tilespmem:s0+$0x3E20] =	vst v61  }
.Ltmp3:
0x247: {  	v63 =	vmul.f32 v4, v36;
	[tilespmem:s0+$0x3E40] =	vst v62;
	(pc) =	sbr.rel @p1 .LBB2_8-.Ltmp3, $4  }
0x248: {  	[tilespmem:s0+$0x3E30] =	vst v5;
	v5 =	vmul.f32 v4, v41  }
0x249: {  	[tilespmem:s0+$0x3E60] =	vst v63;
	v4 =	vmul.f32 v4, v43  }
0x24a: {  	[tilespmem:s0+$0x3E50] =	vst v5  }
0x24b: {  	p0 =	por $0x0, $0x0;
	[tilespmem:s0+$0x3E70] =	vst v4;
	s0 =	simm.s32 $0x800  }
0x24c: {  	[hbm4b:s9+s3] =	stream.linear.scatter [tilespmem:s21], [sflag:$0x8], $0x400, $0x38;
	[tilespmem:$0x4080] =	vst v63  }
0x24d: {  	_ =	swait.ge [sflag:s26], $0x1000  }
0x24e: {  	[sflag:s26] =	ssyncset.done $0x0  }
0x24f: {  	[sflag:s26] =	ssyncadd.s32 $0xFFFFF000  }
0x250: {  	_ =	swait.ge [sflag:s28], $0x1800  }
0x251: {  	[sflag:s28] =	ssyncset.done $0x0  }
0x252: {  	s30 =	sadd.s32 $0x1, s30;
	[sflag:s28] =	ssyncadd.s32 $0xFFFFE800  }
0x253: {  	p0 =	sne.s32 s30, s10;
	_ =	swait.ge [sflag:s29], $0x1400  }
.Ltmp4:
0x254: {  	[sflag:s29] =	ssyncset.done $0x0;
	(pc) =	sbr.rel @p0 .LBB2_1-.Ltmp4, $4  }
0x255: {  	[sflag:s29] =	ssyncadd.s32 $0xFFFFEC00  }
0x256: {  	_ =	swait.ge [sflag:s19], $0x400  }
0x257: {  	[sflag:s19] =	ssyncset.done $0x0  }
0x258: {  	[sflag:s19] =	ssyncadd.s32 $0xFFFFFC00  }
0x259: {  	_ =	sfence.sel $0x180000  }
0x25a: {  	[bflag:$0x0] =	sbarrier.arrive $0xFFFF  }
0x25b: {  	_ =	strace $0x90000047  }
0x25c: {  	s0 =	stileid.u32;
	[bflag:$0x2] =	sbarrier.arrive $0xFFFF  }
0x25d: {  	p0 =	sne.s32 s0, $0x0;
	s0 =	rddreg [dreg:$0x3]  }
0x25e: {  	s0 =	sadd.s32 @!p0 $0x100000, s0  }
0x25f: {  	[sflag:s0] =	ssyncadd.tile.s32 @!p0 $0x1;
	_ =	shalt  }
.Lfunc_end2:
_tile_overlayer_lowered:
.L_overlay_start_2:
0x260: {  	(tag) =	ssettag $0x2  }
0x261: {  	s0 =	rddreg [dreg:$0x0];
	s2 =	stileid.u32  }
0x262: {  	s1 =	rddreg [dreg:$0x1];
	p0 =	sne.s32 s2, $0x0  }
0x263: {  	s3 =	rddreg [dreg:$0x2];
	[bflag:$0x3] =	sbarrier.arrive $0xFFFF;
	s2 =	simm.s32 @!p0 $0x1C09  }
0x264: {  	[timem:s3], [sflag:s2] =	dma.local @!p0 [hbm:s0], s1  }
0x265: {  	s0 =	simm.s32 @!p0 $0x9  }
0x266: {  	_ =	swait.ge @!p0 [sflag:s0], s1  }
0x267: {  	s1 =	ssub.s32 @!p0 $0x0, s1;
	[sflag:s0] =	ssyncset.done @!p0 $0x0  }
0x268: {  	[sflag:s0] =	ssyncadd.s32 @!p0 s1  }
0x269: {  	[bflag:$0x3] =	sbarrier.arrive $0xFFFF  }
0x26a: {  	_ =	shalt  }

</sc_bundles>
